<compile_context>
chip_gen: v7x
topology: tpu7x:2x2x1
jax: 0.10.2.dev20260603
libtpu: 0.0.44.dev20260713+nightly
codegen_flags: <defaults>
</compile_context>

<pallas_src>
import functools

import jax
import jax.numpy as jnp
from jax import lax
from jax.experimental import pallas as pl
from jax.experimental.pallas import tpu as pltpu
from jax.experimental.pallas import tpu_sc as plsc

N, D, H, E = 32768, 768, 128, 64
BN = 4096
BNC = 8192
NC, NS, L = 2, 16, 16
NW = NC * NS
TPW = N // NW


def _logits_t_body(x_ref, w1_ref, b1_ref, w2_ref, b2_ref, out_ref):
    h = jnp.dot(x_ref[...], w1_ref[...], preferred_element_type=jnp.float32)
    h = jnp.maximum(h + b1_ref[...], 0.0)
    logits_t = lax.dot_general(w2_ref[...], h, (((0,), (1,)), ((), ())),
                               preferred_element_type=jnp.float32)
    out_ref[...] = logits_t + b2_ref[...]


def _logits_t(x, W1, b1, W2, b2):
    return pl.pallas_call(
        _logits_t_body,
        grid=(N // BN,),
        in_specs=[
            pl.BlockSpec((BN, D), lambda i: (i, 0)),
            pl.BlockSpec((D, H), lambda i: (0, 0)),
            pl.BlockSpec((1, H), lambda i: (0, 0)),
            pl.BlockSpec((H, E), lambda i: (0, 0)),
            pl.BlockSpec((E, 1), lambda i: (0, 0)),
        ],
        out_specs=pl.BlockSpec((E, BN), lambda i: (0, i)),
        out_shape=jax.ShapeDtypeStruct((E, N), jnp.float32),
    )(x, W1, b1.reshape(1, H), W2, b2.reshape(E, 1))


_SC_MESH = plsc.VectorSubcoreMesh(core_axis_name="c", subcore_axis_name="s")


@functools.partial(
    pl.kernel,
    mesh=_SC_MESH,
    out_type=jax.ShapeDtypeStruct((8, N), jnp.float32),
    scratch_types=[
        pltpu.VMEM((E, TPW), jnp.float32),
        pltpu.VMEM((5, TPW), jnp.float32),
    ],
)
def _sc_gate(logT, out8, buf, obuf):
    wid = lax.axis_index("s") * NC + lax.axis_index("c")
    base = wid * TPW
    pltpu.sync_copy(logT.at[:, pl.ds(base, TPW)], buf)

    def group(g, _):
        t0 = g * L
        m1 = buf[0, pl.ds(t0, L)]
        i1 = jnp.zeros((L,), jnp.float32)
        m2 = jnp.full((L,), -jnp.inf, jnp.float32)
        i2 = jnp.full((L,), float(E), jnp.float32)
        for e in range(1, E):
            v = buf[e, pl.ds(t0, L)]
            ef = jnp.full((L,), float(e), jnp.float32)
            gt1 = v > m1
            gt2 = v > m2
            m2, i2 = (jnp.where(gt1, m1, jnp.where(gt2, v, m2)),
                      jnp.where(gt1, i1, jnp.where(gt2, ef, i2)))
            m1, i1 = jnp.where(gt1, v, m1), jnp.where(gt1, ef, i1)
        m = jnp.maximum(m1, 0.0)
        e1 = jnp.exp(m1 - m)
        e2 = jnp.exp(m2 - m)
        zv = jnp.exp(0.0 - m)
        rden = 1.0 / (e1 + e2 + (E - 2) * zv)
        vals = (e1 * rden, e2 * rden, zv * rden, i1, i2)
        for k, val in enumerate(vals):
            obuf[k, pl.ds(t0, L)] = val
        return 0

    lax.fori_loop(0, TPW // L, group, 0)
    pltpu.sync_copy(obuf, out8.at[pl.ds(0, 5), pl.ds(base, TPW)])


def _expand_body(c_ref, out_ref):
    c = c_ref[...]

    def bcast(k):
        sk = (lax.broadcasted_iota(jnp.int32, (8, E), 0) == k)
        return lax.dot_general(c, sk.astype(jnp.float32),
                               (((0,), (0,)), ((), ())),
                               preferred_element_type=jnp.float32)

    bw1, bw2, bzv, bi1, bi2 = (bcast(k) for k in range(5))
    colf = lax.broadcasted_iota(jnp.int32, (BNC, E), 1).astype(jnp.float32)
    out_ref[...] = jnp.where(colf == bi1, bw1,
                             jnp.where(colf == bi2, bw2, bzv))


def _expand(c):
    return pl.pallas_call(
        _expand_body,
        grid=(N // BNC,),
        in_specs=[pl.BlockSpec((8, BNC), lambda i: (0, i))],
        out_specs=pl.BlockSpec((BNC, E), lambda i: (i, 0)),
        out_shape=jax.ShapeDtypeStruct((N, E), jnp.float32),
    )(c)


@jax.jit
def kernel(x, W1, b1, W2, b2):
    logT = _logits_t(x, W1, b1, W2, b2)
    return _expand(_sc_gate(logT))

# --- scband reference (transcript-rebuilt; emitter-appended) ---
"""Pipeline reference for scband-sparse-gating-network-77730318123232 (READ-ONLY COPY).

The authoritative reference and input builder live on the scoring server;
editing this copy changes nothing except your own understanding.
"""

import jax, jax.numpy as jnp
import numpy as np

N, D, H, E, K = 32768, 768, 128, 64, 2

def setup_inputs(seed: int = 0) -> dict:
    key = jax.random.key(seed)
    k1, k2, k3 = jax.random.split(key, 3)
    x = jax.random.normal(k1, (N, D), dtype=jnp.float32)
    W1 = jax.random.normal(k2, (D, H), dtype=jnp.float32) * (1.0 / np.sqrt(D))
    b1 = jnp.zeros((H,), dtype=jnp.float32)
    W2 = jax.random.normal(k3, (H, E), dtype=jnp.float32) * (1.0 / np.sqrt(H))
    b2 = jnp.zeros((E,), dtype=jnp.float32)
    return {"x": x, "W1": W1, "b1": b1, "W2": W2, "b2": b2}

def reference(x, W1, b1, W2, b2):
    h = jax.nn.relu(x @ W1 + b1)
    logits = h @ W2 + b2
    topk_values, topk_indices = jax.lax.top_k(logits, K)
    rows = jnp.arange(logits.shape[0])[:, None]
    mask = jnp.zeros_like(logits).at[rows, topk_indices].set(1.0)
    sparse_logits = logits * mask
    weights = jax.nn.softmax(sparse_logits, axis=-1)
    return weights

if __name__ == "__main__":
    import jax
    _d = setup_inputs()
    print(jax.jit(kernel)(*tuple(_d.values())))

</pallas_src>

<mosaic_0001>
#map = affine_map<(d0, d1) -> (0, 0)>
module attributes {stable_mosaic.version = 14 : i64} {
  func.func @_sc_gate(%arg0: i32, %arg1: i32, %arg2: memref<64x32768xf32, #tpu.memory_space<hbm>>, %arg3: memref<8x32768xf32, #tpu.memory_space<hbm>>, %arg4: memref<64x1024xf32, #tpu.memory_space<vmem>>, %arg5: memref<5x1024xf32, #tpu.memory_space<vmem>>) attributes {dimension_semantics = [#tpu.dimension_semantics<core_parallel>, #tpu.dimension_semantics<subcore_parallel>], iteration_bounds = array<i64: 2, 16>, scalar_prefetch = 0 : i64, scratch_operands = 2 : i64, tpu.core_type = #tpu.core_type<sc_vector_subcore>, window_params = [{transform_indices = #map}, {transform_indices = #map}]} {
    %mul3A = arith.constant 2 : i32
    %mul3A_0 = arith.muli %arg1, %mul3A : i32
    %add3A = arith.addi %mul3A_0, %arg0 : i32
    %mul3A_1 = arith.constant 1024 : i32
    %mul3A_2 = arith.muli %add3A, %mul3A_1 : i32
    "tpu.region"() ({
      %run_scoped3A = tpu.sem_alloc : memref<!tpu.dma_semaphore, #tpu.memory_space<semaphore_mem>>
      %dma_start3A = arith.constant 0 : i32
      %dma_start3A_9 = tpu.memref_slice %arg2[%dma_start3A, %mul3A_2] : memref<64x32768xf32, #tpu.memory_space<hbm>> -> memref<64x1024xf32, #tpu.memory_space<hbm>>
      %dma_start3A_10 = arith.constant 0 : i32
      %dma_start3A_11 = tpu.memref_slice %arg2[%dma_start3A_10, %mul3A_2] : memref<64x32768xf32, #tpu.memory_space<hbm>> -> memref<64x1024xf32, #tpu.memory_space<hbm>>
      tpu.enqueue_dma source(%dma_start3A_11 : memref<64x1024xf32, #tpu.memory_space<hbm>>) target(%arg4 : memref<64x1024xf32, #tpu.memory_space<vmem>>) target_semaphore(%run_scoped3A : memref<!tpu.dma_semaphore, #tpu.memory_space<semaphore_mem>>)
      %dma_wait3A = arith.constant 0 : i32
      %dma_wait3A_12 = tpu.memref_slice %arg2[%dma_wait3A, %mul3A_2] : memref<64x32768xf32, #tpu.memory_space<hbm>> -> memref<64x1024xf32, #tpu.memory_space<hbm>>
      %dma_wait3A_13 = arith.constant 0 : i32
      %dma_wait3A_14 = tpu.memref_slice %arg2[%dma_wait3A_13, %mul3A_2] : memref<64x32768xf32, #tpu.memory_space<hbm>> -> memref<64x1024xf32, #tpu.memory_space<hbm>>
      tpu.wait_dma2 semaphore(%run_scoped3A : memref<!tpu.dma_semaphore, #tpu.memory_space<semaphore_mem>>) src(%dma_wait3A_14 : memref<64x1024xf32, #tpu.memory_space<hbm>>) dst(%arg4 : memref<64x1024xf32, #tpu.memory_space<vmem>>)
      tpu.yield
    }) : () -> ()
    %scan3A = arith.constant 0 : i32
    %scan3A_3 = arith.constant 0 : i32
    %scan3A_4 = arith.constant 64 : i32
    %scan3A_5 = arith.addi %scan3A_3, %scan3A_4 : i32
    %scan3A_6 = arith.constant 1 : i32
    %scan3A_7 = scf.for %scan3A_9 = %scan3A_3 to %scan3A_5 step %scan3A_6 iter_args(%scan3A_10 = %scan3A) -> (i32)  : i32 {
      %mul3A_11 = arith.constant 16 : i32
      %mul3A_12 = arith.muli %scan3A_9, %mul3A_11 : i32
      %get3A = arith.constant 0 : i32
      %get3A_13 = arith.index_cast %get3A : i32 to index
      %get3A_14 = arith.index_cast %mul3A_12 : i32 to index
      %get3A_15 = tpu.vector_load %arg4[%get3A_13, %get3A_14] {strides = array<i32>} : memref<64x1024xf32, #tpu.memory_space<vmem>>, vector<1x16xf32>,
      %get3A_16 = vector.shape_cast %get3A_15 : vector<1x16xf32> to vector<16xf32>
      %broadcast_in_dim3A = arith.constant 0.000000e+00 : f32
      %broadcast_in_dim3A_17 = vector.broadcast %broadcast_in_dim3A : f32 to vector<16xf32>
      %broadcast_in_dim3A_18 = arith.constant 0xFF800000 : f32
      %broadcast_in_dim3A_19 = vector.broadcast %broadcast_in_dim3A_18 : f32 to vector<16xf32>
      %broadcast_in_dim3A_20 = arith.constant 6.400000e+01 : f32
      %broadcast_in_dim3A_21 = vector.broadcast %broadcast_in_dim3A_20 : f32 to vector<16xf32>
      %get3A_22 = arith.constant 1 : i32
      %get3A_23 = arith.index_cast %get3A_22 : i32 to index
      %get3A_24 = arith.index_cast %mul3A_12 : i32 to index
      %get3A_25 = tpu.vector_load %arg4[%get3A_23, %get3A_24] {strides = array<i32>} : memref<64x1024xf32, #tpu.memory_space<vmem>>, vector<1x16xf32>,
      %get3A_26 = vector.shape_cast %get3A_25 : vector<1x16xf32> to vector<16xf32>
      %broadcast_in_dim3A_27 = arith.constant 1.000000e+00 : f32
      %broadcast_in_dim3A_28 = vector.broadcast %broadcast_in_dim3A_27 : f32 to vector<16xf32>
      %gt3A = arith.cmpf ogt, %get3A_26, %get3A_16 : vector<16xf32>
      %gt3A_29 = arith.cmpf ogt, %get3A_26, %broadcast_in_dim3A_19 : vector<16xf32>
      %select_n3A = arith.select %gt3A_29, %get3A_26, %broadcast_in_dim3A_19 : vector<16xi1>, vector<16xf32>
      %select_n3A_30 = arith.select %gt3A, %get3A_16, %select_n3A : vector<16xi1>, vector<16xf32>
      %select_n3A_31 = arith.select %gt3A_29, %broadcast_in_dim3A_28, %broadcast_in_dim3A_21 : vector<16xi1>, vector<16xf32>
      %select_n3A_32 = arith.select %gt3A, %broadcast_in_dim3A_17, %select_n3A_31 : vector<16xi1>, vector<16xf32>
      %select_n3A_33 = arith.select %gt3A, %get3A_26, %get3A_16 : vector<16xi1>, vector<16xf32>
      %select_n3A_34 = arith.select %gt3A, %broadcast_in_dim3A_28, %broadcast_in_dim3A_17 : vector<16xi1>, vector<16xf32>
      %get3A_35 = arith.constant 2 : i32
      %get3A_36 = arith.index_cast %get3A_35 : i32 to index
      %get3A_37 = arith.index_cast %mul3A_12 : i32 to index
      %get3A_38 = tpu.vector_load %arg4[%get3A_36, %get3A_37] {strides = array<i32>} : memref<64x1024xf32, #tpu.memory_space<vmem>>, vector<1x16xf32>,
      %get3A_39 = vector.shape_cast %get3A_38 : vector<1x16xf32> to vector<16xf32>
      %broadcast_in_dim3A_40 = arith.constant 2.000000e+00 : f32
      %broadcast_in_dim3A_41 = vector.broadcast %broadcast_in_dim3A_40 : f32 to vector<16xf32>
      %gt3A_42 = arith.cmpf ogt, %get3A_39, %select_n3A_33 : vector<16xf32>
      %gt3A_43 = arith.cmpf ogt, %get3A_39, %select_n3A_30 : vector<16xf32>
      %select_n3A_44 = arith.select %gt3A_43, %get3A_39, %select_n3A_30 : vector<16xi1>, vector<16xf32>
      %select_n3A_45 = arith.select %gt3A_42, %select_n3A_33, %select_n3A_44 : vector<16xi1>, vector<16xf32>
      %select_n3A_46 = arith.select %gt3A_43, %broadcast_in_dim3A_41, %select_n3A_32 : vector<16xi1>, vector<16xf32>
      %select_n3A_47 = arith.select %gt3A_42, %select_n3A_34, %select_n3A_46 : vector<16xi1>, vector<16xf32>
      %select_n3A_48 = arith.select %gt3A_42, %get3A_39, %select_n3A_33 : vector<16xi1>, vector<16xf32>
      %select_n3A_49 = arith.select %gt3A_42, %broadcast_in_dim3A_41, %select_n3A_34 : vector<16xi1>, vector<16xf32>
      %get3A_50 = arith.constant 3 : i32
      %get3A_51 = arith.index_cast %get3A_50 : i32 to index
      %get3A_52 = arith.index_cast %mul3A_12 : i32 to index
      %get3A_53 = tpu.vector_load %arg4[%get3A_51, %get3A_52] {strides = array<i32>} : memref<64x1024xf32, #tpu.memory_space<vmem>>, vector<1x16xf32>,
      %get3A_54 = vector.shape_cast %get3A_53 : vector<1x16xf32> to vector<16xf32>
      %broadcast_in_dim3A_55 = arith.constant 3.000000e+00 : f32
      %broadcast_in_dim3A_56 = vector.broadcast %broadcast_in_dim3A_55 : f32 to vector<16xf32>
      %gt3A_57 = arith.cmpf ogt, %get3A_54, %select_n3A_48 : vector<16xf32>
      %gt3A_58 = arith.cmpf ogt, %get3A_54, %select_n3A_45 : vector<16xf32>
      %select_n3A_59 = arith.select %gt3A_58, %get3A_54, %select_n3A_45 : vector<16xi1>, vector<16xf32>
      %select_n3A_60 = arith.select %gt3A_57, %select_n3A_48, %select_n3A_59 : vector<16xi1>, vector<16xf32>
      %select_n3A_61 = arith.select %gt3A_58, %broadcast_in_dim3A_56, %select_n3A_47 : vector<16xi1>, vector<16xf32>
      %select_n3A_62 = arith.select %gt3A_57, %select_n3A_49, %select_n3A_61 : vector<16xi1>, vector<16xf32>
      %select_n3A_63 = arith.select %gt3A_57, %get3A_54, %select_n3A_48 : vector<16xi1>, vector<16xf32>
      %select_n3A_64 = arith.select %gt3A_57, %broadcast_in_dim3A_56, %select_n3A_49 : vector<16xi1>, vector<16xf32>
      %get3A_65 = arith.constant 4 : i32
      %get3A_66 = arith.index_cast %get3A_65 : i32 to index
      %get3A_67 = arith.index_cast %mul3A_12 : i32 to index
      %get3A_68 = tpu.vector_load %arg4[%get3A_66, %get3A_67] {strides = array<i32>} : memref<64x1024xf32, #tpu.memory_space<vmem>>, vector<1x16xf32>,
      %get3A_69 = vector.shape_cast %get3A_68 : vector<1x16xf32> to vector<16xf32>
      %broadcast_in_dim3A_70 = arith.constant 4.000000e+00 : f32
      %broadcast_in_dim3A_71 = vector.broadcast %broadcast_in_dim3A_70 : f32 to vector<16xf32>
      %gt3A_72 = arith.cmpf ogt, %get3A_69, %select_n3A_63 : vector<16xf32>
      %gt3A_73 = arith.cmpf ogt, %get3A_69, %select_n3A_60 : vector<16xf32>
      %select_n3A_74 = arith.select %gt3A_73, %get3A_69, %select_n3A_60 : vector<16xi1>, vector<16xf32>
      %select_n3A_75 = arith.select %gt3A_72, %select_n3A_63, %select_n3A_74 : vector<16xi1>, vector<16xf32>
      %select_n3A_76 = arith.select %gt3A_73, %broadcast_in_dim3A_71, %select_n3A_62 : vector<16xi1>, vector<16xf32>
      %select_n3A_77 = arith.select %gt3A_72, %select_n3A_64, %select_n3A_76 : vector<16xi1>, vector<16xf32>
      %select_n3A_78 = arith.select %gt3A_72, %get3A_69, %select_n3A_63 : vector<16xi1>, vector<16xf32>
      %select_n3A_79 = arith.select %gt3A_72, %broadcast_in_dim3A_71, %select_n3A_64 : vector<16xi1>, vector<16xf32>
      %get3A_80 = arith.constant 5 : i32
      %get3A_81 = arith.index_cast %get3A_80 : i32 to index
      %get3A_82 = arith.index_cast %mul3A_12 : i32 to index
      %get3A_83 = tpu.vector_load %arg4[%get3A_81, %get3A_82] {strides = array<i32>} : memref<64x1024xf32, #tpu.memory_space<vmem>>, vector<1x16xf32>,
      %get3A_84 = vector.shape_cast %get3A_83 : vector<1x16xf32> to vector<16xf32>
      %broadcast_in_dim3A_85 = arith.constant 5.000000e+00 : f32
      %broadcast_in_dim3A_86 = vector.broadcast %broadcast_in_dim3A_85 : f32 to vector<16xf32>
      %gt3A_87 = arith.cmpf ogt, %get3A_84, %select_n3A_78 : vector<16xf32>
      %gt3A_88 = arith.cmpf ogt, %get3A_84, %select_n3A_75 : vector<16xf32>
      %select_n3A_89 = arith.select %gt3A_88, %get3A_84, %select_n3A_75 : vector<16xi1>, vector<16xf32>
      %select_n3A_90 = arith.select %gt3A_87, %select_n3A_78, %select_n3A_89 : vector<16xi1>, vector<16xf32>
      %select_n3A_91 = arith.select %gt3A_88, %broadcast_in_dim3A_86, %select_n3A_77 : vector<16xi1>, vector<16xf32>
      %select_n3A_92 = arith.select %gt3A_87, %select_n3A_79, %select_n3A_91 : vector<16xi1>, vector<16xf32>
      %select_n3A_93 = arith.select %gt3A_87, %get3A_84, %select_n3A_78 : vector<16xi1>, vector<16xf32>
      %select_n3A_94 = arith.select %gt3A_87, %broadcast_in_dim3A_86, %select_n3A_79 : vector<16xi1>, vector<16xf32>
      %get3A_95 = arith.constant 6 : i32
      %get3A_96 = arith.index_cast %get3A_95 : i32 to index
      %get3A_97 = arith.index_cast %mul3A_12 : i32 to index
      %get3A_98 = tpu.vector_load %arg4[%get3A_96, %get3A_97] {strides = array<i32>} : memref<64x1024xf32, #tpu.memory_space<vmem>>, vector<1x16xf32>,
      %get3A_99 = vector.shape_cast %get3A_98 : vector<1x16xf32> to vector<16xf32>
      %broadcast_in_dim3A_100 = arith.constant 6.000000e+00 : f32
      %broadcast_in_dim3A_101 = vector.broadcast %broadcast_in_dim3A_100 : f32 to vector<16xf32>
      %gt3A_102 = arith.cmpf ogt, %get3A_99, %select_n3A_93 : vector<16xf32>
      %gt3A_103 = arith.cmpf ogt, %get3A_99, %select_n3A_90 : vector<16xf32>
      %select_n3A_104 = arith.select %gt3A_103, %get3A_99, %select_n3A_90 : vector<16xi1>, vector<16xf32>
      %select_n3A_105 = arith.select %gt3A_102, %select_n3A_93, %select_n3A_104 : vector<16xi1>, vector<16xf32>
      %select_n3A_106 = arith.select %gt3A_103, %broadcast_in_dim3A_101, %select_n3A_92 : vector<16xi1>, vector<16xf32>
      %select_n3A_107 = arith.select %gt3A_102, %select_n3A_94, %select_n3A_106 : vector<16xi1>, vector<16xf32>
      %select_n3A_108 = arith.select %gt3A_102, %get3A_99, %select_n3A_93 : vector<16xi1>, vector<16xf32>
      %select_n3A_109 = arith.select %gt3A_102, %broadcast_in_dim3A_101, %select_n3A_94 : vector<16xi1>, vector<16xf32>
      %get3A_110 = arith.constant 7 : i32
      %get3A_111 = arith.index_cast %get3A_110 : i32 to index
      %get3A_112 = arith.index_cast %mul3A_12 : i32 to index
      %get3A_113 = tpu.vector_load %arg4[%get3A_111, %get3A_112] {strides = array<i32>} : memref<64x1024xf32, #tpu.memory_space<vmem>>, vector<1x16xf32>,
      %get3A_114 = vector.shape_cast %get3A_113 : vector<1x16xf32> to vector<16xf32>
      %broadcast_in_dim3A_115 = arith.constant 7.000000e+00 : f32
      %broadcast_in_dim3A_116 = vector.broadcast %broadcast_in_dim3A_115 : f32 to vector<16xf32>
      %gt3A_117 = arith.cmpf ogt, %get3A_114, %select_n3A_108 : vector<16xf32>
      %gt3A_118 = arith.cmpf ogt, %get3A_114, %select_n3A_105 : vector<16xf32>
      %select_n3A_119 = arith.select %gt3A_118, %get3A_114, %select_n3A_105 : vector<16xi1>, vector<16xf32>
      %select_n3A_120 = arith.select %gt3A_117, %select_n3A_108, %select_n3A_119 : vector<16xi1>, vector<16xf32>
      %select_n3A_121 = arith.select %gt3A_118, %broadcast_in_dim3A_116, %select_n3A_107 : vector<16xi1>, vector<16xf32>
      %select_n3A_122 = arith.select %gt3A_117, %select_n3A_109, %select_n3A_121 : vector<16xi1>, vector<16xf32>
      %select_n3A_123 = arith.select %gt3A_117, %get3A_114, %select_n3A_108 : vector<16xi1>, vector<16xf32>
      %select_n3A_124 = arith.select %gt3A_117, %broadcast_in_dim3A_116, %select_n3A_109 : vector<16xi1>, vector<16xf32>
      %get3A_125 = arith.constant 8 : i32
      %get3A_126 = arith.index_cast %get3A_125 : i32 to index
      %get3A_127 = arith.index_cast %mul3A_12 : i32 to index
      %get3A_128 = tpu.vector_load %arg4[%get3A_126, %get3A_127] {strides = array<i32>} : memref<64x1024xf32, #tpu.memory_space<vmem>>, vector<1x16xf32>,
      %get3A_129 = vector.shape_cast %get3A_128 : vector<1x16xf32> to vector<16xf32>
      %broadcast_in_dim3A_130 = arith.constant 8.000000e+00 : f32
      %broadcast_in_dim3A_131 = vector.broadcast %broadcast_in_dim3A_130 : f32 to vector<16xf32>
      %gt3A_132 = arith.cmpf ogt, %get3A_129, %select_n3A_123 : vector<16xf32>
      %gt3A_133 = arith.cmpf ogt, %get3A_129, %select_n3A_120 : vector<16xf32>
      %select_n3A_134 = arith.select %gt3A_133, %get3A_129, %select_n3A_120 : vector<16xi1>, vector<16xf32>
      %select_n3A_135 = arith.select %gt3A_132, %select_n3A_123, %select_n3A_134 : vector<16xi1>, vector<16xf32>
      %select_n3A_136 = arith.select %gt3A_133, %broadcast_in_dim3A_131, %select_n3A_122 : vector<16xi1>, vector<16xf32>
      %select_n3A_137 = arith.select %gt3A_132, %select_n3A_124, %select_n3A_136 : vector<16xi1>, vector<16xf32>
      %select_n3A_138 = arith.select %gt3A_132, %get3A_129, %select_n3A_123 : vector<16xi1>, vector<16xf32>
      %select_n3A_139 = arith.select %gt3A_132, %broadcast_in_dim3A_131, %select_n3A_124 : vector<16xi1>, vector<16xf32>
      %get3A_140 = arith.constant 9 : i32
      %get3A_141 = arith.index_cast %get3A_140 : i32 to index
      %get3A_142 = arith.index_cast %mul3A_12 : i32 to index
      %get3A_143 = tpu.vector_load %arg4[%get3A_141, %get3A_142] {strides = array<i32>} : memref<64x1024xf32, #tpu.memory_space<vmem>>, vector<1x16xf32>,
      %get3A_144 = vector.shape_cast %get3A_143 : vector<1x16xf32> to vector<16xf32>
      %broadcast_in_dim3A_145 = arith.constant 9.000000e+00 : f32
      %broadcast_in_dim3A_146 = vector.broadcast %broadcast_in_dim3A_145 : f32 to vector<16xf32>
      %gt3A_147 = arith.cmpf ogt, %get3A_144, %select_n3A_138 : vector<16xf32>
      %gt3A_148 = arith.cmpf ogt, %get3A_144, %select_n3A_135 : vector<16xf32>
      %select_n3A_149 = arith.select %gt3A_148, %get3A_144, %select_n3A_135 : vector<16xi1>, vector<16xf32>
      %select_n3A_150 = arith.select %gt3A_147, %select_n3A_138, %select_n3A_149 : vector<16xi1>, vector<16xf32>
      %select_n3A_151 = arith.select %gt3A_148, %broadcast_in_dim3A_146, %select_n3A_137 : vector<16xi1>, vector<16xf32>
      %select_n3A_152 = arith.select %gt3A_147, %select_n3A_139, %select_n3A_151 : vector<16xi1>, vector<16xf32>
      %select_n3A_153 = arith.select %gt3A_147, %get3A_144, %select_n3A_138 : vector<16xi1>, vector<16xf32>
      %select_n3A_154 = arith.select %gt3A_147, %broadcast_in_dim3A_146, %select_n3A_139 : vector<16xi1>, vector<16xf32>
      %get3A_155 = arith.constant 10 : i32
      %get3A_156 = arith.index_cast %get3A_155 : i32 to index
      %get3A_157 = arith.index_cast %mul3A_12 : i32 to index
      %get3A_158 = tpu.vector_load %arg4[%get3A_156, %get3A_157] {strides = array<i32>} : memref<64x1024xf32, #tpu.memory_space<vmem>>, vector<1x16xf32>,
      %get3A_159 = vector.shape_cast %get3A_158 : vector<1x16xf32> to vector<16xf32>
      %broadcast_in_dim3A_160 = arith.constant 1.000000e+01 : f32
      %broadcast_in_dim3A_161 = vector.broadcast %broadcast_in_dim3A_160 : f32 to vector<16xf32>
      %gt3A_162 = arith.cmpf ogt, %get3A_159, %select_n3A_153 : vector<16xf32>
      %gt3A_163 = arith.cmpf ogt, %get3A_159, %select_n3A_150 : vector<16xf32>
      %select_n3A_164 = arith.select %gt3A_163, %get3A_159, %select_n3A_150 : vector<16xi1>, vector<16xf32>
      %select_n3A_165 = arith.select %gt3A_162, %select_n3A_153, %select_n3A_164 : vector<16xi1>, vector<16xf32>
      %select_n3A_166 = arith.select %gt3A_163, %broadcast_in_dim3A_161, %select_n3A_152 : vector<16xi1>, vector<16xf32>
      %select_n3A_167 = arith.select %gt3A_162, %select_n3A_154, %select_n3A_166 : vector<16xi1>, vector<16xf32>
      %select_n3A_168 = arith.select %gt3A_162, %get3A_159, %select_n3A_153 : vector<16xi1>, vector<16xf32>
      %select_n3A_169 = arith.select %gt3A_162, %broadcast_in_dim3A_161, %select_n3A_154 : vector<16xi1>, vector<16xf32>
      %get3A_170 = arith.constant 11 : i32
      %get3A_171 = arith.index_cast %get3A_170 : i32 to index
      %get3A_172 = arith.index_cast %mul3A_12 : i32 to index
      %get3A_173 = tpu.vector_load %arg4[%get3A_171, %get3A_172] {strides = array<i32>} : memref<64x1024xf32, #tpu.memory_space<vmem>>, vector<1x16xf32>,
      %get3A_174 = vector.shape_cast %get3A_173 : vector<1x16xf32> to vector<16xf32>
      %broadcast_in_dim3A_175 = arith.constant 1.100000e+01 : f32
      %broadcast_in_dim3A_176 = vector.broadcast %broadcast_in_dim3A_175 : f32 to vector<16xf32>
      %gt3A_177 = arith.cmpf ogt, %get3A_174, %select_n3A_168 : vector<16xf32>
      %gt3A_178 = arith.cmpf ogt, %get3A_174, %select_n3A_165 : vector<16xf32>
      %select_n3A_179 = arith.select %gt3A_178, %get3A_174, %select_n3A_165 : vector<16xi1>, vector<16xf32>
      %select_n3A_180 = arith.select %gt3A_177, %select_n3A_168, %select_n3A_179 : vector<16xi1>, vector<16xf32>
      %select_n3A_181 = arith.select %gt3A_178, %broadcast_in_dim3A_176, %select_n3A_167 : vector<16xi1>, vector<16xf32>
      %select_n3A_182 = arith.select %gt3A_177, %select_n3A_169, %select_n3A_181 : vector<16xi1>, vector<16xf32>
      %select_n3A_183 = arith.select %gt3A_177, %get3A_174, %select_n3A_168 : vector<16xi1>, vector<16xf32>
      %select_n3A_184 = arith.select %gt3A_177, %broadcast_in_dim3A_176, %select_n3A_169 : vector<16xi1>, vector<16xf32>
      %get3A_185 = arith.constant 12 : i32
      %get3A_186 = arith.index_cast %get3A_185 : i32 to index
      %get3A_187 = arith.index_cast %mul3A_12 : i32 to index
      %get3A_188 = tpu.vector_load %arg4[%get3A_186, %get3A_187] {strides = array<i32>} : memref<64x1024xf32, #tpu.memory_space<vmem>>, vector<1x16xf32>,
      %get3A_189 = vector.shape_cast %get3A_188 : vector<1x16xf32> to vector<16xf32>
      %broadcast_in_dim3A_190 = arith.constant 1.200000e+01 : f32
      %broadcast_in_dim3A_191 = vector.broadcast %broadcast_in_dim3A_190 : f32 to vector<16xf32>
      %gt3A_192 = arith.cmpf ogt, %get3A_189, %select_n3A_183 : vector<16xf32>
      %gt3A_193 = arith.cmpf ogt, %get3A_189, %select_n3A_180 : vector<16xf32>
      %select_n3A_194 = arith.select %gt3A_193, %get3A_189, %select_n3A_180 : vector<16xi1>, vector<16xf32>
      %select_n3A_195 = arith.select %gt3A_192, %select_n3A_183, %select_n3A_194 : vector<16xi1>, vector<16xf32>
      %select_n3A_196 = arith.select %gt3A_193, %broadcast_in_dim3A_191, %select_n3A_182 : vector<16xi1>, vector<16xf32>
      %select_n3A_197 = arith.select %gt3A_192, %select_n3A_184, %select_n3A_196 : vector<16xi1>, vector<16xf32>
      %select_n3A_198 = arith.select %gt3A_192, %get3A_189, %select_n3A_183 : vector<16xi1>, vector<16xf32>
      %select_n3A_199 = arith.select %gt3A_192, %broadcast_in_dim3A_191, %select_n3A_184 : vector<16xi1>, vector<16xf32>
      %get3A_200 = arith.constant 13 : i32
      %get3A_201 = arith.index_cast %get3A_200 : i32 to index
      %get3A_202 = arith.index_cast %mul3A_12 : i32 to index
      %get3A_203 = tpu.vector_load %arg4[%get3A_201, %get3A_202] {strides = array<i32>} : memref<64x1024xf32, #tpu.memory_space<vmem>>, vector<1x16xf32>,
      %get3A_204 = vector.shape_cast %get3A_203 : vector<1x16xf32> to vector<16xf32>
      %broadcast_in_dim3A_205 = arith.constant 1.300000e+01 : f32
      %broadcast_in_dim3A_206 = vector.broadcast %broadcast_in_dim3A_205 : f32 to vector<16xf32>
      %gt3A_207 = arith.cmpf ogt, %get3A_204, %select_n3A_198 : vector<16xf32>
      %gt3A_208 = arith.cmpf ogt, %get3A_204, %select_n3A_195 : vector<16xf32>
      %select_n3A_209 = arith.select %gt3A_208, %get3A_204, %select_n3A_195 : vector<16xi1>, vector<16xf32>
      %select_n3A_210 = arith.select %gt3A_207, %select_n3A_198, %select_n3A_209 : vector<16xi1>, vector<16xf32>
      %select_n3A_211 = arith.select %gt3A_208, %broadcast_in_dim3A_206, %select_n3A_197 : vector<16xi1>, vector<16xf32>
      %select_n3A_212 = arith.select %gt3A_207, %select_n3A_199, %select_n3A_211 : vector<16xi1>, vector<16xf32>
      %select_n3A_213 = arith.select %gt3A_207, %get3A_204, %select_n3A_198 : vector<16xi1>, vector<16xf32>
      %select_n3A_214 = arith.select %gt3A_207, %broadcast_in_dim3A_206, %select_n3A_199 : vector<16xi1>, vector<16xf32>
      %get3A_215 = arith.constant 14 : i32
      %get3A_216 = arith.index_cast %get3A_215 : i32 to index
      %get3A_217 = arith.index_cast %mul3A_12 : i32 to index
      %get3A_218 = tpu.vector_load %arg4[%get3A_216, %get3A_217] {strides = array<i32>} : memref<64x1024xf32, #tpu.memory_space<vmem>>, vector<1x16xf32>,
      %get3A_219 = vector.shape_cast %get3A_218 : vector<1x16xf32> to vector<16xf32>
      %broadcast_in_dim3A_220 = arith.constant 1.400000e+01 : f32
      %broadcast_in_dim3A_221 = vector.broadcast %broadcast_in_dim3A_220 : f32 to vector<16xf32>
      %gt3A_222 = arith.cmpf ogt, %get3A_219, %select_n3A_213 : vector<16xf32>
      %gt3A_223 = arith.cmpf ogt, %get3A_219, %select_n3A_210 : vector<16xf32>
      %select_n3A_224 = arith.select %gt3A_223, %get3A_219, %select_n3A_210 : vector<16xi1>, vector<16xf32>
      %select_n3A_225 = arith.select %gt3A_222, %select_n3A_213, %select_n3A_224 : vector<16xi1>, vector<16xf32>
      %select_n3A_226 = arith.select %gt3A_223, %broadcast_in_dim3A_221, %select_n3A_212 : vector<16xi1>, vector<16xf32>
      %select_n3A_227 = arith.select %gt3A_222, %select_n3A_214, %select_n3A_226 : vector<16xi1>, vector<16xf32>
      %select_n3A_228 = arith.select %gt3A_222, %get3A_219, %select_n3A_213 : vector<16xi1>, vector<16xf32>
      %select_n3A_229 = arith.select %gt3A_222, %broadcast_in_dim3A_221, %select_n3A_214 : vector<16xi1>, vector<16xf32>
      %get3A_230 = arith.constant 15 : i32
      %get3A_231 = arith.index_cast %get3A_230 : i32 to index
      %get3A_232 = arith.index_cast %mul3A_12 : i32 to index
      %get3A_233 = tpu.vector_load %arg4[%get3A_231, %get3A_232] {strides = array<i32>} : memref<64x1024xf32, #tpu.memory_space<vmem>>, vector<1x16xf32>,
      %get3A_234 = vector.shape_cast %get3A_233 : vector<1x16xf32> to vector<16xf32>
      %broadcast_in_dim3A_235 = arith.constant 1.500000e+01 : f32
      %broadcast_in_dim3A_236 = vector.broadcast %broadcast_in_dim3A_235 : f32 to vector<16xf32>
      %gt3A_237 = arith.cmpf ogt, %get3A_234, %select_n3A_228 : vector<16xf32>
      %gt3A_238 = arith.cmpf ogt, %get3A_234, %select_n3A_225 : vector<16xf32>
      %select_n3A_239 = arith.select %gt3A_238, %get3A_234, %select_n3A_225 : vector<16xi1>, vector<16xf32>
      %select_n3A_240 = arith.select %gt3A_237, %select_n3A_228, %select_n3A_239 : vector<16xi1>, vector<16xf32>
      %select_n3A_241 = arith.select %gt3A_238, %broadcast_in_dim3A_236, %select_n3A_227 : vector<16xi1>, vector<16xf32>
      %select_n3A_242 = arith.select %gt3A_237, %select_n3A_229, %select_n3A_241 : vector<16xi1>, vector<16xf32>
      %select_n3A_243 = arith.select %gt3A_237, %get3A_234, %select_n3A_228 : vector<16xi1>, vector<16xf32>
      %select_n3A_244 = arith.select %gt3A_237, %broadcast_in_dim3A_236, %select_n3A_229 : vector<16xi1>, vector<16xf32>
      %get3A_245 = arith.constant 16 : i32
      %get3A_246 = arith.index_cast %get3A_245 : i32 to index
      %get3A_247 = arith.index_cast %mul3A_12 : i32 to index
      %get3A_248 = tpu.vector_load %arg4[%get3A_246, %get3A_247] {strides = array<i32>} : memref<64x1024xf32, #tpu.memory_space<vmem>>, vector<1x16xf32>,
      %get3A_249 = vector.shape_cast %get3A_248 : vector<1x16xf32> to vector<16xf32>
      %broadcast_in_dim3A_250 = arith.constant 1.600000e+01 : f32
      %broadcast_in_dim3A_251 = vector.broadcast %broadcast_in_dim3A_250 : f32 to vector<16xf32>
      %gt3A_252 = arith.cmpf ogt, %get3A_249, %select_n3A_243 : vector<16xf32>
      %gt3A_253 = arith.cmpf ogt, %get3A_249, %select_n3A_240 : vector<16xf32>
      %select_n3A_254 = arith.select %gt3A_253, %get3A_249, %select_n3A_240 : vector<16xi1>, vector<16xf32>
      %select_n3A_255 = arith.select %gt3A_252, %select_n3A_243, %select_n3A_254 : vector<16xi1>, vector<16xf32>
      %select_n3A_256 = arith.select %gt3A_253, %broadcast_in_dim3A_251, %select_n3A_242 : vector<16xi1>, vector<16xf32>
      %select_n3A_257 = arith.select %gt3A_252, %select_n3A_244, %select_n3A_256 : vector<16xi1>, vector<16xf32>
      %select_n3A_258 = arith.select %gt3A_252, %get3A_249, %select_n3A_243 : vector<16xi1>, vector<16xf32>
      %select_n3A_259 = arith.select %gt3A_252, %broadcast_in_dim3A_251, %select_n3A_244 : vector<16xi1>, vector<16xf32>
      %get3A_260 = arith.constant 17 : i32
      %get3A_261 = arith.index_cast %get3A_260 : i32 to index
      %get3A_262 = arith.index_cast %mul3A_12 : i32 to index
      %get3A_263 = tpu.vector_load %arg4[%get3A_261, %get3A_262] {strides = array<i32>} : memref<64x1024xf32, #tpu.memory_space<vmem>>, vector<1x16xf32>,
      %get3A_264 = vector.shape_cast %get3A_263 : vector<1x16xf32> to vector<16xf32>
      %broadcast_in_dim3A_265 = arith.constant 1.700000e+01 : f32
      %broadcast_in_dim3A_266 = vector.broadcast %broadcast_in_dim3A_265 : f32 to vector<16xf32>
      %gt3A_267 = arith.cmpf ogt, %get3A_264, %select_n3A_258 : vector<16xf32>
      %gt3A_268 = arith.cmpf ogt, %get3A_264, %select_n3A_255 : vector<16xf32>
      %select_n3A_269 = arith.select %gt3A_268, %get3A_264, %select_n3A_255 : vector<16xi1>, vector<16xf32>
      %select_n3A_270 = arith.select %gt3A_267, %select_n3A_258, %select_n3A_269 : vector<16xi1>, vector<16xf32>
      %select_n3A_271 = arith.select %gt3A_268, %broadcast_in_dim3A_266, %select_n3A_257 : vector<16xi1>, vector<16xf32>
      %select_n3A_272 = arith.select %gt3A_267, %select_n3A_259, %select_n3A_271 : vector<16xi1>, vector<16xf32>
      %select_n3A_273 = arith.select %gt3A_267, %get3A_264, %select_n3A_258 : vector<16xi1>, vector<16xf32>
      %select_n3A_274 = arith.select %gt3A_267, %broadcast_in_dim3A_266, %select_n3A_259 : vector<16xi1>, vector<16xf32>
      %get3A_275 = arith.constant 18 : i32
      %get3A_276 = arith.index_cast %get3A_275 : i32 to index
      %get3A_277 = arith.index_cast %mul3A_12 : i32 to index
      %get3A_278 = tpu.vector_load %arg4[%get3A_276, %get3A_277] {strides = array<i32>} : memref<64x1024xf32, #tpu.memory_space<vmem>>, vector<1x16xf32>,
      %get3A_279 = vector.shape_cast %get3A_278 : vector<1x16xf32> to vector<16xf32>
      %broadcast_in_dim3A_280 = arith.constant 1.800000e+01 : f32
      %broadcast_in_dim3A_281 = vector.broadcast %broadcast_in_dim3A_280 : f32 to vector<16xf32>
      %gt3A_282 = arith.cmpf ogt, %get3A_279, %select_n3A_273 : vector<16xf32>
      %gt3A_283 = arith.cmpf ogt, %get3A_279, %select_n3A_270 : vector<16xf32>
      %select_n3A_284 = arith.select %gt3A_283, %get3A_279, %select_n3A_270 : vector<16xi1>, vector<16xf32>
      %select_n3A_285 = arith.select %gt3A_282, %select_n3A_273, %select_n3A_284 : vector<16xi1>, vector<16xf32>
      %select_n3A_286 = arith.select %gt3A_283, %broadcast_in_dim3A_281, %select_n3A_272 : vector<16xi1>, vector<16xf32>
      %select_n3A_287 = arith.select %gt3A_282, %select_n3A_274, %select_n3A_286 : vector<16xi1>, vector<16xf32>
      %select_n3A_288 = arith.select %gt3A_282, %get3A_279, %select_n3A_273 : vector<16xi1>, vector<16xf32>
      %select_n3A_289 = arith.select %gt3A_282, %broadcast_in_dim3A_281, %select_n3A_274 : vector<16xi1>, vector<16xf32>
      %get3A_290 = arith.constant 19 : i32
      %get3A_291 = arith.index_cast %get3A_290 : i32 to index
      %get3A_292 = arith.index_cast %mul3A_12 : i32 to index
      %get3A_293 = tpu.vector_load %arg4[%get3A_291, %get3A_292] {strides = array<i32>} : memref<64x1024xf32, #tpu.memory_space<vmem>>, vector<1x16xf32>,
      %get3A_294 = vector.shape_cast %get3A_293 : vector<1x16xf32> to vector<16xf32>
      %broadcast_in_dim3A_295 = arith.constant 1.900000e+01 : f32
      %broadcast_in_dim3A_296 = vector.broadcast %broadcast_in_dim3A_295 : f32 to vector<16xf32>
      %gt3A_297 = arith.cmpf ogt, %get3A_294, %select_n3A_288 : vector<16xf32>
      %gt3A_298 = arith.cmpf ogt, %get3A_294, %select_n3A_285 : vector<16xf32>
      %select_n3A_299 = arith.select %gt3A_298, %get3A_294, %select_n3A_285 : vector<16xi1>, vector<16xf32>
      %select_n3A_300 = arith.select %gt3A_297, %select_n3A_288, %select_n3A_299 : vector<16xi1>, vector<16xf32>
      %select_n3A_301 = arith.select %gt3A_298, %broadcast_in_dim3A_296, %select_n3A_287 : vector<16xi1>, vector<16xf32>
      %select_n3A_302 = arith.select %gt3A_297, %select_n3A_289, %select_n3A_301 : vector<16xi1>, vector<16xf32>
      %select_n3A_303 = arith.select %gt3A_297, %get3A_294, %select_n3A_288 : vector<16xi1>, vector<16xf32>
      %select_n3A_304 = arith.select %gt3A_297, %broadcast_in_dim3A_296, %select_n3A_289 : vector<16xi1>, vector<16xf32>
      %get3A_305 = arith.constant 20 : i32
      %get3A_306 = arith.index_cast %get3A_305 : i32 to index
      %get3A_307 = arith.index_cast %mul3A_12 : i32 to index
      %get3A_308 = tpu.vector_load %arg4[%get3A_306, %get3A_307] {strides = array<i32>} : memref<64x1024xf32, #tpu.memory_space<vmem>>, vector<1x16xf32>,
      %get3A_309 = vector.shape_cast %get3A_308 : vector<1x16xf32> to vector<16xf32>
      %broadcast_in_dim3A_310 = arith.constant 2.000000e+01 : f32
      %broadcast_in_dim3A_311 = vector.broadcast %broadcast_in_dim3A_310 : f32 to vector<16xf32>
      %gt3A_312 = arith.cmpf ogt, %get3A_309, %select_n3A_303 : vector<16xf32>
      %gt3A_313 = arith.cmpf ogt, %get3A_309, %select_n3A_300 : vector<16xf32>
      %select_n3A_314 = arith.select %gt3A_313, %get3A_309, %select_n3A_300 : vector<16xi1>, vector<16xf32>
      %select_n3A_315 = arith.select %gt3A_312, %select_n3A_303, %select_n3A_314 : vector<16xi1>, vector<16xf32>
      %select_n3A_316 = arith.select %gt3A_313, %broadcast_in_dim3A_311, %select_n3A_302 : vector<16xi1>, vector<16xf32>
      %select_n3A_317 = arith.select %gt3A_312, %select_n3A_304, %select_n3A_316 : vector<16xi1>, vector<16xf32>
      %select_n3A_318 = arith.select %gt3A_312, %get3A_309, %select_n3A_303 : vector<16xi1>, vector<16xf32>
      %select_n3A_319 = arith.select %gt3A_312, %broadcast_in_dim3A_311, %select_n3A_304 : vector<16xi1>, vector<16xf32>
      %get3A_320 = arith.constant 21 : i32
      %get3A_321 = arith.index_cast %get3A_320 : i32 to index
      %get3A_322 = arith.index_cast %mul3A_12 : i32 to index
      %get3A_323 = tpu.vector_load %arg4[%get3A_321, %get3A_322] {strides = array<i32>} : memref<64x1024xf32, #tpu.memory_space<vmem>>, vector<1x16xf32>,
      %get3A_324 = vector.shape_cast %get3A_323 : vector<1x16xf32> to vector<16xf32>
      %broadcast_in_dim3A_325 = arith.constant 2.100000e+01 : f32
      %broadcast_in_dim3A_326 = vector.broadcast %broadcast_in_dim3A_325 : f32 to vector<16xf32>
      %gt3A_327 = arith.cmpf ogt, %get3A_324, %select_n3A_318 : vector<16xf32>
      %gt3A_328 = arith.cmpf ogt, %get3A_324, %select_n3A_315 : vector<16xf32>
      %select_n3A_329 = arith.select %gt3A_328, %get3A_324, %select_n3A_315 : vector<16xi1>, vector<16xf32>
      %select_n3A_330 = arith.select %gt3A_327, %select_n3A_318, %select_n3A_329 : vector<16xi1>, vector<16xf32>
      %select_n3A_331 = arith.select %gt3A_328, %broadcast_in_dim3A_326, %select_n3A_317 : vector<16xi1>, vector<16xf32>
      %select_n3A_332 = arith.select %gt3A_327, %select_n3A_319, %select_n3A_331 : vector<16xi1>, vector<16xf32>
      %select_n3A_333 = arith.select %gt3A_327, %get3A_324, %select_n3A_318 : vector<16xi1>, vector<16xf32>
      %select_n3A_334 = arith.select %gt3A_327, %broadcast_in_dim3A_326, %select_n3A_319 : vector<16xi1>, vector<16xf32>
      %get3A_335 = arith.constant 22 : i32
      %get3A_336 = arith.index_cast %get3A_335 : i32 to index
      %get3A_337 = arith.index_cast %mul3A_12 : i32 to index
      %get3A_338 = tpu.vector_load %arg4[%get3A_336, %get3A_337] {strides = array<i32>} : memref<64x1024xf32, #tpu.memory_space<vmem>>, vector<1x16xf32>,
      %get3A_339 = vector.shape_cast %get3A_338 : vector<1x16xf32> to vector<16xf32>
      %broadcast_in_dim3A_340 = arith.constant 2.200000e+01 : f32
      %broadcast_in_dim3A_341 = vector.broadcast %broadcast_in_dim3A_340 : f32 to vector<16xf32>
      %gt3A_342 = arith.cmpf ogt, %get3A_339, %select_n3A_333 : vector<16xf32>
      %gt3A_343 = arith.cmpf ogt, %get3A_339, %select_n3A_330 : vector<16xf32>
      %select_n3A_344 = arith.select %gt3A_343, %get3A_339, %select_n3A_330 : vector<16xi1>, vector<16xf32>
      %select_n3A_345 = arith.select %gt3A_342, %select_n3A_333, %select_n3A_344 : vector<16xi1>, vector<16xf32>
      %select_n3A_346 = arith.select %gt3A_343, %broadcast_in_dim3A_341, %select_n3A_332 : vector<16xi1>, vector<16xf32>
      %select_n3A_347 = arith.select %gt3A_342, %select_n3A_334, %select_n3A_346 : vector<16xi1>, vector<16xf32>
      %select_n3A_348 = arith.select %gt3A_342, %get3A_339, %select_n3A_333 : vector<16xi1>, vector<16xf32>
      %select_n3A_349 = arith.select %gt3A_342, %broadcast_in_dim3A_341, %select_n3A_334 : vector<16xi1>, vector<16xf32>
      %get3A_350 = arith.constant 23 : i32
      %get3A_351 = arith.index_cast %get3A_350 : i32 to index
      %get3A_352 = arith.index_cast %mul3A_12 : i32 to index
      %get3A_353 = tpu.vector_load %arg4[%get3A_351, %get3A_352] {strides = array<i32>} : memref<64x1024xf32, #tpu.memory_space<vmem>>, vector<1x16xf32>,
      %get3A_354 = vector.shape_cast %get3A_353 : vector<1x16xf32> to vector<16xf32>
      %broadcast_in_dim3A_355 = arith.constant 2.300000e+01 : f32
      %broadcast_in_dim3A_356 = vector.broadcast %broadcast_in_dim3A_355 : f32 to vector<16xf32>
      %gt3A_357 = arith.cmpf ogt, %get3A_354, %select_n3A_348 : vector<16xf32>
      %gt3A_358 = arith.cmpf ogt, %get3A_354, %select_n3A_345 : vector<16xf32>
      %select_n3A_359 = arith.select %gt3A_358, %get3A_354, %select_n3A_345 : vector<16xi1>, vector<16xf32>
      %select_n3A_360 = arith.select %gt3A_357, %select_n3A_348, %select_n3A_359 : vector<16xi1>, vector<16xf32>
      %select_n3A_361 = arith.select %gt3A_358, %broadcast_in_dim3A_356, %select_n3A_347 : vector<16xi1>, vector<16xf32>
      %select_n3A_362 = arith.select %gt3A_357, %select_n3A_349, %select_n3A_361 : vector<16xi1>, vector<16xf32>
      %select_n3A_363 = arith.select %gt3A_357, %get3A_354, %select_n3A_348 : vector<16xi1>, vector<16xf32>
      %select_n3A_364 = arith.select %gt3A_357, %broadcast_in_dim3A_356, %select_n3A_349 : vector<16xi1>, vector<16xf32>
      %get3A_365 = arith.constant 24 : i32
      %get3A_366 = arith.index_cast %get3A_365 : i32 to index
      %get3A_367 = arith.index_cast %mul3A_12 : i32 to index
      %get3A_368 = tpu.vector_load %arg4[%get3A_366, %get3A_367] {strides = array<i32>} : memref<64x1024xf32, #tpu.memory_space<vmem>>, vector<1x16xf32>,
      %get3A_369 = vector.shape_cast %get3A_368 : vector<1x16xf32> to vector<16xf32>
      %broadcast_in_dim3A_370 = arith.constant 2.400000e+01 : f32
      %broadcast_in_dim3A_371 = vector.broadcast %broadcast_in_dim3A_370 : f32 to vector<16xf32>
      %gt3A_372 = arith.cmpf ogt, %get3A_369, %select_n3A_363 : vector<16xf32>
      %gt3A_373 = arith.cmpf ogt, %get3A_369, %select_n3A_360 : vector<16xf32>
      %select_n3A_374 = arith.select %gt3A_373, %get3A_369, %select_n3A_360 : vector<16xi1>, vector<16xf32>
      %select_n3A_375 = arith.select %gt3A_372, %select_n3A_363, %select_n3A_374 : vector<16xi1>, vector<16xf32>
      %select_n3A_376 = arith.select %gt3A_373, %broadcast_in_dim3A_371, %select_n3A_362 : vector<16xi1>, vector<16xf32>
      %select_n3A_377 = arith.select %gt3A_372, %select_n3A_364, %select_n3A_376 : vector<16xi1>, vector<16xf32>
      %select_n3A_378 = arith.select %gt3A_372, %get3A_369, %select_n3A_363 : vector<16xi1>, vector<16xf32>
      %select_n3A_379 = arith.select %gt3A_372, %broadcast_in_dim3A_371, %select_n3A_364 : vector<16xi1>, vector<16xf32>
      %get3A_380 = arith.constant 25 : i32
      %get3A_381 = arith.index_cast %get3A_380 : i32 to index
      %get3A_382 = arith.index_cast %mul3A_12 : i32 to index
      %get3A_383 = tpu.vector_load %arg4[%get3A_381, %get3A_382] {strides = array<i32>} : memref<64x1024xf32, #tpu.memory_space<vmem>>, vector<1x16xf32>,
      %get3A_384 = vector.shape_cast %get3A_383 : vector<1x16xf32> to vector<16xf32>
      %broadcast_in_dim3A_385 = arith.constant 2.500000e+01 : f32
      %broadcast_in_dim3A_386 = vector.broadcast %broadcast_in_dim3A_385 : f32 to vector<16xf32>
      %gt3A_387 = arith.cmpf ogt, %get3A_384, %select_n3A_378 : vector<16xf32>
      %gt3A_388 = arith.cmpf ogt, %get3A_384, %select_n3A_375 : vector<16xf32>
      %select_n3A_389 = arith.select %gt3A_388, %get3A_384, %select_n3A_375 : vector<16xi1>, vector<16xf32>
      %select_n3A_390 = arith.select %gt3A_387, %select_n3A_378, %select_n3A_389 : vector<16xi1>, vector<16xf32>
      %select_n3A_391 = arith.select %gt3A_388, %broadcast_in_dim3A_386, %select_n3A_377 : vector<16xi1>, vector<16xf32>
      %select_n3A_392 = arith.select %gt3A_387, %select_n3A_379, %select_n3A_391 : vector<16xi1>, vector<16xf32>
      %select_n3A_393 = arith.select %gt3A_387, %get3A_384, %select_n3A_378 : vector<16xi1>, vector<16xf32>
      %select_n3A_394 = arith.select %gt3A_387, %broadcast_in_dim3A_386, %select_n3A_379 : vector<16xi1>, vector<16xf32>
      %get3A_395 = arith.constant 26 : i32
      %get3A_396 = arith.index_cast %get3A_395 : i32 to index
      %get3A_397 = arith.index_cast %mul3A_12 : i32 to index
      %get3A_398 = tpu.vector_load %arg4[%get3A_396, %get3A_397] {strides = array<i32>} : memref<64x1024xf32, #tpu.memory_space<vmem>>, vector<1x16xf32>,
      %get3A_399 = vector.shape_cast %get3A_398 : vector<1x16xf32> to vector<16xf32>
      %broadcast_in_dim3A_400 = arith.constant 2.600000e+01 : f32
      %broadcast_in_dim3A_401 = vector.broadcast %broadcast_in_dim3A_400 : f32 to vector<16xf32>
      %gt3A_402 = arith.cmpf ogt, %get3A_399, %select_n3A_393 : vector<16xf32>
      %gt3A_403 = arith.cmpf ogt, %get3A_399, %select_n3A_390 : vector<16xf32>
      %select_n3A_404 = arith.select %gt3A_403, %get3A_399, %select_n3A_390 : vector<16xi1>, vector<16xf32>
      %select_n3A_405 = arith.select %gt3A_402, %select_n3A_393, %select_n3A_404 : vector<16xi1>, vector<16xf32>
      %select_n3A_406 = arith.select %gt3A_403, %broadcast_in_dim3A_401, %select_n3A_392 : vector<16xi1>, vector<16xf32>
      %select_n3A_407 = arith.select %gt3A_402, %select_n3A_394, %select_n3A_406 : vector<16xi1>, vector<16xf32>
      %select_n3A_408 = arith.select %gt3A_402, %get3A_399, %select_n3A_393 : vector<16xi1>, vector<16xf32>
      %select_n3A_409 = arith.select %gt3A_402, %broadcast_in_dim3A_401, %select_n3A_394 : vector<16xi1>, vector<16xf32>
      %get3A_410 = arith.constant 27 : i32
      %get3A_411 = arith.index_cast %get3A_410 : i32 to index
      %get3A_412 = arith.index_cast %mul3A_12 : i32 to index
      %get3A_413 = tpu.vector_load %arg4[%get3A_411, %get3A_412] {strides = array<i32>} : memref<64x1024xf32, #tpu.memory_space<vmem>>, vector<1x16xf32>,
      %get3A_414 = vector.shape_cast %get3A_413 : vector<1x16xf32> to vector<16xf32>
      %broadcast_in_dim3A_415 = arith.constant 2.700000e+01 : f32
      %broadcast_in_dim3A_416 = vector.broadcast %broadcast_in_dim3A_415 : f32 to vector<16xf32>
      %gt3A_417 = arith.cmpf ogt, %get3A_414, %select_n3A_408 : vector<16xf32>
      %gt3A_418 = arith.cmpf ogt, %get3A_414, %select_n3A_405 : vector<16xf32>
      %select_n3A_419 = arith.select %gt3A_418, %get3A_414, %select_n3A_405 : vector<16xi1>, vector<16xf32>
      %select_n3A_420 = arith.select %gt3A_417, %select_n3A_408, %select_n3A_419 : vector<16xi1>, vector<16xf32>
      %select_n3A_421 = arith.select %gt3A_418, %broadcast_in_dim3A_416, %select_n3A_407 : vector<16xi1>, vector<16xf32>
      %select_n3A_422 = arith.select %gt3A_417, %select_n3A_409, %select_n3A_421 : vector<16xi1>, vector<16xf32>
      %select_n3A_423 = arith.select %gt3A_417, %get3A_414, %select_n3A_408 : vector<16xi1>, vector<16xf32>
      %select_n3A_424 = arith.select %gt3A_417, %broadcast_in_dim3A_416, %select_n3A_409 : vector<16xi1>, vector<16xf32>
      %get3A_425 = arith.constant 28 : i32
      %get3A_426 = arith.index_cast %get3A_425 : i32 to index
      %get3A_427 = arith.index_cast %mul3A_12 : i32 to index
      %get3A_428 = tpu.vector_load %arg4[%get3A_426, %get3A_427] {strides = array<i32>} : memref<64x1024xf32, #tpu.memory_space<vmem>>, vector<1x16xf32>,
      %get3A_429 = vector.shape_cast %get3A_428 : vector<1x16xf32> to vector<16xf32>
      %broadcast_in_dim3A_430 = arith.constant 2.800000e+01 : f32
      %broadcast_in_dim3A_431 = vector.broadcast %broadcast_in_dim3A_430 : f32 to vector<16xf32>
      %gt3A_432 = arith.cmpf ogt, %get3A_429, %select_n3A_423 : vector<16xf32>
      %gt3A_433 = arith.cmpf ogt, %get3A_429, %select_n3A_420 : vector<16xf32>
      %select_n3A_434 = arith.select %gt3A_433, %get3A_429, %select_n3A_420 : vector<16xi1>, vector<16xf32>
      %select_n3A_435 = arith.select %gt3A_432, %select_n3A_423, %select_n3A_434 : vector<16xi1>, vector<16xf32>
      %select_n3A_436 = arith.select %gt3A_433, %broadcast_in_dim3A_431, %select_n3A_422 : vector<16xi1>, vector<16xf32>
      %select_n3A_437 = arith.select %gt3A_432, %select_n3A_424, %select_n3A_436 : vector<16xi1>, vector<16xf32>
      %select_n3A_438 = arith.select %gt3A_432, %get3A_429, %select_n3A_423 : vector<16xi1>, vector<16xf32>
      %select_n3A_439 = arith.select %gt3A_432, %broadcast_in_dim3A_431, %select_n3A_424 : vector<16xi1>, vector<16xf32>
      %get3A_440 = arith.constant 29 : i32
      %get3A_441 = arith.index_cast %get3A_440 : i32 to index
      %get3A_442 = arith.index_cast %mul3A_12 : i32 to index
      %get3A_443 = tpu.vector_load %arg4[%get3A_441, %get3A_442] {strides = array<i32>} : memref<64x1024xf32, #tpu.memory_space<vmem>>, vector<1x16xf32>,
      %get3A_444 = vector.shape_cast %get3A_443 : vector<1x16xf32> to vector<16xf32>
      %broadcast_in_dim3A_445 = arith.constant 2.900000e+01 : f32
      %broadcast_in_dim3A_446 = vector.broadcast %broadcast_in_dim3A_445 : f32 to vector<16xf32>
      %gt3A_447 = arith.cmpf ogt, %get3A_444, %select_n3A_438 : vector<16xf32>
      %gt3A_448 = arith.cmpf ogt, %get3A_444, %select_n3A_435 : vector<16xf32>
      %select_n3A_449 = arith.select %gt3A_448, %get3A_444, %select_n3A_435 : vector<16xi1>, vector<16xf32>
      %select_n3A_450 = arith.select %gt3A_447, %select_n3A_438, %select_n3A_449 : vector<16xi1>, vector<16xf32>
      %select_n3A_451 = arith.select %gt3A_448, %broadcast_in_dim3A_446, %select_n3A_437 : vector<16xi1>, vector<16xf32>
      %select_n3A_452 = arith.select %gt3A_447, %select_n3A_439, %select_n3A_451 : vector<16xi1>, vector<16xf32>
      %select_n3A_453 = arith.select %gt3A_447, %get3A_444, %select_n3A_438 : vector<16xi1>, vector<16xf32>
      %select_n3A_454 = arith.select %gt3A_447, %broadcast_in_dim3A_446, %select_n3A_439 : vector<16xi1>, vector<16xf32>
      %get3A_455 = arith.constant 30 : i32
      %get3A_456 = arith.index_cast %get3A_455 : i32 to index
      %get3A_457 = arith.index_cast %mul3A_12 : i32 to index
      %get3A_458 = tpu.vector_load %arg4[%get3A_456, %get3A_457] {strides = array<i32>} : memref<64x1024xf32, #tpu.memory_space<vmem>>, vector<1x16xf32>,
      %get3A_459 = vector.shape_cast %get3A_458 : vector<1x16xf32> to vector<16xf32>
      %broadcast_in_dim3A_460 = arith.constant 3.000000e+01 : f32
      %broadcast_in_dim3A_461 = vector.broadcast %broadcast_in_dim3A_460 : f32 to vector<16xf32>
      %gt3A_462 = arith.cmpf ogt, %get3A_459, %select_n3A_453 : vector<16xf32>
      %gt3A_463 = arith.cmpf ogt, %get3A_459, %select_n3A_450 : vector<16xf32>
      %select_n3A_464 = arith.select %gt3A_463, %get3A_459, %select_n3A_450 : vector<16xi1>, vector<16xf32>
      %select_n3A_465 = arith.select %gt3A_462, %select_n3A_453, %select_n3A_464 : vector<16xi1>, vector<16xf32>
      %select_n3A_466 = arith.select %gt3A_463, %broadcast_in_dim3A_461, %select_n3A_452 : vector<16xi1>, vector<16xf32>
      %select_n3A_467 = arith.select %gt3A_462, %select_n3A_454, %select_n3A_466 : vector<16xi1>, vector<16xf32>
      %select_n3A_468 = arith.select %gt3A_462, %get3A_459, %select_n3A_453 : vector<16xi1>, vector<16xf32>
      %select_n3A_469 = arith.select %gt3A_462, %broadcast_in_dim3A_461, %select_n3A_454 : vector<16xi1>, vector<16xf32>
      %get3A_470 = arith.constant 31 : i32
      %get3A_471 = arith.index_cast %get3A_470 : i32 to index
      %get3A_472 = arith.index_cast %mul3A_12 : i32 to index
      %get3A_473 = tpu.vector_load %arg4[%get3A_471, %get3A_472] {strides = array<i32>} : memref<64x1024xf32, #tpu.memory_space<vmem>>, vector<1x16xf32>,
      %get3A_474 = vector.shape_cast %get3A_473 : vector<1x16xf32> to vector<16xf32>
      %broadcast_in_dim3A_475 = arith.constant 3.100000e+01 : f32
      %broadcast_in_dim3A_476 = vector.broadcast %broadcast_in_dim3A_475 : f32 to vector<16xf32>
      %gt3A_477 = arith.cmpf ogt, %get3A_474, %select_n3A_468 : vector<16xf32>
      %gt3A_478 = arith.cmpf ogt, %get3A_474, %select_n3A_465 : vector<16xf32>
      %select_n3A_479 = arith.select %gt3A_478, %get3A_474, %select_n3A_465 : vector<16xi1>, vector<16xf32>
      %select_n3A_480 = arith.select %gt3A_477, %select_n3A_468, %select_n3A_479 : vector<16xi1>, vector<16xf32>
      %select_n3A_481 = arith.select %gt3A_478, %broadcast_in_dim3A_476, %select_n3A_467 : vector<16xi1>, vector<16xf32>
      %select_n3A_482 = arith.select %gt3A_477, %select_n3A_469, %select_n3A_481 : vector<16xi1>, vector<16xf32>
      %select_n3A_483 = arith.select %gt3A_477, %get3A_474, %select_n3A_468 : vector<16xi1>, vector<16xf32>
      %select_n3A_484 = arith.select %gt3A_477, %broadcast_in_dim3A_476, %select_n3A_469 : vector<16xi1>, vector<16xf32>
      %get3A_485 = arith.constant 32 : i32
      %get3A_486 = arith.index_cast %get3A_485 : i32 to index
      %get3A_487 = arith.index_cast %mul3A_12 : i32 to index
      %get3A_488 = tpu.vector_load %arg4[%get3A_486, %get3A_487] {strides = array<i32>} : memref<64x1024xf32, #tpu.memory_space<vmem>>, vector<1x16xf32>,
      %get3A_489 = vector.shape_cast %get3A_488 : vector<1x16xf32> to vector<16xf32>
      %broadcast_in_dim3A_490 = arith.constant 3.200000e+01 : f32
      %broadcast_in_dim3A_491 = vector.broadcast %broadcast_in_dim3A_490 : f32 to vector<16xf32>
      %gt3A_492 = arith.cmpf ogt, %get3A_489, %select_n3A_483 : vector<16xf32>
      %gt3A_493 = arith.cmpf ogt, %get3A_489, %select_n3A_480 : vector<16xf32>
      %select_n3A_494 = arith.select %gt3A_493, %get3A_489, %select_n3A_480 : vector<16xi1>, vector<16xf32>
      %select_n3A_495 = arith.select %gt3A_492, %select_n3A_483, %select_n3A_494 : vector<16xi1>, vector<16xf32>
      %select_n3A_496 = arith.select %gt3A_493, %broadcast_in_dim3A_491, %select_n3A_482 : vector<16xi1>, vector<16xf32>
      %select_n3A_497 = arith.select %gt3A_492, %select_n3A_484, %select_n3A_496 : vector<16xi1>, vector<16xf32>
      %select_n3A_498 = arith.select %gt3A_492, %get3A_489, %select_n3A_483 : vector<16xi1>, vector<16xf32>
      %select_n3A_499 = arith.select %gt3A_492, %broadcast_in_dim3A_491, %select_n3A_484 : vector<16xi1>, vector<16xf32>
      %get3A_500 = arith.constant 33 : i32
      %get3A_501 = arith.index_cast %get3A_500 : i32 to index
      %get3A_502 = arith.index_cast %mul3A_12 : i32 to index
      %get3A_503 = tpu.vector_load %arg4[%get3A_501, %get3A_502] {strides = array<i32>} : memref<64x1024xf32, #tpu.memory_space<vmem>>, vector<1x16xf32>,
      %get3A_504 = vector.shape_cast %get3A_503 : vector<1x16xf32> to vector<16xf32>
      %broadcast_in_dim3A_505 = arith.constant 3.300000e+01 : f32
      %broadcast_in_dim3A_506 = vector.broadcast %broadcast_in_dim3A_505 : f32 to vector<16xf32>
      %gt3A_507 = arith.cmpf ogt, %get3A_504, %select_n3A_498 : vector<16xf32>
      %gt3A_508 = arith.cmpf ogt, %get3A_504, %select_n3A_495 : vector<16xf32>
      %select_n3A_509 = arith.select %gt3A_508, %get3A_504, %select_n3A_495 : vector<16xi1>, vector<16xf32>
      %select_n3A_510 = arith.select %gt3A_507, %select_n3A_498, %select_n3A_509 : vector<16xi1>, vector<16xf32>
      %select_n3A_511 = arith.select %gt3A_508, %broadcast_in_dim3A_506, %select_n3A_497 : vector<16xi1>, vector<16xf32>
      %select_n3A_512 = arith.select %gt3A_507, %select_n3A_499, %select_n3A_511 : vector<16xi1>, vector<16xf32>
      %select_n3A_513 = arith.select %gt3A_507, %get3A_504, %select_n3A_498 : vector<16xi1>, vector<16xf32>
      %select_n3A_514 = arith.select %gt3A_507, %broadcast_in_dim3A_506, %select_n3A_499 : vector<16xi1>, vector<16xf32>
      %get3A_515 = arith.constant 34 : i32
      %get3A_516 = arith.index_cast %get3A_515 : i32 to index
      %get3A_517 = arith.index_cast %mul3A_12 : i32 to index
      %get3A_518 = tpu.vector_load %arg4[%get3A_516, %get3A_517] {strides = array<i32>} : memref<64x1024xf32, #tpu.memory_space<vmem>>, vector<1x16xf32>,
      %get3A_519 = vector.shape_cast %get3A_518 : vector<1x16xf32> to vector<16xf32>
      %broadcast_in_dim3A_520 = arith.constant 3.400000e+01 : f32
      %broadcast_in_dim3A_521 = vector.broadcast %broadcast_in_dim3A_520 : f32 to vector<16xf32>
      %gt3A_522 = arith.cmpf ogt, %get3A_519, %select_n3A_513 : vector<16xf32>
      %gt3A_523 = arith.cmpf ogt, %get3A_519, %select_n3A_510 : vector<16xf32>
      %select_n3A_524 = arith.select %gt3A_523, %get3A_519, %select_n3A_510 : vector<16xi1>, vector<16xf32>
      %select_n3A_525 = arith.select %gt3A_522, %select_n3A_513, %select_n3A_524 : vector<16xi1>, vector<16xf32>
      %select_n3A_526 = arith.select %gt3A_523, %broadcast_in_dim3A_521, %select_n3A_512 : vector<16xi1>, vector<16xf32>
      %select_n3A_527 = arith.select %gt3A_522, %select_n3A_514, %select_n3A_526 : vector<16xi1>, vector<16xf32>
      %select_n3A_528 = arith.select %gt3A_522, %get3A_519, %select_n3A_513 : vector<16xi1>, vector<16xf32>
      %select_n3A_529 = arith.select %gt3A_522, %broadcast_in_dim3A_521, %select_n3A_514 : vector<16xi1>, vector<16xf32>
      %get3A_530 = arith.constant 35 : i32
      %get3A_531 = arith.index_cast %get3A_530 : i32 to index
      %get3A_532 = arith.index_cast %mul3A_12 : i32 to index
      %get3A_533 = tpu.vector_load %arg4[%get3A_531, %get3A_532] {strides = array<i32>} : memref<64x1024xf32, #tpu.memory_space<vmem>>, vector<1x16xf32>,
      %get3A_534 = vector.shape_cast %get3A_533 : vector<1x16xf32> to vector<16xf32>
      %broadcast_in_dim3A_535 = arith.constant 3.500000e+01 : f32
      %broadcast_in_dim3A_536 = vector.broadcast %broadcast_in_dim3A_535 : f32 to vector<16xf32>
      %gt3A_537 = arith.cmpf ogt, %get3A_534, %select_n3A_528 : vector<16xf32>
      %gt3A_538 = arith.cmpf ogt, %get3A_534, %select_n3A_525 : vector<16xf32>
      %select_n3A_539 = arith.select %gt3A_538, %get3A_534, %select_n3A_525 : vector<16xi1>, vector<16xf32>
      %select_n3A_540 = arith.select %gt3A_537, %select_n3A_528, %select_n3A_539 : vector<16xi1>, vector<16xf32>
      %select_n3A_541 = arith.select %gt3A_538, %broadcast_in_dim3A_536, %select_n3A_527 : vector<16xi1>, vector<16xf32>
      %select_n3A_542 = arith.select %gt3A_537, %select_n3A_529, %select_n3A_541 : vector<16xi1>, vector<16xf32>
      %select_n3A_543 = arith.select %gt3A_537, %get3A_534, %select_n3A_528 : vector<16xi1>, vector<16xf32>
      %select_n3A_544 = arith.select %gt3A_537, %broadcast_in_dim3A_536, %select_n3A_529 : vector<16xi1>, vector<16xf32>
      %get3A_545 = arith.constant 36 : i32
      %get3A_546 = arith.index_cast %get3A_545 : i32 to index
      %get3A_547 = arith.index_cast %mul3A_12 : i32 to index
      %get3A_548 = tpu.vector_load %arg4[%get3A_546, %get3A_547] {strides = array<i32>} : memref<64x1024xf32, #tpu.memory_space<vmem>>, vector<1x16xf32>,
      %get3A_549 = vector.shape_cast %get3A_548 : vector<1x16xf32> to vector<16xf32>
      %broadcast_in_dim3A_550 = arith.constant 3.600000e+01 : f32
      %broadcast_in_dim3A_551 = vector.broadcast %broadcast_in_dim3A_550 : f32 to vector<16xf32>
      %gt3A_552 = arith.cmpf ogt, %get3A_549, %select_n3A_543 : vector<16xf32>
      %gt3A_553 = arith.cmpf ogt, %get3A_549, %select_n3A_540 : vector<16xf32>
      %select_n3A_554 = arith.select %gt3A_553, %get3A_549, %select_n3A_540 : vector<16xi1>, vector<16xf32>
      %select_n3A_555 = arith.select %gt3A_552, %select_n3A_543, %select_n3A_554 : vector<16xi1>, vector<16xf32>
      %select_n3A_556 = arith.select %gt3A_553, %broadcast_in_dim3A_551, %select_n3A_542 : vector<16xi1>, vector<16xf32>
      %select_n3A_557 = arith.select %gt3A_552, %select_n3A_544, %select_n3A_556 : vector<16xi1>, vector<16xf32>
      %select_n3A_558 = arith.select %gt3A_552, %get3A_549, %select_n3A_543 : vector<16xi1>, vector<16xf32>
      %select_n3A_559 = arith.select %gt3A_552, %broadcast_in_dim3A_551, %select_n3A_544 : vector<16xi1>, vector<16xf32>
      %get3A_560 = arith.constant 37 : i32
      %get3A_561 = arith.index_cast %get3A_560 : i32 to index
      %get3A_562 = arith.index_cast %mul3A_12 : i32 to index
      %get3A_563 = tpu.vector_load %arg4[%get3A_561, %get3A_562] {strides = array<i32>} : memref<64x1024xf32, #tpu.memory_space<vmem>>, vector<1x16xf32>,
      %get3A_564 = vector.shape_cast %get3A_563 : vector<1x16xf32> to vector<16xf32>
      %broadcast_in_dim3A_565 = arith.constant 3.700000e+01 : f32
      %broadcast_in_dim3A_566 = vector.broadcast %broadcast_in_dim3A_565 : f32 to vector<16xf32>
      %gt3A_567 = arith.cmpf ogt, %get3A_564, %select_n3A_558 : vector<16xf32>
      %gt3A_568 = arith.cmpf ogt, %get3A_564, %select_n3A_555 : vector<16xf32>
      %select_n3A_569 = arith.select %gt3A_568, %get3A_564, %select_n3A_555 : vector<16xi1>, vector<16xf32>
      %select_n3A_570 = arith.select %gt3A_567, %select_n3A_558, %select_n3A_569 : vector<16xi1>, vector<16xf32>
      %select_n3A_571 = arith.select %gt3A_568, %broadcast_in_dim3A_566, %select_n3A_557 : vector<16xi1>, vector<16xf32>
      %select_n3A_572 = arith.select %gt3A_567, %select_n3A_559, %select_n3A_571 : vector<16xi1>, vector<16xf32>
      %select_n3A_573 = arith.select %gt3A_567, %get3A_564, %select_n3A_558 : vector<16xi1>, vector<16xf32>
      %select_n3A_574 = arith.select %gt3A_567, %broadcast_in_dim3A_566, %select_n3A_559 : vector<16xi1>, vector<16xf32>
      %get3A_575 = arith.constant 38 : i32
      %get3A_576 = arith.index_cast %get3A_575 : i32 to index
      %get3A_577 = arith.index_cast %mul3A_12 : i32 to index
      %get3A_578 = tpu.vector_load %arg4[%get3A_576, %get3A_577] {strides = array<i32>} : memref<64x1024xf32, #tpu.memory_space<vmem>>, vector<1x16xf32>,
      %get3A_579 = vector.shape_cast %get3A_578 : vector<1x16xf32> to vector<16xf32>
      %broadcast_in_dim3A_580 = arith.constant 3.800000e+01 : f32
      %broadcast_in_dim3A_581 = vector.broadcast %broadcast_in_dim3A_580 : f32 to vector<16xf32>
      %gt3A_582 = arith.cmpf ogt, %get3A_579, %select_n3A_573 : vector<16xf32>
      %gt3A_583 = arith.cmpf ogt, %get3A_579, %select_n3A_570 : vector<16xf32>
      %select_n3A_584 = arith.select %gt3A_583, %get3A_579, %select_n3A_570 : vector<16xi1>, vector<16xf32>
      %select_n3A_585 = arith.select %gt3A_582, %select_n3A_573, %select_n3A_584 : vector<16xi1>, vector<16xf32>
      %select_n3A_586 = arith.select %gt3A_583, %broadcast_in_dim3A_581, %select_n3A_572 : vector<16xi1>, vector<16xf32>
      %select_n3A_587 = arith.select %gt3A_582, %select_n3A_574, %select_n3A_586 : vector<16xi1>, vector<16xf32>
      %select_n3A_588 = arith.select %gt3A_582, %get3A_579, %select_n3A_573 : vector<16xi1>, vector<16xf32>
      %select_n3A_589 = arith.select %gt3A_582, %broadcast_in_dim3A_581, %select_n3A_574 : vector<16xi1>, vector<16xf32>
      %get3A_590 = arith.constant 39 : i32
      %get3A_591 = arith.index_cast %get3A_590 : i32 to index
      %get3A_592 = arith.index_cast %mul3A_12 : i32 to index
      %get3A_593 = tpu.vector_load %arg4[%get3A_591, %get3A_592] {strides = array<i32>} : memref<64x1024xf32, #tpu.memory_space<vmem>>, vector<1x16xf32>,
      %get3A_594 = vector.shape_cast %get3A_593 : vector<1x16xf32> to vector<16xf32>
      %broadcast_in_dim3A_595 = arith.constant 3.900000e+01 : f32
      %broadcast_in_dim3A_596 = vector.broadcast %broadcast_in_dim3A_595 : f32 to vector<16xf32>
      %gt3A_597 = arith.cmpf ogt, %get3A_594, %select_n3A_588 : vector<16xf32>
      %gt3A_598 = arith.cmpf ogt, %get3A_594, %select_n3A_585 : vector<16xf32>
      %select_n3A_599 = arith.select %gt3A_598, %get3A_594, %select_n3A_585 : vector<16xi1>, vector<16xf32>
      %select_n3A_600 = arith.select %gt3A_597, %select_n3A_588, %select_n3A_599 : vector<16xi1>, vector<16xf32>
      %select_n3A_601 = arith.select %gt3A_598, %broadcast_in_dim3A_596, %select_n3A_587 : vector<16xi1>, vector<16xf32>
      %select_n3A_602 = arith.select %gt3A_597, %select_n3A_589, %select_n3A_601 : vector<16xi1>, vector<16xf32>
      %select_n3A_603 = arith.select %gt3A_597, %get3A_594, %select_n3A_588 : vector<16xi1>, vector<16xf32>
      %select_n3A_604 = arith.select %gt3A_597, %broadcast_in_dim3A_596, %select_n3A_589 : vector<16xi1>, vector<16xf32>
      %get3A_605 = arith.constant 40 : i32
      %get3A_606 = arith.index_cast %get3A_605 : i32 to index
      %get3A_607 = arith.index_cast %mul3A_12 : i32 to index
      %get3A_608 = tpu.vector_load %arg4[%get3A_606, %get3A_607] {strides = array<i32>} : memref<64x1024xf32, #tpu.memory_space<vmem>>, vector<1x16xf32>,
      %get3A_609 = vector.shape_cast %get3A_608 : vector<1x16xf32> to vector<16xf32>
      %broadcast_in_dim3A_610 = arith.constant 4.000000e+01 : f32
      %broadcast_in_dim3A_611 = vector.broadcast %broadcast_in_dim3A_610 : f32 to vector<16xf32>
      %gt3A_612 = arith.cmpf ogt, %get3A_609, %select_n3A_603 : vector<16xf32>
      %gt3A_613 = arith.cmpf ogt, %get3A_609, %select_n3A_600 : vector<16xf32>
      %select_n3A_614 = arith.select %gt3A_613, %get3A_609, %select_n3A_600 : vector<16xi1>, vector<16xf32>
      %select_n3A_615 = arith.select %gt3A_612, %select_n3A_603, %select_n3A_614 : vector<16xi1>, vector<16xf32>
      %select_n3A_616 = arith.select %gt3A_613, %broadcast_in_dim3A_611, %select_n3A_602 : vector<16xi1>, vector<16xf32>
      %select_n3A_617 = arith.select %gt3A_612, %select_n3A_604, %select_n3A_616 : vector<16xi1>, vector<16xf32>
      %select_n3A_618 = arith.select %gt3A_612, %get3A_609, %select_n3A_603 : vector<16xi1>, vector<16xf32>
      %select_n3A_619 = arith.select %gt3A_612, %broadcast_in_dim3A_611, %select_n3A_604 : vector<16xi1>, vector<16xf32>
      %get3A_620 = arith.constant 41 : i32
      %get3A_621 = arith.index_cast %get3A_620 : i32 to index
      %get3A_622 = arith.index_cast %mul3A_12 : i32 to index
      %get3A_623 = tpu.vector_load %arg4[%get3A_621, %get3A_622] {strides = array<i32>} : memref<64x1024xf32, #tpu.memory_space<vmem>>, vector<1x16xf32>,
      %get3A_624 = vector.shape_cast %get3A_623 : vector<1x16xf32> to vector<16xf32>
      %broadcast_in_dim3A_625 = arith.constant 4.100000e+01 : f32
      %broadcast_in_dim3A_626 = vector.broadcast %broadcast_in_dim3A_625 : f32 to vector<16xf32>
      %gt3A_627 = arith.cmpf ogt, %get3A_624, %select_n3A_618 : vector<16xf32>
      %gt3A_628 = arith.cmpf ogt, %get3A_624, %select_n3A_615 : vector<16xf32>
      %select_n3A_629 = arith.select %gt3A_628, %get3A_624, %select_n3A_615 : vector<16xi1>, vector<16xf32>
      %select_n3A_630 = arith.select %gt3A_627, %select_n3A_618, %select_n3A_629 : vector<16xi1>, vector<16xf32>
      %select_n3A_631 = arith.select %gt3A_628, %broadcast_in_dim3A_626, %select_n3A_617 : vector<16xi1>, vector<16xf32>
      %select_n3A_632 = arith.select %gt3A_627, %select_n3A_619, %select_n3A_631 : vector<16xi1>, vector<16xf32>
      %select_n3A_633 = arith.select %gt3A_627, %get3A_624, %select_n3A_618 : vector<16xi1>, vector<16xf32>
      %select_n3A_634 = arith.select %gt3A_627, %broadcast_in_dim3A_626, %select_n3A_619 : vector<16xi1>, vector<16xf32>
      %get3A_635 = arith.constant 42 : i32
      %get3A_636 = arith.index_cast %get3A_635 : i32 to index
      %get3A_637 = arith.index_cast %mul3A_12 : i32 to index
      %get3A_638 = tpu.vector_load %arg4[%get3A_636, %get3A_637] {strides = array<i32>} : memref<64x1024xf32, #tpu.memory_space<vmem>>, vector<1x16xf32>,
      %get3A_639 = vector.shape_cast %get3A_638 : vector<1x16xf32> to vector<16xf32>
      %broadcast_in_dim3A_640 = arith.constant 4.200000e+01 : f32
      %broadcast_in_dim3A_641 = vector.broadcast %broadcast_in_dim3A_640 : f32 to vector<16xf32>
      %gt3A_642 = arith.cmpf ogt, %get3A_639, %select_n3A_633 : vector<16xf32>
      %gt3A_643 = arith.cmpf ogt, %get3A_639, %select_n3A_630 : vector<16xf32>
      %select_n3A_644 = arith.select %gt3A_643, %get3A_639, %select_n3A_630 : vector<16xi1>, vector<16xf32>
      %select_n3A_645 = arith.select %gt3A_642, %select_n3A_633, %select_n3A_644 : vector<16xi1>, vector<16xf32>
      %select_n3A_646 = arith.select %gt3A_643, %broadcast_in_dim3A_641, %select_n3A_632 : vector<16xi1>, vector<16xf32>
      %select_n3A_647 = arith.select %gt3A_642, %select_n3A_634, %select_n3A_646 : vector<16xi1>, vector<16xf32>
      %select_n3A_648 = arith.select %gt3A_642, %get3A_639, %select_n3A_633 : vector<16xi1>, vector<16xf32>
      %select_n3A_649 = arith.select %gt3A_642, %broadcast_in_dim3A_641, %select_n3A_634 : vector<16xi1>, vector<16xf32>
      %get3A_650 = arith.constant 43 : i32
      %get3A_651 = arith.index_cast %get3A_650 : i32 to index
      %get3A_652 = arith.index_cast %mul3A_12 : i32 to index
      %get3A_653 = tpu.vector_load %arg4[%get3A_651, %get3A_652] {strides = array<i32>} : memref<64x1024xf32, #tpu.memory_space<vmem>>, vector<1x16xf32>,
      %get3A_654 = vector.shape_cast %get3A_653 : vector<1x16xf32> to vector<16xf32>
      %broadcast_in_dim3A_655 = arith.constant 4.300000e+01 : f32
      %broadcast_in_dim3A_656 = vector.broadcast %broadcast_in_dim3A_655 : f32 to vector<16xf32>
      %gt3A_657 = arith.cmpf ogt, %get3A_654, %select_n3A_648 : vector<16xf32>
      %gt3A_658 = arith.cmpf ogt, %get3A_654, %select_n3A_645 : vector<16xf32>
      %select_n3A_659 = arith.select %gt3A_658, %get3A_654, %select_n3A_645 : vector<16xi1>, vector<16xf32>
      %select_n3A_660 = arith.select %gt3A_657, %select_n3A_648, %select_n3A_659 : vector<16xi1>, vector<16xf32>
      %select_n3A_661 = arith.select %gt3A_658, %broadcast_in_dim3A_656, %select_n3A_647 : vector<16xi1>, vector<16xf32>
      %select_n3A_662 = arith.select %gt3A_657, %select_n3A_649, %select_n3A_661 : vector<16xi1>, vector<16xf32>
      %select_n3A_663 = arith.select %gt3A_657, %get3A_654, %select_n3A_648 : vector<16xi1>, vector<16xf32>
      %select_n3A_664 = arith.select %gt3A_657, %broadcast_in_dim3A_656, %select_n3A_649 : vector<16xi1>, vector<16xf32>
      %get3A_665 = arith.constant 44 : i32
      %get3A_666 = arith.index_cast %get3A_665 : i32 to index
      %get3A_667 = arith.index_cast %mul3A_12 : i32 to index
      %get3A_668 = tpu.vector_load %arg4[%get3A_666, %get3A_667] {strides = array<i32>} : memref<64x1024xf32, #tpu.memory_space<vmem>>, vector<1x16xf32>,
      %get3A_669 = vector.shape_cast %get3A_668 : vector<1x16xf32> to vector<16xf32>
      %broadcast_in_dim3A_670 = arith.constant 4.400000e+01 : f32
      %broadcast_in_dim3A_671 = vector.broadcast %broadcast_in_dim3A_670 : f32 to vector<16xf32>
      %gt3A_672 = arith.cmpf ogt, %get3A_669, %select_n3A_663 : vector<16xf32>
      %gt3A_673 = arith.cmpf ogt, %get3A_669, %select_n3A_660 : vector<16xf32>
      %select_n3A_674 = arith.select %gt3A_673, %get3A_669, %select_n3A_660 : vector<16xi1>, vector<16xf32>
      %select_n3A_675 = arith.select %gt3A_672, %select_n3A_663, %select_n3A_674 : vector<16xi1>, vector<16xf32>
      %select_n3A_676 = arith.select %gt3A_673, %broadcast_in_dim3A_671, %select_n3A_662 : vector<16xi1>, vector<16xf32>
      %select_n3A_677 = arith.select %gt3A_672, %select_n3A_664, %select_n3A_676 : vector<16xi1>, vector<16xf32>
      %select_n3A_678 = arith.select %gt3A_672, %get3A_669, %select_n3A_663 : vector<16xi1>, vector<16xf32>
      %select_n3A_679 = arith.select %gt3A_672, %broadcast_in_dim3A_671, %select_n3A_664 : vector<16xi1>, vector<16xf32>
      %get3A_680 = arith.constant 45 : i32
      %get3A_681 = arith.index_cast %get3A_680 : i32 to index
      %get3A_682 = arith.index_cast %mul3A_12 : i32 to index
      %get3A_683 = tpu.vector_load %arg4[%get3A_681, %get3A_682] {strides = array<i32>} : memref<64x1024xf32, #tpu.memory_space<vmem>>, vector<1x16xf32>,
      %get3A_684 = vector.shape_cast %get3A_683 : vector<1x16xf32> to vector<16xf32>
      %broadcast_in_dim3A_685 = arith.constant 4.500000e+01 : f32
      %broadcast_in_dim3A_686 = vector.broadcast %broadcast_in_dim3A_685 : f32 to vector<16xf32>
      %gt3A_687 = arith.cmpf ogt, %get3A_684, %select_n3A_678 : vector<16xf32>
      %gt3A_688 = arith.cmpf ogt, %get3A_684, %select_n3A_675 : vector<16xf32>
      %select_n3A_689 = arith.select %gt3A_688, %get3A_684, %select_n3A_675 : vector<16xi1>, vector<16xf32>
      %select_n3A_690 = arith.select %gt3A_687, %select_n3A_678, %select_n3A_689 : vector<16xi1>, vector<16xf32>
      %select_n3A_691 = arith.select %gt3A_688, %broadcast_in_dim3A_686, %select_n3A_677 : vector<16xi1>, vector<16xf32>
      %select_n3A_692 = arith.select %gt3A_687, %select_n3A_679, %select_n3A_691 : vector<16xi1>, vector<16xf32>
      %select_n3A_693 = arith.select %gt3A_687, %get3A_684, %select_n3A_678 : vector<16xi1>, vector<16xf32>
      %select_n3A_694 = arith.select %gt3A_687, %broadcast_in_dim3A_686, %select_n3A_679 : vector<16xi1>, vector<16xf32>
      %get3A_695 = arith.constant 46 : i32
      %get3A_696 = arith.index_cast %get3A_695 : i32 to index
      %get3A_697 = arith.index_cast %mul3A_12 : i32 to index
      %get3A_698 = tpu.vector_load %arg4[%get3A_696, %get3A_697] {strides = array<i32>} : memref<64x1024xf32, #tpu.memory_space<vmem>>, vector<1x16xf32>,
      %get3A_699 = vector.shape_cast %get3A_698 : vector<1x16xf32> to vector<16xf32>
      %broadcast_in_dim3A_700 = arith.constant 4.600000e+01 : f32
      %broadcast_in_dim3A_701 = vector.broadcast %broadcast_in_dim3A_700 : f32 to vector<16xf32>
      %gt3A_702 = arith.cmpf ogt, %get3A_699, %select_n3A_693 : vector<16xf32>
      %gt3A_703 = arith.cmpf ogt, %get3A_699, %select_n3A_690 : vector<16xf32>
      %select_n3A_704 = arith.select %gt3A_703, %get3A_699, %select_n3A_690 : vector<16xi1>, vector<16xf32>
      %select_n3A_705 = arith.select %gt3A_702, %select_n3A_693, %select_n3A_704 : vector<16xi1>, vector<16xf32>
      %select_n3A_706 = arith.select %gt3A_703, %broadcast_in_dim3A_701, %select_n3A_692 : vector<16xi1>, vector<16xf32>
      %select_n3A_707 = arith.select %gt3A_702, %select_n3A_694, %select_n3A_706 : vector<16xi1>, vector<16xf32>
      %select_n3A_708 = arith.select %gt3A_702, %get3A_699, %select_n3A_693 : vector<16xi1>, vector<16xf32>
      %select_n3A_709 = arith.select %gt3A_702, %broadcast_in_dim3A_701, %select_n3A_694 : vector<16xi1>, vector<16xf32>
      %get3A_710 = arith.constant 47 : i32
      %get3A_711 = arith.index_cast %get3A_710 : i32 to index
      %get3A_712 = arith.index_cast %mul3A_12 : i32 to index
      %get3A_713 = tpu.vector_load %arg4[%get3A_711, %get3A_712] {strides = array<i32>} : memref<64x1024xf32, #tpu.memory_space<vmem>>, vector<1x16xf32>,
      %get3A_714 = vector.shape_cast %get3A_713 : vector<1x16xf32> to vector<16xf32>
      %broadcast_in_dim3A_715 = arith.constant 4.700000e+01 : f32
      %broadcast_in_dim3A_716 = vector.broadcast %broadcast_in_dim3A_715 : f32 to vector<16xf32>
      %gt3A_717 = arith.cmpf ogt, %get3A_714, %select_n3A_708 : vector<16xf32>
      %gt3A_718 = arith.cmpf ogt, %get3A_714, %select_n3A_705 : vector<16xf32>
      %select_n3A_719 = arith.select %gt3A_718, %get3A_714, %select_n3A_705 : vector<16xi1>, vector<16xf32>
      %select_n3A_720 = arith.select %gt3A_717, %select_n3A_708, %select_n3A_719 : vector<16xi1>, vector<16xf32>
      %select_n3A_721 = arith.select %gt3A_718, %broadcast_in_dim3A_716, %select_n3A_707 : vector<16xi1>, vector<16xf32>
      %select_n3A_722 = arith.select %gt3A_717, %select_n3A_709, %select_n3A_721 : vector<16xi1>, vector<16xf32>
      %select_n3A_723 = arith.select %gt3A_717, %get3A_714, %select_n3A_708 : vector<16xi1>, vector<16xf32>
      %select_n3A_724 = arith.select %gt3A_717, %broadcast_in_dim3A_716, %select_n3A_709 : vector<16xi1>, vector<16xf32>
      %get3A_725 = arith.constant 48 : i32
      %get3A_726 = arith.index_cast %get3A_725 : i32 to index
      %get3A_727 = arith.index_cast %mul3A_12 : i32 to index
      %get3A_728 = tpu.vector_load %arg4[%get3A_726, %get3A_727] {strides = array<i32>} : memref<64x1024xf32, #tpu.memory_space<vmem>>, vector<1x16xf32>,
      %get3A_729 = vector.shape_cast %get3A_728 : vector<1x16xf32> to vector<16xf32>
      %broadcast_in_dim3A_730 = arith.constant 4.800000e+01 : f32
      %broadcast_in_dim3A_731 = vector.broadcast %broadcast_in_dim3A_730 : f32 to vector<16xf32>
      %gt3A_732 = arith.cmpf ogt, %get3A_729, %select_n3A_723 : vector<16xf32>
      %gt3A_733 = arith.cmpf ogt, %get3A_729, %select_n3A_720 : vector<16xf32>
      %select_n3A_734 = arith.select %gt3A_733, %get3A_729, %select_n3A_720 : vector<16xi1>, vector<16xf32>
      %select_n3A_735 = arith.select %gt3A_732, %select_n3A_723, %select_n3A_734 : vector<16xi1>, vector<16xf32>
      %select_n3A_736 = arith.select %gt3A_733, %broadcast_in_dim3A_731, %select_n3A_722 : vector<16xi1>, vector<16xf32>
      %select_n3A_737 = arith.select %gt3A_732, %select_n3A_724, %select_n3A_736 : vector<16xi1>, vector<16xf32>
      %select_n3A_738 = arith.select %gt3A_732, %get3A_729, %select_n3A_723 : vector<16xi1>, vector<16xf32>
      %select_n3A_739 = arith.select %gt3A_732, %broadcast_in_dim3A_731, %select_n3A_724 : vector<16xi1>, vector<16xf32>
      %get3A_740 = arith.constant 49 : i32
      %get3A_741 = arith.index_cast %get3A_740 : i32 to index
      %get3A_742 = arith.index_cast %mul3A_12 : i32 to index
      %get3A_743 = tpu.vector_load %arg4[%get3A_741, %get3A_742] {strides = array<i32>} : memref<64x1024xf32, #tpu.memory_space<vmem>>, vector<1x16xf32>,
      %get3A_744 = vector.shape_cast %get3A_743 : vector<1x16xf32> to vector<16xf32>
      %broadcast_in_dim3A_745 = arith.constant 4.900000e+01 : f32
      %broadcast_in_dim3A_746 = vector.broadcast %broadcast_in_dim3A_745 : f32 to vector<16xf32>
      %gt3A_747 = arith.cmpf ogt, %get3A_744, %select_n3A_738 : vector<16xf32>
      %gt3A_748 = arith.cmpf ogt, %get3A_744, %select_n3A_735 : vector<16xf32>
      %select_n3A_749 = arith.select %gt3A_748, %get3A_744, %select_n3A_735 : vector<16xi1>, vector<16xf32>
      %select_n3A_750 = arith.select %gt3A_747, %select_n3A_738, %select_n3A_749 : vector<16xi1>, vector<16xf32>
      %select_n3A_751 = arith.select %gt3A_748, %broadcast_in_dim3A_746, %select_n3A_737 : vector<16xi1>, vector<16xf32>
      %select_n3A_752 = arith.select %gt3A_747, %select_n3A_739, %select_n3A_751 : vector<16xi1>, vector<16xf32>
      %select_n3A_753 = arith.select %gt3A_747, %get3A_744, %select_n3A_738 : vector<16xi1>, vector<16xf32>
      %select_n3A_754 = arith.select %gt3A_747, %broadcast_in_dim3A_746, %select_n3A_739 : vector<16xi1>, vector<16xf32>
      %get3A_755 = arith.constant 50 : i32
      %get3A_756 = arith.index_cast %get3A_755 : i32 to index
      %get3A_757 = arith.index_cast %mul3A_12 : i32 to index
      %get3A_758 = tpu.vector_load %arg4[%get3A_756, %get3A_757] {strides = array<i32>} : memref<64x1024xf32, #tpu.memory_space<vmem>>, vector<1x16xf32>,
      %get3A_759 = vector.shape_cast %get3A_758 : vector<1x16xf32> to vector<16xf32>
      %broadcast_in_dim3A_760 = arith.constant 5.000000e+01 : f32
      %broadcast_in_dim3A_761 = vector.broadcast %broadcast_in_dim3A_760 : f32 to vector<16xf32>
      %gt3A_762 = arith.cmpf ogt, %get3A_759, %select_n3A_753 : vector<16xf32>
      %gt3A_763 = arith.cmpf ogt, %get3A_759, %select_n3A_750 : vector<16xf32>
      %select_n3A_764 = arith.select %gt3A_763, %get3A_759, %select_n3A_750 : vector<16xi1>, vector<16xf32>
      %select_n3A_765 = arith.select %gt3A_762, %select_n3A_753, %select_n3A_764 : vector<16xi1>, vector<16xf32>
      %select_n3A_766 = arith.select %gt3A_763, %broadcast_in_dim3A_761, %select_n3A_752 : vector<16xi1>, vector<16xf32>
      %select_n3A_767 = arith.select %gt3A_762, %select_n3A_754, %select_n3A_766 : vector<16xi1>, vector<16xf32>
      %select_n3A_768 = arith.select %gt3A_762, %get3A_759, %select_n3A_753 : vector<16xi1>, vector<16xf32>
      %select_n3A_769 = arith.select %gt3A_762, %broadcast_in_dim3A_761, %select_n3A_754 : vector<16xi1>, vector<16xf32>
      %get3A_770 = arith.constant 51 : i32
      %get3A_771 = arith.index_cast %get3A_770 : i32 to index
      %get3A_772 = arith.index_cast %mul3A_12 : i32 to index
      %get3A_773 = tpu.vector_load %arg4[%get3A_771, %get3A_772] {strides = array<i32>} : memref<64x1024xf32, #tpu.memory_space<vmem>>, vector<1x16xf32>,
      %get3A_774 = vector.shape_cast %get3A_773 : vector<1x16xf32> to vector<16xf32>
      %broadcast_in_dim3A_775 = arith.constant 5.100000e+01 : f32
      %broadcast_in_dim3A_776 = vector.broadcast %broadcast_in_dim3A_775 : f32 to vector<16xf32>
      %gt3A_777 = arith.cmpf ogt, %get3A_774, %select_n3A_768 : vector<16xf32>
      %gt3A_778 = arith.cmpf ogt, %get3A_774, %select_n3A_765 : vector<16xf32>
      %select_n3A_779 = arith.select %gt3A_778, %get3A_774, %select_n3A_765 : vector<16xi1>, vector<16xf32>
      %select_n3A_780 = arith.select %gt3A_777, %select_n3A_768, %select_n3A_779 : vector<16xi1>, vector<16xf32>
      %select_n3A_781 = arith.select %gt3A_778, %broadcast_in_dim3A_776, %select_n3A_767 : vector<16xi1>, vector<16xf32>
      %select_n3A_782 = arith.select %gt3A_777, %select_n3A_769, %select_n3A_781 : vector<16xi1>, vector<16xf32>
      %select_n3A_783 = arith.select %gt3A_777, %get3A_774, %select_n3A_768 : vector<16xi1>, vector<16xf32>
      %select_n3A_784 = arith.select %gt3A_777, %broadcast_in_dim3A_776, %select_n3A_769 : vector<16xi1>, vector<16xf32>
      %get3A_785 = arith.constant 52 : i32
      %get3A_786 = arith.index_cast %get3A_785 : i32 to index
      %get3A_787 = arith.index_cast %mul3A_12 : i32 to index
      %get3A_788 = tpu.vector_load %arg4[%get3A_786, %get3A_787] {strides = array<i32>} : memref<64x1024xf32, #tpu.memory_space<vmem>>, vector<1x16xf32>,
      %get3A_789 = vector.shape_cast %get3A_788 : vector<1x16xf32> to vector<16xf32>
      %broadcast_in_dim3A_790 = arith.constant 5.200000e+01 : f32
      %broadcast_in_dim3A_791 = vector.broadcast %broadcast_in_dim3A_790 : f32 to vector<16xf32>
      %gt3A_792 = arith.cmpf ogt, %get3A_789, %select_n3A_783 : vector<16xf32>
      %gt3A_793 = arith.cmpf ogt, %get3A_789, %select_n3A_780 : vector<16xf32>
      %select_n3A_794 = arith.select %gt3A_793, %get3A_789, %select_n3A_780 : vector<16xi1>, vector<16xf32>
      %select_n3A_795 = arith.select %gt3A_792, %select_n3A_783, %select_n3A_794 : vector<16xi1>, vector<16xf32>
      %select_n3A_796 = arith.select %gt3A_793, %broadcast_in_dim3A_791, %select_n3A_782 : vector<16xi1>, vector<16xf32>
      %select_n3A_797 = arith.select %gt3A_792, %select_n3A_784, %select_n3A_796 : vector<16xi1>, vector<16xf32>
      %select_n3A_798 = arith.select %gt3A_792, %get3A_789, %select_n3A_783 : vector<16xi1>, vector<16xf32>
      %select_n3A_799 = arith.select %gt3A_792, %broadcast_in_dim3A_791, %select_n3A_784 : vector<16xi1>, vector<16xf32>
      %get3A_800 = arith.constant 53 : i32
      %get3A_801 = arith.index_cast %get3A_800 : i32 to index
      %get3A_802 = arith.index_cast %mul3A_12 : i32 to index
      %get3A_803 = tpu.vector_load %arg4[%get3A_801, %get3A_802] {strides = array<i32>} : memref<64x1024xf32, #tpu.memory_space<vmem>>, vector<1x16xf32>,
      %get3A_804 = vector.shape_cast %get3A_803 : vector<1x16xf32> to vector<16xf32>
      %broadcast_in_dim3A_805 = arith.constant 5.300000e+01 : f32
      %broadcast_in_dim3A_806 = vector.broadcast %broadcast_in_dim3A_805 : f32 to vector<16xf32>
      %gt3A_807 = arith.cmpf ogt, %get3A_804, %select_n3A_798 : vector<16xf32>
      %gt3A_808 = arith.cmpf ogt, %get3A_804, %select_n3A_795 : vector<16xf32>
      %select_n3A_809 = arith.select %gt3A_808, %get3A_804, %select_n3A_795 : vector<16xi1>, vector<16xf32>
      %select_n3A_810 = arith.select %gt3A_807, %select_n3A_798, %select_n3A_809 : vector<16xi1>, vector<16xf32>
      %select_n3A_811 = arith.select %gt3A_808, %broadcast_in_dim3A_806, %select_n3A_797 : vector<16xi1>, vector<16xf32>
      %select_n3A_812 = arith.select %gt3A_807, %select_n3A_799, %select_n3A_811 : vector<16xi1>, vector<16xf32>
      %select_n3A_813 = arith.select %gt3A_807, %get3A_804, %select_n3A_798 : vector<16xi1>, vector<16xf32>
      %select_n3A_814 = arith.select %gt3A_807, %broadcast_in_dim3A_806, %select_n3A_799 : vector<16xi1>, vector<16xf32>
      %get3A_815 = arith.constant 54 : i32
      %get3A_816 = arith.index_cast %get3A_815 : i32 to index
      %get3A_817 = arith.index_cast %mul3A_12 : i32 to index
      %get3A_818 = tpu.vector_load %arg4[%get3A_816, %get3A_817] {strides = array<i32>} : memref<64x1024xf32, #tpu.memory_space<vmem>>, vector<1x16xf32>,
      %get3A_819 = vector.shape_cast %get3A_818 : vector<1x16xf32> to vector<16xf32>
      %broadcast_in_dim3A_820 = arith.constant 5.400000e+01 : f32
      %broadcast_in_dim3A_821 = vector.broadcast %broadcast_in_dim3A_820 : f32 to vector<16xf32>
      %gt3A_822 = arith.cmpf ogt, %get3A_819, %select_n3A_813 : vector<16xf32>
      %gt3A_823 = arith.cmpf ogt, %get3A_819, %select_n3A_810 : vector<16xf32>
      %select_n3A_824 = arith.select %gt3A_823, %get3A_819, %select_n3A_810 : vector<16xi1>, vector<16xf32>
      %select_n3A_825 = arith.select %gt3A_822, %select_n3A_813, %select_n3A_824 : vector<16xi1>, vector<16xf32>
      %select_n3A_826 = arith.select %gt3A_823, %broadcast_in_dim3A_821, %select_n3A_812 : vector<16xi1>, vector<16xf32>
      %select_n3A_827 = arith.select %gt3A_822, %select_n3A_814, %select_n3A_826 : vector<16xi1>, vector<16xf32>
      %select_n3A_828 = arith.select %gt3A_822, %get3A_819, %select_n3A_813 : vector<16xi1>, vector<16xf32>
      %select_n3A_829 = arith.select %gt3A_822, %broadcast_in_dim3A_821, %select_n3A_814 : vector<16xi1>, vector<16xf32>
      %get3A_830 = arith.constant 55 : i32
      %get3A_831 = arith.index_cast %get3A_830 : i32 to index
      %get3A_832 = arith.index_cast %mul3A_12 : i32 to index
      %get3A_833 = tpu.vector_load %arg4[%get3A_831, %get3A_832] {strides = array<i32>} : memref<64x1024xf32, #tpu.memory_space<vmem>>, vector<1x16xf32>,
      %get3A_834 = vector.shape_cast %get3A_833 : vector<1x16xf32> to vector<16xf32>
      %broadcast_in_dim3A_835 = arith.constant 5.500000e+01 : f32
      %broadcast_in_dim3A_836 = vector.broadcast %broadcast_in_dim3A_835 : f32 to vector<16xf32>
      %gt3A_837 = arith.cmpf ogt, %get3A_834, %select_n3A_828 : vector<16xf32>
      %gt3A_838 = arith.cmpf ogt, %get3A_834, %select_n3A_825 : vector<16xf32>
      %select_n3A_839 = arith.select %gt3A_838, %get3A_834, %select_n3A_825 : vector<16xi1>, vector<16xf32>
      %select_n3A_840 = arith.select %gt3A_837, %select_n3A_828, %select_n3A_839 : vector<16xi1>, vector<16xf32>
      %select_n3A_841 = arith.select %gt3A_838, %broadcast_in_dim3A_836, %select_n3A_827 : vector<16xi1>, vector<16xf32>
      %select_n3A_842 = arith.select %gt3A_837, %select_n3A_829, %select_n3A_841 : vector<16xi1>, vector<16xf32>
      %select_n3A_843 = arith.select %gt3A_837, %get3A_834, %select_n3A_828 : vector<16xi1>, vector<16xf32>
      %select_n3A_844 = arith.select %gt3A_837, %broadcast_in_dim3A_836, %select_n3A_829 : vector<16xi1>, vector<16xf32>
      %get3A_845 = arith.constant 56 : i32
      %get3A_846 = arith.index_cast %get3A_845 : i32 to index
      %get3A_847 = arith.index_cast %mul3A_12 : i32 to index
      %get3A_848 = tpu.vector_load %arg4[%get3A_846, %get3A_847] {strides = array<i32>} : memref<64x1024xf32, #tpu.memory_space<vmem>>, vector<1x16xf32>,
      %get3A_849 = vector.shape_cast %get3A_848 : vector<1x16xf32> to vector<16xf32>
      %broadcast_in_dim3A_850 = arith.constant 5.600000e+01 : f32
      %broadcast_in_dim3A_851 = vector.broadcast %broadcast_in_dim3A_850 : f32 to vector<16xf32>
      %gt3A_852 = arith.cmpf ogt, %get3A_849, %select_n3A_843 : vector<16xf32>
      %gt3A_853 = arith.cmpf ogt, %get3A_849, %select_n3A_840 : vector<16xf32>
      %select_n3A_854 = arith.select %gt3A_853, %get3A_849, %select_n3A_840 : vector<16xi1>, vector<16xf32>
      %select_n3A_855 = arith.select %gt3A_852, %select_n3A_843, %select_n3A_854 : vector<16xi1>, vector<16xf32>
      %select_n3A_856 = arith.select %gt3A_853, %broadcast_in_dim3A_851, %select_n3A_842 : vector<16xi1>, vector<16xf32>
      %select_n3A_857 = arith.select %gt3A_852, %select_n3A_844, %select_n3A_856 : vector<16xi1>, vector<16xf32>
      %select_n3A_858 = arith.select %gt3A_852, %get3A_849, %select_n3A_843 : vector<16xi1>, vector<16xf32>
      %select_n3A_859 = arith.select %gt3A_852, %broadcast_in_dim3A_851, %select_n3A_844 : vector<16xi1>, vector<16xf32>
      %get3A_860 = arith.constant 57 : i32
      %get3A_861 = arith.index_cast %get3A_860 : i32 to index
      %get3A_862 = arith.index_cast %mul3A_12 : i32 to index
      %get3A_863 = tpu.vector_load %arg4[%get3A_861, %get3A_862] {strides = array<i32>} : memref<64x1024xf32, #tpu.memory_space<vmem>>, vector<1x16xf32>,
      %get3A_864 = vector.shape_cast %get3A_863 : vector<1x16xf32> to vector<16xf32>
      %broadcast_in_dim3A_865 = arith.constant 5.700000e+01 : f32
      %broadcast_in_dim3A_866 = vector.broadcast %broadcast_in_dim3A_865 : f32 to vector<16xf32>
      %gt3A_867 = arith.cmpf ogt, %get3A_864, %select_n3A_858 : vector<16xf32>
      %gt3A_868 = arith.cmpf ogt, %get3A_864, %select_n3A_855 : vector<16xf32>
      %select_n3A_869 = arith.select %gt3A_868, %get3A_864, %select_n3A_855 : vector<16xi1>, vector<16xf32>
      %select_n3A_870 = arith.select %gt3A_867, %select_n3A_858, %select_n3A_869 : vector<16xi1>, vector<16xf32>
      %select_n3A_871 = arith.select %gt3A_868, %broadcast_in_dim3A_866, %select_n3A_857 : vector<16xi1>, vector<16xf32>
      %select_n3A_872 = arith.select %gt3A_867, %select_n3A_859, %select_n3A_871 : vector<16xi1>, vector<16xf32>
      %select_n3A_873 = arith.select %gt3A_867, %get3A_864, %select_n3A_858 : vector<16xi1>, vector<16xf32>
      %select_n3A_874 = arith.select %gt3A_867, %broadcast_in_dim3A_866, %select_n3A_859 : vector<16xi1>, vector<16xf32>
      %get3A_875 = arith.constant 58 : i32
      %get3A_876 = arith.index_cast %get3A_875 : i32 to index
      %get3A_877 = arith.index_cast %mul3A_12 : i32 to index
      %get3A_878 = tpu.vector_load %arg4[%get3A_876, %get3A_877] {strides = array<i32>} : memref<64x1024xf32, #tpu.memory_space<vmem>>, vector<1x16xf32>,
      %get3A_879 = vector.shape_cast %get3A_878 : vector<1x16xf32> to vector<16xf32>
      %broadcast_in_dim3A_880 = arith.constant 5.800000e+01 : f32
      %broadcast_in_dim3A_881 = vector.broadcast %broadcast_in_dim3A_880 : f32 to vector<16xf32>
      %gt3A_882 = arith.cmpf ogt, %get3A_879, %select_n3A_873 : vector<16xf32>
      %gt3A_883 = arith.cmpf ogt, %get3A_879, %select_n3A_870 : vector<16xf32>
      %select_n3A_884 = arith.select %gt3A_883, %get3A_879, %select_n3A_870 : vector<16xi1>, vector<16xf32>
      %select_n3A_885 = arith.select %gt3A_882, %select_n3A_873, %select_n3A_884 : vector<16xi1>, vector<16xf32>
      %select_n3A_886 = arith.select %gt3A_883, %broadcast_in_dim3A_881, %select_n3A_872 : vector<16xi1>, vector<16xf32>
      %select_n3A_887 = arith.select %gt3A_882, %select_n3A_874, %select_n3A_886 : vector<16xi1>, vector<16xf32>
      %select_n3A_888 = arith.select %gt3A_882, %get3A_879, %select_n3A_873 : vector<16xi1>, vector<16xf32>
      %select_n3A_889 = arith.select %gt3A_882, %broadcast_in_dim3A_881, %select_n3A_874 : vector<16xi1>, vector<16xf32>
      %get3A_890 = arith.constant 59 : i32
      %get3A_891 = arith.index_cast %get3A_890 : i32 to index
      %get3A_892 = arith.index_cast %mul3A_12 : i32 to index
      %get3A_893 = tpu.vector_load %arg4[%get3A_891, %get3A_892] {strides = array<i32>} : memref<64x1024xf32, #tpu.memory_space<vmem>>, vector<1x16xf32>,
      %get3A_894 = vector.shape_cast %get3A_893 : vector<1x16xf32> to vector<16xf32>
      %broadcast_in_dim3A_895 = arith.constant 5.900000e+01 : f32
      %broadcast_in_dim3A_896 = vector.broadcast %broadcast_in_dim3A_895 : f32 to vector<16xf32>
      %gt3A_897 = arith.cmpf ogt, %get3A_894, %select_n3A_888 : vector<16xf32>
      %gt3A_898 = arith.cmpf ogt, %get3A_894, %select_n3A_885 : vector<16xf32>
      %select_n3A_899 = arith.select %gt3A_898, %get3A_894, %select_n3A_885 : vector<16xi1>, vector<16xf32>
      %select_n3A_900 = arith.select %gt3A_897, %select_n3A_888, %select_n3A_899 : vector<16xi1>, vector<16xf32>
      %select_n3A_901 = arith.select %gt3A_898, %broadcast_in_dim3A_896, %select_n3A_887 : vector<16xi1>, vector<16xf32>
      %select_n3A_902 = arith.select %gt3A_897, %select_n3A_889, %select_n3A_901 : vector<16xi1>, vector<16xf32>
      %select_n3A_903 = arith.select %gt3A_897, %get3A_894, %select_n3A_888 : vector<16xi1>, vector<16xf32>
      %select_n3A_904 = arith.select %gt3A_897, %broadcast_in_dim3A_896, %select_n3A_889 : vector<16xi1>, vector<16xf32>
      %get3A_905 = arith.constant 60 : i32
      %get3A_906 = arith.index_cast %get3A_905 : i32 to index
      %get3A_907 = arith.index_cast %mul3A_12 : i32 to index
      %get3A_908 = tpu.vector_load %arg4[%get3A_906, %get3A_907] {strides = array<i32>} : memref<64x1024xf32, #tpu.memory_space<vmem>>, vector<1x16xf32>,
      %get3A_909 = vector.shape_cast %get3A_908 : vector<1x16xf32> to vector<16xf32>
      %broadcast_in_dim3A_910 = arith.constant 6.000000e+01 : f32
      %broadcast_in_dim3A_911 = vector.broadcast %broadcast_in_dim3A_910 : f32 to vector<16xf32>
      %gt3A_912 = arith.cmpf ogt, %get3A_909, %select_n3A_903 : vector<16xf32>
      %gt3A_913 = arith.cmpf ogt, %get3A_909, %select_n3A_900 : vector<16xf32>
      %select_n3A_914 = arith.select %gt3A_913, %get3A_909, %select_n3A_900 : vector<16xi1>, vector<16xf32>
      %select_n3A_915 = arith.select %gt3A_912, %select_n3A_903, %select_n3A_914 : vector<16xi1>, vector<16xf32>
      %select_n3A_916 = arith.select %gt3A_913, %broadcast_in_dim3A_911, %select_n3A_902 : vector<16xi1>, vector<16xf32>
      %select_n3A_917 = arith.select %gt3A_912, %select_n3A_904, %select_n3A_916 : vector<16xi1>, vector<16xf32>
      %select_n3A_918 = arith.select %gt3A_912, %get3A_909, %select_n3A_903 : vector<16xi1>, vector<16xf32>
      %select_n3A_919 = arith.select %gt3A_912, %broadcast_in_dim3A_911, %select_n3A_904 : vector<16xi1>, vector<16xf32>
      %get3A_920 = arith.constant 61 : i32
      %get3A_921 = arith.index_cast %get3A_920 : i32 to index
      %get3A_922 = arith.index_cast %mul3A_12 : i32 to index
      %get3A_923 = tpu.vector_load %arg4[%get3A_921, %get3A_922] {strides = array<i32>} : memref<64x1024xf32, #tpu.memory_space<vmem>>, vector<1x16xf32>,
      %get3A_924 = vector.shape_cast %get3A_923 : vector<1x16xf32> to vector<16xf32>
      %broadcast_in_dim3A_925 = arith.constant 6.100000e+01 : f32
      %broadcast_in_dim3A_926 = vector.broadcast %broadcast_in_dim3A_925 : f32 to vector<16xf32>
      %gt3A_927 = arith.cmpf ogt, %get3A_924, %select_n3A_918 : vector<16xf32>
      %gt3A_928 = arith.cmpf ogt, %get3A_924, %select_n3A_915 : vector<16xf32>
      %select_n3A_929 = arith.select %gt3A_928, %get3A_924, %select_n3A_915 : vector<16xi1>, vector<16xf32>
      %select_n3A_930 = arith.select %gt3A_927, %select_n3A_918, %select_n3A_929 : vector<16xi1>, vector<16xf32>
      %select_n3A_931 = arith.select %gt3A_928, %broadcast_in_dim3A_926, %select_n3A_917 : vector<16xi1>, vector<16xf32>
      %select_n3A_932 = arith.select %gt3A_927, %select_n3A_919, %select_n3A_931 : vector<16xi1>, vector<16xf32>
      %select_n3A_933 = arith.select %gt3A_927, %get3A_924, %select_n3A_918 : vector<16xi1>, vector<16xf32>
      %select_n3A_934 = arith.select %gt3A_927, %broadcast_in_dim3A_926, %select_n3A_919 : vector<16xi1>, vector<16xf32>
      %get3A_935 = arith.constant 62 : i32
      %get3A_936 = arith.index_cast %get3A_935 : i32 to index
      %get3A_937 = arith.index_cast %mul3A_12 : i32 to index
      %get3A_938 = tpu.vector_load %arg4[%get3A_936, %get3A_937] {strides = array<i32>} : memref<64x1024xf32, #tpu.memory_space<vmem>>, vector<1x16xf32>,
      %get3A_939 = vector.shape_cast %get3A_938 : vector<1x16xf32> to vector<16xf32>
      %broadcast_in_dim3A_940 = arith.constant 6.200000e+01 : f32
      %broadcast_in_dim3A_941 = vector.broadcast %broadcast_in_dim3A_940 : f32 to vector<16xf32>
      %gt3A_942 = arith.cmpf ogt, %get3A_939, %select_n3A_933 : vector<16xf32>
      %gt3A_943 = arith.cmpf ogt, %get3A_939, %select_n3A_930 : vector<16xf32>
      %select_n3A_944 = arith.select %gt3A_943, %get3A_939, %select_n3A_930 : vector<16xi1>, vector<16xf32>
      %select_n3A_945 = arith.select %gt3A_942, %select_n3A_933, %select_n3A_944 : vector<16xi1>, vector<16xf32>
      %select_n3A_946 = arith.select %gt3A_943, %broadcast_in_dim3A_941, %select_n3A_932 : vector<16xi1>, vector<16xf32>
      %select_n3A_947 = arith.select %gt3A_942, %select_n3A_934, %select_n3A_946 : vector<16xi1>, vector<16xf32>
      %select_n3A_948 = arith.select %gt3A_942, %get3A_939, %select_n3A_933 : vector<16xi1>, vector<16xf32>
      %select_n3A_949 = arith.select %gt3A_942, %broadcast_in_dim3A_941, %select_n3A_934 : vector<16xi1>, vector<16xf32>
      %get3A_950 = arith.constant 63 : i32
      %get3A_951 = arith.index_cast %get3A_950 : i32 to index
      %get3A_952 = arith.index_cast %mul3A_12 : i32 to index
      %get3A_953 = tpu.vector_load %arg4[%get3A_951, %get3A_952] {strides = array<i32>} : memref<64x1024xf32, #tpu.memory_space<vmem>>, vector<1x16xf32>,
      %get3A_954 = vector.shape_cast %get3A_953 : vector<1x16xf32> to vector<16xf32>
      %broadcast_in_dim3A_955 = arith.constant 6.300000e+01 : f32
      %broadcast_in_dim3A_956 = vector.broadcast %broadcast_in_dim3A_955 : f32 to vector<16xf32>
      %gt3A_957 = arith.cmpf ogt, %get3A_954, %select_n3A_948 : vector<16xf32>
      %gt3A_958 = arith.cmpf ogt, %get3A_954, %select_n3A_945 : vector<16xf32>
      %select_n3A_959 = arith.select %gt3A_958, %get3A_954, %select_n3A_945 : vector<16xi1>, vector<16xf32>
      %select_n3A_960 = arith.select %gt3A_957, %select_n3A_948, %select_n3A_959 : vector<16xi1>, vector<16xf32>
      %select_n3A_961 = arith.select %gt3A_958, %broadcast_in_dim3A_956, %select_n3A_947 : vector<16xi1>, vector<16xf32>
      %select_n3A_962 = arith.select %gt3A_957, %select_n3A_949, %select_n3A_961 : vector<16xi1>, vector<16xf32>
      %select_n3A_963 = arith.select %gt3A_957, %get3A_954, %select_n3A_948 : vector<16xi1>, vector<16xf32>
      %select_n3A_964 = arith.select %gt3A_957, %broadcast_in_dim3A_956, %select_n3A_949 : vector<16xi1>, vector<16xf32>
      %max3A = arith.constant 0.000000e+00 : f32
      %max3A_965 = vector.broadcast %max3A : f32 to vector<16xf32>
      %max3A_966 = arith.maximumf %select_n3A_963, %max3A_965 : vector<16xf32>
      %sub3A = arith.subf %select_n3A_963, %max3A_966 : vector<16xf32>
      %exp3A = math.exp %sub3A : vector<16xf32>
      %sub3A_967 = arith.subf %select_n3A_960, %max3A_966 : vector<16xf32>
      %exp3A_968 = math.exp %sub3A_967 : vector<16xf32>
      %sub3A_969 = arith.constant 0.000000e+00 : f32
      %sub3A_970 = vector.broadcast %sub3A_969 : f32 to vector<16xf32>
      %sub3A_971 = arith.subf %sub3A_970, %max3A_966 : vector<16xf32>
      %exp3A_972 = math.exp %sub3A_971 : vector<16xf32>
      %add3A_973 = arith.addf %exp3A, %exp3A_968 : vector<16xf32>
      %mul3A_974 = arith.constant 6.200000e+01 : f32
      %mul3A_975 = vector.broadcast %mul3A_974 : f32 to vector<16xf32>
      %mul3A_976 = arith.mulf %mul3A_975, %exp3A_972 : vector<16xf32>
      %add3A_977 = arith.addf %add3A_973, %mul3A_976 : vector<16xf32>
      %div3A = arith.constant 1.000000e+00 : f32
      %div3A_978 = vector.broadcast %div3A : f32 to vector<16xf32>
      %div3A_979 = arith.divf %div3A_978, %add3A_977 : vector<16xf32>
      %mul3A_980 = arith.mulf %exp3A, %div3A_979 : vector<16xf32>
      %mul3A_981 = arith.mulf %exp3A_968, %div3A_979 : vector<16xf32>
      %mul3A_982 = arith.mulf %exp3A_972, %div3A_979 : vector<16xf32>
      %swap3A = arith.constant 0 : i32
      %swap3A_983 = arith.index_cast %swap3A : i32 to index
      %swap3A_984 = arith.index_cast %mul3A_12 : i32 to index
      %swap3A_985 = tpu.vector_load %arg5[%swap3A_983, %swap3A_984] {strides = array<i32>} : memref<5x1024xf32, #tpu.memory_space<vmem>>, vector<1x16xf32>,
      %swap3A_986 = vector.shape_cast %swap3A_985 : vector<1x16xf32> to vector<16xf32>
      %swap3A_987 = vector.shape_cast %mul3A_980 : vector<16xf32> to vector<1x16xf32>
      tpu.vector_store %arg5[%swap3A_983, %swap3A_984], %swap3A_987 {strides = array<i32>} : memref<5x1024xf32, #tpu.memory_space<vmem>>, vector<1x16xf32>,
      %swap3A_988 = arith.constant 1 : i32
      %swap3A_989 = arith.index_cast %swap3A_988 : i32 to index
      %swap3A_990 = arith.index_cast %mul3A_12 : i32 to index
      %swap3A_991 = tpu.vector_load %arg5[%swap3A_989, %swap3A_990] {strides = array<i32>} : memref<5x1024xf32, #tpu.memory_space<vmem>>, vector<1x16xf32>,
      %swap3A_992 = vector.shape_cast %swap3A_991 : vector<1x16xf32> to vector<16xf32>
      %swap3A_993 = vector.shape_cast %mul3A_981 : vector<16xf32> to vector<1x16xf32>
      tpu.vector_store %arg5[%swap3A_989, %swap3A_990], %swap3A_993 {strides = array<i32>} : memref<5x1024xf32, #tpu.memory_space<vmem>>, vector<1x16xf32>,
      %swap3A_994 = arith.constant 2 : i32
      %swap3A_995 = arith.index_cast %swap3A_994 : i32 to index
      %swap3A_996 = arith.index_cast %mul3A_12 : i32 to index
      %swap3A_997 = tpu.vector_load %arg5[%swap3A_995, %swap3A_996] {strides = array<i32>} : memref<5x1024xf32, #tpu.memory_space<vmem>>, vector<1x16xf32>,
      %swap3A_998 = vector.shape_cast %swap3A_997 : vector<1x16xf32> to vector<16xf32>
      %swap3A_999 = vector.shape_cast %mul3A_982 : vector<16xf32> to vector<1x16xf32>
      tpu.vector_store %arg5[%swap3A_995, %swap3A_996], %swap3A_999 {strides = array<i32>} : memref<5x1024xf32, #tpu.memory_space<vmem>>, vector<1x16xf32>,
      %swap3A_1000 = arith.constant 3 : i32
      %swap3A_1001 = arith.index_cast %swap3A_1000 : i32 to index
      %swap3A_1002 = arith.index_cast %mul3A_12 : i32 to index
      %swap3A_1003 = tpu.vector_load %arg5[%swap3A_1001, %swap3A_1002] {strides = array<i32>} : memref<5x1024xf32, #tpu.memory_space<vmem>>, vector<1x16xf32>,
      %swap3A_1004 = vector.shape_cast %swap3A_1003 : vector<1x16xf32> to vector<16xf32>
      %swap3A_1005 = vector.shape_cast %select_n3A_964 : vector<16xf32> to vector<1x16xf32>
      tpu.vector_store %arg5[%swap3A_1001, %swap3A_1002], %swap3A_1005 {strides = array<i32>} : memref<5x1024xf32, #tpu.memory_space<vmem>>, vector<1x16xf32>,
      %swap3A_1006 = arith.constant 4 : i32
      %swap3A_1007 = arith.index_cast %swap3A_1006 : i32 to index
      %swap3A_1008 = arith.index_cast %mul3A_12 : i32 to index
      %swap3A_1009 = tpu.vector_load %arg5[%swap3A_1007, %swap3A_1008] {strides = array<i32>} : memref<5x1024xf32, #tpu.memory_space<vmem>>, vector<1x16xf32>,
      %swap3A_1010 = vector.shape_cast %swap3A_1009 : vector<1x16xf32> to vector<16xf32>
      %swap3A_1011 = vector.shape_cast %select_n3A_962 : vector<16xf32> to vector<1x16xf32>
      tpu.vector_store %arg5[%swap3A_1007, %swap3A_1008], %swap3A_1011 {strides = array<i32>} : memref<5x1024xf32, #tpu.memory_space<vmem>>, vector<1x16xf32>,
      %scan3A_1012 = arith.constant 0 : i32
      scf.yield %scan3A_1012 : i32
    }
    %scan3A_8 = arith.constant 64 : i32
    "tpu.region"() ({
      %run_scoped3A = tpu.sem_alloc : memref<!tpu.dma_semaphore, #tpu.memory_space<semaphore_mem>>
      %dma_start3A = arith.constant 0 : i32
      %dma_start3A_9 = tpu.memref_slice %arg3[%dma_start3A, %mul3A_2] : memref<8x32768xf32, #tpu.memory_space<hbm>> -> memref<5x1024xf32, #tpu.memory_space<hbm>>
      %dma_start3A_10 = arith.constant 0 : i32
      %dma_start3A_11 = tpu.memref_slice %arg3[%dma_start3A_10, %mul3A_2] : memref<8x32768xf32, #tpu.memory_space<hbm>> -> memref<5x1024xf32, #tpu.memory_space<hbm>>
      tpu.enqueue_dma source(%arg5 : memref<5x1024xf32, #tpu.memory_space<vmem>>) target(%dma_start3A_11 : memref<5x1024xf32, #tpu.memory_space<hbm>>) target_semaphore(%run_scoped3A : memref<!tpu.dma_semaphore, #tpu.memory_space<semaphore_mem>>)
      %dma_wait3A = arith.constant 0 : i32
      %dma_wait3A_12 = tpu.memref_slice %arg3[%dma_wait3A, %mul3A_2] : memref<8x32768xf32, #tpu.memory_space<hbm>> -> memref<5x1024xf32, #tpu.memory_space<hbm>>
      %dma_wait3A_13 = arith.constant 0 : i32
      %dma_wait3A_14 = tpu.memref_slice %arg3[%dma_wait3A_13, %mul3A_2] : memref<8x32768xf32, #tpu.memory_space<hbm>> -> memref<5x1024xf32, #tpu.memory_space<hbm>>
      tpu.wait_dma2 semaphore(%run_scoped3A : memref<!tpu.dma_semaphore, #tpu.memory_space<semaphore_mem>>) src(%arg5 : memref<5x1024xf32, #tpu.memory_space<vmem>>) dst(%dma_wait3A_14 : memref<5x1024xf32, #tpu.memory_space<hbm>>)
      tpu.yield
    }) : () -> ()
    return
  }
}

module attributes {stable_mosaic.version = 14 : i64} {
  func.func @_logits_t_body(%arg0: i32, %arg1: memref<4096x768xf32, #tpu.memory_space<vmem>>, %arg2: memref<768x128xf32, #tpu.memory_space<vmem>>, %arg3: memref<1x128xf32, #tpu.memory_space<vmem>>, %arg4: memref<128x64xf32, #tpu.memory_space<vmem>>, %arg5: memref<64x1xf32, #tpu.memory_space<vmem>>, %arg6: memref<64x4096xf32, #tpu.memory_space<vmem>>) attributes {dimension_semantics = [#tpu.dimension_semantics<arbitrary>], iteration_bounds = array<i64: 8>, scalar_prefetch = 0 : i64, scratch_operands = 0 : i64, tpu.core_type = #tpu.core_type<tc>, window_params = [{transform_indices = @transform_0, window_bounds = array<i64: 4096, 768>}, {pipeline_mode = #tpu.pipeline_mode<synchronous>, transform_indices = @transform_1, window_bounds = array<i64: 768, 128>}, {pipeline_mode = #tpu.pipeline_mode<synchronous>, transform_indices = @transform_2, window_bounds = array<i64: 1, 128>}, {pipeline_mode = #tpu.pipeline_mode<synchronous>, transform_indices = @transform_3, window_bounds = array<i64: 128, 64>}, {pipeline_mode = #tpu.pipeline_mode<synchronous>, transform_indices = @transform_4, window_bounds = array<i64: 64, 1>}, {transform_indices = @transform_5, window_bounds = array<i64: 64, 4096>}]} {
    %get3A = arith.constant 0 : index
    %get3A_0 = arith.constant 0 : index
    %get3A_1 = vector.load %arg1[%get3A, %get3A_0] : memref<4096x768xf32, #tpu.memory_space<vmem>>, vector<4096x768xf32>
    %get3A_2 = arith.constant 0 : index
    %get3A_3 = arith.constant 0 : index
    %get3A_4 = vector.load %arg2[%get3A_2, %get3A_3] : memref<768x128xf32, #tpu.memory_space<vmem>>, vector<768x128xf32>
    %dot_general3A = arith.constant dense<0.000000e+00> : vector<4096x128xf32>
    %dot_general3A_5 = tpu.matmul %get3A_1, %get3A_4, %dot_general3A {dimension_numbers = #tpu.dot_dimension_numbers<[1], [0], [0], [1], [0, 0, 1, 1], [], []>, transpose_lhs_hint = false} : vector<4096x768xf32>, vector<768x128xf32>, vector<4096x128xf32> -> vector<4096x128xf32>
    %get3A_6 = arith.constant 0 : index
    %get3A_7 = arith.constant 0 : index
    %get3A_8 = vector.load %arg3[%get3A_6, %get3A_7] : memref<1x128xf32, #tpu.memory_space<vmem>>, vector<1x128xf32>
    %add3A = vector.broadcast %get3A_8 : vector<1x128xf32> to vector<4096x128xf32>
    %add3A_9 = arith.addf %dot_general3A_5, %add3A : vector<4096x128xf32>
    %max3A = arith.constant 0.000000e+00 : f32
    %max3A_10 = vector.broadcast %max3A : f32 to vector<4096x128xf32>
    %max3A_11 = arith.maximumf %add3A_9, %max3A_10 : vector<4096x128xf32>
    %get3A_12 = arith.constant 0 : index
    %get3A_13 = arith.constant 0 : index
    %get3A_14 = vector.load %arg4[%get3A_12, %get3A_13] : memref<128x64xf32, #tpu.memory_space<vmem>>, vector<128x64xf32>
    %dot_general3A_15 = arith.constant dense<0.000000e+00> : vector<64x4096xf32>
    %dot_general3A_16 = tpu.matmul %get3A_14, %max3A_11, %dot_general3A_15 {dimension_numbers = #tpu.dot_dimension_numbers<[0], [1], [1], [0], [0, 1, 1, 0], [], []>, transpose_lhs_hint = false} : vector<128x64xf32>, vector<4096x128xf32>, vector<64x4096xf32> -> vector<64x4096xf32>
    %get3A_17 = arith.constant 0 : index
    %get3A_18 = arith.constant 0 : index
    %get3A_19 = vector.load %arg5[%get3A_17, %get3A_18] : memref<64x1xf32, #tpu.memory_space<vmem>>, vector<64x1xf32>
    %add3A_20 = vector.broadcast %get3A_19 : vector<64x1xf32> to vector<64x4096xf32>
    %add3A_21 = arith.addf %dot_general3A_16, %add3A_20 : vector<64x4096xf32>
    %swap3A = arith.constant 0 : index
    %swap3A_22 = arith.constant 0 : index
    %swap3A_23 = vector.load %arg6[%swap3A, %swap3A_22] : memref<64x4096xf32, #tpu.memory_space<vmem>>, vector<64x4096xf32>
    tpu.vector_store %arg6[%swap3A, %swap3A_22], %add3A_21 {strides = array<i32>} : memref<64x4096xf32, #tpu.memory_space<vmem>>, vector<64x4096xf32>,
    return
  }
  func.func @transform_0(%arg0: i32) -> (i32, i32) {
    %c0_i32 = arith.constant 0 : i32
    %c0_i32_0 = arith.constant 0 : i32
    return %arg0, %c0_i32 : i32, i32
  }
  func.func @transform_1(%arg0: i32) -> (i32, i32) {
    %c0_i32 = arith.constant 0 : i32
    %c0_i32_0 = arith.constant 0 : i32
    %c0_i32_1 = arith.constant 0 : i32
    return %c0_i32, %c0_i32_0 : i32, i32
  }
  func.func @transform_2(%arg0: i32) -> (i32, i32) {
    %c0_i32 = arith.constant 0 : i32
    %c0_i32_0 = arith.constant 0 : i32
    %c0_i32_1 = arith.constant 0 : i32
    return %c0_i32, %c0_i32_0 : i32, i32
  }
  func.func @transform_3(%arg0: i32) -> (i32, i32) {
    %c0_i32 = arith.constant 0 : i32
    %c0_i32_0 = arith.constant 0 : i32
    %c0_i32_1 = arith.constant 0 : i32
    return %c0_i32, %c0_i32_0 : i32, i32
  }
  func.func @transform_4(%arg0: i32) -> (i32, i32) {
    %c0_i32 = arith.constant 0 : i32
    %c0_i32_0 = arith.constant 0 : i32
    %c0_i32_1 = arith.constant 0 : i32
    return %c0_i32, %c0_i32_0 : i32, i32
  }
  func.func @transform_5(%arg0: i32) -> (i32, i32) {
    %c0_i32 = arith.constant 0 : i32
    %c0_i32_0 = arith.constant 0 : i32
    return %c0_i32, %arg0 : i32, i32
  }
}

module attributes {stable_mosaic.version = 14 : i64} {
  func.func @_expand_body(%arg0: i32, %arg1: memref<8x8192xf32, #tpu.memory_space<vmem>>, %arg2: memref<8192x64xf32, #tpu.memory_space<vmem>>) attributes {dimension_semantics = [#tpu.dimension_semantics<arbitrary>], iteration_bounds = array<i64: 4>, scalar_prefetch = 0 : i64, scratch_operands = 0 : i64, tpu.core_type = #tpu.core_type<tc>, window_params = [{transform_indices = @transform_0, window_bounds = array<i64: 8, 8192>}, {transform_indices = @transform_1, window_bounds = array<i64: 8192, 64>}]} {
    %get3A = arith.constant 0 : index
    %get3A_0 = arith.constant 0 : index
    %get3A_1 = vector.load %arg1[%get3A, %get3A_0] : memref<8x8192xf32, #tpu.memory_space<vmem>>, vector<8x8192xf32>
    %iota3A = tpu.iota {dimensions = array<i32: 0>} : vector<8x64xi32>
    %eq3A = arith.constant 0 : i32
    %eq3A_2 = vector.broadcast %eq3A : i32 to vector<8x64xi32>
    %eq3A_3 = arith.cmpi eq, %iota3A, %eq3A_2 : vector<8x64xi32>
    %convert_element_type3A = arith.extui %eq3A_3 : vector<8x64xi1> to vector<8x64xi32>
    %convert_element_type3A_4 = arith.sitofp %convert_element_type3A : vector<8x64xi32> to vector<8x64xf32>
    %dot_general3A = arith.constant dense<0.000000e+00> : vector<8192x64xf32>
    %dot_general3A_5 = tpu.matmul %get3A_1, %convert_element_type3A_4, %dot_general3A {dimension_numbers = #tpu.dot_dimension_numbers<[0], [0], [1], [1], [0, 1, 1, 1], [], []>, transpose_lhs_hint = false} : vector<8x8192xf32>, vector<8x64xf32>, vector<8192x64xf32> -> vector<8192x64xf32>
    %iota3A_6 = tpu.iota {dimensions = array<i32: 0>} : vector<8x64xi32>
    %eq3A_7 = arith.constant 1 : i32
    %eq3A_8 = vector.broadcast %eq3A_7 : i32 to vector<8x64xi32>
    %eq3A_9 = arith.cmpi eq, %iota3A_6, %eq3A_8 : vector<8x64xi32>
    %convert_element_type3A_10 = arith.extui %eq3A_9 : vector<8x64xi1> to vector<8x64xi32>
    %convert_element_type3A_11 = arith.sitofp %convert_element_type3A_10 : vector<8x64xi32> to vector<8x64xf32>
    %dot_general3A_12 = arith.constant dense<0.000000e+00> : vector<8192x64xf32>
    %dot_general3A_13 = tpu.matmul %get3A_1, %convert_element_type3A_11, %dot_general3A_12 {dimension_numbers = #tpu.dot_dimension_numbers<[0], [0], [1], [1], [0, 1, 1, 1], [], []>, transpose_lhs_hint = false} : vector<8x8192xf32>, vector<8x64xf32>, vector<8192x64xf32> -> vector<8192x64xf32>
    %iota3A_14 = tpu.iota {dimensions = array<i32: 0>} : vector<8x64xi32>
    %eq3A_15 = arith.constant 2 : i32
    %eq3A_16 = vector.broadcast %eq3A_15 : i32 to vector<8x64xi32>
    %eq3A_17 = arith.cmpi eq, %iota3A_14, %eq3A_16 : vector<8x64xi32>
    %convert_element_type3A_18 = arith.extui %eq3A_17 : vector<8x64xi1> to vector<8x64xi32>
    %convert_element_type3A_19 = arith.sitofp %convert_element_type3A_18 : vector<8x64xi32> to vector<8x64xf32>
    %dot_general3A_20 = arith.constant dense<0.000000e+00> : vector<8192x64xf32>
    %dot_general3A_21 = tpu.matmul %get3A_1, %convert_element_type3A_19, %dot_general3A_20 {dimension_numbers = #tpu.dot_dimension_numbers<[0], [0], [1], [1], [0, 1, 1, 1], [], []>, transpose_lhs_hint = false} : vector<8x8192xf32>, vector<8x64xf32>, vector<8192x64xf32> -> vector<8192x64xf32>
    %iota3A_22 = tpu.iota {dimensions = array<i32: 0>} : vector<8x64xi32>
    %eq3A_23 = arith.constant 3 : i32
    %eq3A_24 = vector.broadcast %eq3A_23 : i32 to vector<8x64xi32>
    %eq3A_25 = arith.cmpi eq, %iota3A_22, %eq3A_24 : vector<8x64xi32>
    %convert_element_type3A_26 = arith.extui %eq3A_25 : vector<8x64xi1> to vector<8x64xi32>
    %convert_element_type3A_27 = arith.sitofp %convert_element_type3A_26 : vector<8x64xi32> to vector<8x64xf32>
    %dot_general3A_28 = arith.constant dense<0.000000e+00> : vector<8192x64xf32>
    %dot_general3A_29 = tpu.matmul %get3A_1, %convert_element_type3A_27, %dot_general3A_28 {dimension_numbers = #tpu.dot_dimension_numbers<[0], [0], [1], [1], [0, 1, 1, 1], [], []>, transpose_lhs_hint = false} : vector<8x8192xf32>, vector<8x64xf32>, vector<8192x64xf32> -> vector<8192x64xf32>
    %iota3A_30 = tpu.iota {dimensions = array<i32: 0>} : vector<8x64xi32>
    %eq3A_31 = arith.constant 4 : i32
    %eq3A_32 = vector.broadcast %eq3A_31 : i32 to vector<8x64xi32>
    %eq3A_33 = arith.cmpi eq, %iota3A_30, %eq3A_32 : vector<8x64xi32>
    %convert_element_type3A_34 = arith.extui %eq3A_33 : vector<8x64xi1> to vector<8x64xi32>
    %convert_element_type3A_35 = arith.sitofp %convert_element_type3A_34 : vector<8x64xi32> to vector<8x64xf32>
    %dot_general3A_36 = arith.constant dense<0.000000e+00> : vector<8192x64xf32>
    %dot_general3A_37 = tpu.matmul %get3A_1, %convert_element_type3A_35, %dot_general3A_36 {dimension_numbers = #tpu.dot_dimension_numbers<[0], [0], [1], [1], [0, 1, 1, 1], [], []>, transpose_lhs_hint = false} : vector<8x8192xf32>, vector<8x64xf32>, vector<8192x64xf32> -> vector<8192x64xf32>
    %iota3A_38 = tpu.iota {dimensions = array<i32: 1>} : vector<8192x64xi32>
    %convert_element_type3A_39 = arith.sitofp %iota3A_38 : vector<8192x64xi32> to vector<8192x64xf32>
    %eq3A_40 = arith.cmpf oeq, %convert_element_type3A_39, %dot_general3A_29 : vector<8192x64xf32>
    %eq3A_41 = arith.cmpf oeq, %convert_element_type3A_39, %dot_general3A_37 : vector<8192x64xf32>
    %select_n3A = arith.select %eq3A_41, %dot_general3A_13, %dot_general3A_21 : vector<8192x64xi1>, vector<8192x64xf32>
    %select_n3A_42 = arith.select %eq3A_40, %dot_general3A_5, %select_n3A : vector<8192x64xi1>, vector<8192x64xf32>
    %swap3A = arith.constant 0 : index
    %swap3A_43 = arith.constant 0 : index
    %swap3A_44 = vector.load %arg2[%swap3A, %swap3A_43] : memref<8192x64xf32, #tpu.memory_space<vmem>>, vector<8192x64xf32>
    tpu.vector_store %arg2[%swap3A, %swap3A_43], %select_n3A_42 {strides = array<i32>} : memref<8192x64xf32, #tpu.memory_space<vmem>>, vector<8192x64xf32>,
    return
  }
  func.func @transform_0(%arg0: i32) -> (i32, i32) {
    %c0_i32 = arith.constant 0 : i32
    %c0_i32_0 = arith.constant 0 : i32
    return %c0_i32, %arg0 : i32, i32
  }
  func.func @transform_1(%arg0: i32) -> (i32, i32) {
    %c0_i32 = arith.constant 0 : i32
    %c0_i32_0 = arith.constant 0 : i32
    return %arg0, %c0_i32 : i32, i32
  }
}

</mosaic_0001>

<sc_bundles>
// kernel: kernel.5.cloned.1.call-start
scs
__scs_entry_jumppad:
0x0: {  	(pc) =	sbr.rel $0x88, $3  }
0x1: {  	(tag) =	ssettag $0x0;
	lr =	simm.s32 $0x1  }
0x2: {  	[smem:$0x3F9C] =	sst lr;
	_ =	strace $0xD0000000  }
0x3: {  	_ = 	snop  }
0x4: {  	_ = 	snop  }
0x5: {  	_ = 	snop  }
0x6: {  	_ = 	snop  }
0x7: {  	_ = 	snop  }
__scs_overlays_trampoline_lowered:
0x8: {  	[smem:$0x3FAB] =	sst s0  }
0x9: {  	[smem:$0x3FAC] =	sst s1  }
0xa: {  	[smem:$0x3FAD] =	sst s2  }
0xb: {  	[smem:$0x3FAE] =	sst s3  }
0xc: {  	[smem:$0x3FAF] =	sst s4  }
0xd: {  	[smem:$0x3FB0] =	sst s5  }
0xe: {  	[smem:$0x3FB1] =	sst s6  }
0xf: {  	[smem:$0x3FB2] =	sst s7  }
0x10: {  	[smem:$0x3FB3] =	sst s8  }
0x11: {  	[smem:$0x3FB4] =	sst s9;
	s0 =	simm.s32 @!p0 $0x0  }
0x12: {  	s1 =	sld [smem:$0x3F9A];
	s0 =	simm.s32 @p0 $0x1  }
0x13: {  	[smem:$0x3FB5] =	sst s0;
	s0 =	simm.s32 @!p1 $0x0  }
0x14: {  	s2 =	sld [smem:$0x3F99];
	s0 =	simm.s32 @p1 $0x1  }
0x15: {  	[smem:$0x3FB6] =	sst s0;
	s0 =	simm.s32 @!p2 $0x0  }
0x16: {  	s3 =	sld [smem:$0x3FDB];
	s0 =	simm.s32 @p2 $0x1  }
0x17: {  	s4 =	simm.s32 $0x1BF5;
	[smem:$0x3FB8] =	sst s0  }
0x18: {  	s0 =	sld [smem:$0x3F9B];
	_ =	swait.ge [sflag:s4], $0x0  }
0x19: {  	s7 =	sld [smem:$0x3F9C]  }
0x1a: {  	s8 =	sadd.s32 $0xFFFFE003, lr  }
0x1b: {  	s9 =	sadd.s32 $0xFFFFFEF7, lr;
	s5 =	simm.s32 $0xFFFFFFFF;
	p2 =	slt.u32 s8, $0xFFFFF086  }
0x1c: {  	p1 =	slt.u32 s9, $0xF7A;
	s5 =	simm.s32 @!p2 $0x0  }
0x1d: {  	s5 =	simm.s32 @p1 $0x1;
	p0 =	seq.s32 s7, s2  }
0x1e: {  	s7 =	smul.u32 @!p0 $0xF7A, s2;
	p2 =	seq.s32 @!p0 s5, $0x0  }
0x1f: {  	s9 =	smul.u32 $0xF7A, s1;
	s8 =	simm.s32 @!p0 $0x1BF5;
	p2 =	por !p2, p0  }
0x20: {  	[sflag:s8] =	ssyncset.s32 @!p0 $0xFFFFF086;
	s6 =	sadd.s32 @!p0 s3, s7;
	s7 =	simm.s32 @!p0 $0x108  }
0x21: {  	s3 =	sadd.s32 s3, s9;
	s6 =	sadd.s32 @!p0 $0x88, s6;
	s7 =	simm.s32 @p2 $0x1082  }
0x22: {  	[simem:s7], [sflag:s8] =	dma.local @!p0 [hbm:s6], $0xF7A  }
0x23: {  	s9 =	sor.u32 $0xD0000000, s2;
	s6 =	simm.s32 $0x108;
	_ =	swait.ge @!p0 [sflag:s8], $0x0  }
0x24: {  	s3 =	sadd.s32 $0x88, s3;
	s6 =	simm.s32 @!p1 $0x1082;
	[sflag:s4] =	ssyncset.s32 $0xFFFFF086  }
0x25: {  	[simem:s6], [sflag:s4] =	dma.local [hbm:s3], $0xF7A  }
0x26: {  	[smem:$0x3F9C] =	sst s1;
	(tag) =	ssettag s2;
	_ =	strace s9  }
0x27: {  	s1 =	sld [smem:$0x3FAC]  }
0x28: {  	s2 =	sld [smem:$0x3FAD]  }
0x29: {  	s4 =	sld [smem:$0x3FAF]  }
0x2a: {  	p0 =	seq.s32 s5, $0x0;
	s5 =	sld [smem:$0x3FB0]  }
0x2b: {  	s6 =	sld [smem:$0x3FB1]  }
0x2c: {  	s7 =	sld [smem:$0x3FB2]  }
0x2d: {  	s3 =	simm.s32 $0x108;
	s8 =	sld [smem:$0x3FB3]  }
0x2e: {  	s3 =	simm.s32 @!p0 $0x1082;
	s9 =	sld [smem:$0x3FB4]  }
0x2f: {  	lr =	sadd.s32 s0, s3;
	s0 =	sld [smem:$0x3FAB]  }
0x30: {  	s3 =	sld [smem:$0x3FAE]  }
0x31: {  	[smem:$0x3FB7] =	sst s10  }
0x32: {  	s10 =	sld [smem:$0x3FB5];
	_ =	sdelay $0x3  }
0x33: {  	p0 =	seq.s32 s10, $0x1;
	s10 =	sld [smem:$0x3FB7];
	_ =	sdelay $0x3  }
0x34: {  	[smem:$0x3FB7] =	sst s10  }
0x35: {  	s10 =	sld [smem:$0x3FB6];
	_ =	sdelay $0x3  }
0x36: {  	p1 =	seq.s32 s10, $0x1;
	s10 =	sld [smem:$0x3FB7];
	_ =	sdelay $0x3  }
0x37: {  	[smem:$0x3FB7] =	sst s10  }
0x38: {  	s10 =	sld [smem:$0x3FB8]  }
0x39: {  	_ = 	snop;
	(pc) =	sbr.ind lr, $3  }
0x3a: {  	_ = 	snop  }
0x3b: {  	_ = 	snop  }
0x3c: {  	p2 =	seq.s32 s10, $0x1;
	s10 =	sld [smem:$0x3FB7]  }
0x3d: {  	_ =	shalt  }
0x3e: {  	_ =	shalt  }
0x3f: {  	_ =	shalt  }
0x40: {  	_ =	shalt  }
0x41: {  	_ =	shalt  }
0x42: {  	_ =	shalt  }
0x43: {  	_ =	shalt  }
0x44: {  	_ =	shalt  }
0x45: {  	_ =	shalt  }
0x46: {  	_ =	shalt  }
0x47: {  	_ =	shalt  }
0x48: {  	_ =	shalt  }
0x49: {  	_ =	shalt  }
0x4a: {  	_ =	shalt  }
0x4b: {  	_ =	shalt  }
0x4c: {  	_ =	shalt  }
0x4d: {  	_ =	shalt  }
0x4e: {  	_ =	shalt  }
0x4f: {  	_ =	shalt  }
0x50: {  	_ =	shalt  }
0x51: {  	_ =	shalt  }
0x52: {  	_ =	shalt  }
0x53: {  	_ =	shalt  }
0x54: {  	_ =	shalt  }
0x55: {  	_ =	shalt  }
0x56: {  	_ =	shalt  }
0x57: {  	_ =	shalt  }
0x58: {  	_ =	shalt  }
0x59: {  	_ =	shalt  }
0x5a: {  	_ =	shalt  }
0x5b: {  	_ =	shalt  }
0x5c: {  	_ =	shalt  }
0x5d: {  	_ =	shalt  }
0x5e: {  	_ =	shalt  }
0x5f: {  	_ =	shalt  }
0x60: {  	_ =	shalt  }
0x61: {  	_ =	shalt  }
0x62: {  	_ =	shalt  }
0x63: {  	_ =	shalt  }
0x64: {  	_ =	shalt  }
0x65: {  	_ =	shalt  }
0x66: {  	_ =	shalt  }
0x67: {  	_ =	shalt  }
0x68: {  	_ =	shalt  }
0x69: {  	_ =	shalt  }
0x6a: {  	_ =	shalt  }
0x6b: {  	_ =	shalt  }
0x6c: {  	_ =	shalt  }
0x6d: {  	_ =	shalt  }
0x6e: {  	_ =	shalt  }
0x6f: {  	_ =	shalt  }
0x70: {  	_ =	shalt  }
0x71: {  	_ =	shalt  }
0x72: {  	_ =	shalt  }
0x73: {  	_ =	shalt  }
0x74: {  	_ =	shalt  }
0x75: {  	_ =	shalt  }
0x76: {  	_ =	shalt  }
0x77: {  	_ =	shalt  }
0x78: {  	_ =	shalt  }
0x79: {  	_ =	shalt  }
0x7a: {  	_ =	shalt  }
0x7b: {  	_ =	shalt  }
0x7c: {  	_ =	shalt  }
0x7d: {  	_ =	shalt  }
0x7e: {  	_ =	shalt  }
0x7f: {  	_ =	shalt  }
0x80: {  	_ =	shalt  }
0x81: {  	_ =	shalt  }
0x82: {  	_ =	shalt  }
0x83: {  	_ =	shalt  }
0x84: {  	_ =	shalt  }
0x85: {  	_ =	shalt  }
0x86: {  	_ =	shalt  }
0x87: {  	_ =	shalt  }
.Lfunc_end0:
.L_simem_size_0:
called_computation_lowered:
.L_overlay_start_0:
0x88: {  	s2 =	sld [smem:$0x3FD9]  }
0x89: {  	s3 =	sld [smem:$0x3FFE];
	_ =	sdelay $0x1  }
0x8a: {  	s1 =	srdreg.scid  }
0x8b: {  	s0 =	sand.u32 $0x1, s1  }
0x8c: {  	s17 =	sshll.u32 s0, $0xA;
	s2 =	sadd.s32 s3, s2  }
0x8d: {  	s2 =	sadd.s32 s2, s17  }
0x8e: {  	[smem:$0x3FC3] =	sst s2  }
0x8f: {  	_ = 	snop  }
0x90: {  	s2 =	sld [smem:$0x3FD0];
	(tm) =	ssettm $0x1  }
0x91: {  	s18 =	sld [smem:$0x3FFB];
	_ =	sdelay $0x3  }
0x92: {  	_ =	strace s18  }
0x93: {  	s3 =	sld [smem:$0x3FFC];
	_ =	sdelay $0x3  }
0x94: {  	_ =	strace s3  }
0x95: {  	s3 =	sld [smem:$0x3FFD];
	_ =	sdelay $0x3  }
0x96: {  	_ =	strace s3  }
0x97: {  	_ =	strace $0x8FFFFFFF  }
0x98: {  	s19 =	sld [smem:$0x3FDB];
	_ =	sdelay $0x1  }
0x99: {  	s4 =	simm.s32 $_scs_section_size  }
0x9a: {  	s5 =	simm.s32 $_size__tile_overlayer_lowered;
	s6 =	simm.s32 $_tile_overlayer_lowered  }
0x9b: {  	s22 =	simm.s32 $0x1BFF;
	s21 =	sshll.u32 s6, $0x1;
	s3 =	sadd.s32 s4, s19  }
0x9c: {  	s7 =	simm.s32 $0x0;
	s20 =	sshll.u32 s5, $0x1;
	s5 =	sadd.s32 s21, s3  }
0x9d: {  	[timem:s7], [sflag:s22] =	dma.local [hbm:s5], s20  }
0x9e: {  	_ =	swait.ge [sflag:s22], s20  }
0x9f: {  	s4 =	ssub.s32 $0x0, s20;
	[sflag:s22] =	ssyncset.done $0x0  }
0xa0: {  	[sflag:s22] =	ssyncadd.s32 s4;
	_ =	sdelay $0x1  }
0xa1: {  	s23 =	simm.s32 $0x1B8B  }
0xa2: {  	_ =	swait.ge [sflag:s23], $0x1  }
0xa3: {  	[sflag:s23] =	ssyncset.done $0x0  }
0xa4: {  	s25 =	simm.s32 $0x1B8E;
	s24 =	sld [smem:$0x3FFE];
	[sflag:s23] =	ssyncadd.s32 $0xFFFFFFFF  }
0xa5: {  	s26 =	simm.s32 $execute0_lowered;
	[smem:$0x3FD2] =	sst s25  }
0xa6: {  	s5 =	sshll.u32 s26, $0x1;
	_ =	strace $0x80000046;
	[dreg:$0x1] =	wrdreg $0xFFFFFFFF  }
0xa7: {  	s28 =	simm.s32 $_size_execute0_lowered;
	s3 =	sadd.s32 s3, s5;
	[dreg:$0x0] =	wrdreg $0x0  }
0xa8: {  	s5 =	sshll.u32 s28, $0x1;
	[dreg:$0x2] =	wrdreg s3  }
0xa9: {  	[dreg:$0x3] =	wrdreg s5  }
0xaa: {  	[dreg:$0x4] =	wrdreg $0xC0  }
0xab: {  	_ =	task [dreg:s7], $0x5FFFF  }
0xac: {  	[dreg:$0x1] =	wrdreg $0xFFFFFFFF  }
0xad: {  	[dreg:$0x0] =	wrdreg $0x60  }
0xae: {  	[dreg:$0x2] =	wrdreg s2  }
0xaf: {  	[dreg:$0x3] =	wrdreg s24  }
0xb0: {  	[dreg:$0x4] =	wrdreg $0x9  }
0xb1: {  	_ =	task.clear_ibuf [dreg:s7], $0x5FFFF;
	_ =	strace $0x90000046  }
0xb2: {  	s29 =	simm.s32 $0x9;
	_ =	strace $0x80000048  }
0xb3: {  	_ =	swait.ge [sflag:s29], $0x1  }
0xb4: {  	[sflag:s29] =	ssyncadd.s32 $0xFFFFFFFF  }
0xb5: {  	_ =	strace $0x90000048  }
0xb6: {  	_ =	sfence  }
0xb7: {  	s30 =	sld [smem:$0x0];
	_ =	sdelay $0x2  }
0xb8: {  	s31 =	sshll.u32 s1, $0xD;
	s1 =	sshrl.u32 s1, $0x2  }
0xb9: {  	s3 =	sand.u32 $0x4000, s31;
	s1 =	sadd.s32 s1, s30  }
0xba: {  	s0 =	sor.u32 s3, s0;
	s1 =	sshll.u32 s1, $0x11  }
0xbb: {  	s0 =	sor.u32 s1, s0  }
0xbc: {  	s0 =	sadd.s32 $0x8F2B, s0  }
0xbd: {  	[sflag:s0] =	ssyncadd.remote.s32 $0x1  }
0xbe: {  	_ =	sfence.sel $0xFFFF  }
0xbf: {  	[dreg:$0x0] =	wrdreg $0xFFFFFFFF;
	(pc) =	sbr.abs _section_cstart, $3  }
0xc0: {  	[dreg:$0x1] =	wrdreg $0xFFFFFFFF  }
0xc1: {  	_ =	task.clear_ibuf [dreg:s7], $0x2FFFF;
	_ =	strace $0x9FFFFFFF  }
0xc2: {  	(tm) =	ssettm $0x7FFFFFFF  }
0xc3: {  	_ =	shalt  }
tec
execute0_lowered:
.L_overlay_start_1:
0x0: {  	(tag) =	ssettag $0x1  }
0x1: {  	s3 =	rddreg [dreg:$0x0]  }
0x2: {  	s4 =	rddreg [dreg:$0x1]  }
0x3: {  	s2 =	srdreg.scid;
	s0 =	stileid.u32;
	s8 =	simm.s32 $0x1  }
0x4: {  	s9 =	simm.s32 $0x400;
	s10 =	simm.s32 $0x10000;
	s12 =	simm.s32 $0x10400  }
0x5: {  	s14 =	simm.s32 $0x10800;
	s16 =	simm.s32 $0x10C00;
	s18 =	simm.s32 $0x11000  }
0x6: {  	s20 =	simm.s32 $0x11400;
	s22 =	simm.s32 $0x11800;
	s24 =	simm.s32 $0x11C00  }
0x7: {  	s25 =	simm.s32 $0x0;
	s5 =	sand.u32 $0x1, s2;
	s2 =	simm.s32 $0x0  }
0x8: {  	s6 =	sshll.u32 s0, $0xB;
	s7 =	sshll.u32 s5, $0xA;
	[smem:$0x7FF] =	sst s2  }
0x9: {  	s5 =	ssub.s32 $0x2, s5;
	s6 =	sor.u32 s7, s6;
	_ =	strace $0x80000047  }
0xa: {  	s31 =	sshrl.u32 s5, $0x1;
	s7 =	simm.s32 $0x40000;
	s4 =	sadd.s32 s6, s4  }
0xb: {  	s5 =	ssub.s32 s5, s31;
	s3 =	sadd.s32 s3, s6;
	s4 =	sadd.s32 $0xC00, s4  }
0xc: {  	s6 =	simm.s32 $0x2000;
	s5 =	smax.u32 s5, $0x1;
	s11 =	sadd.s32 $0x80, s4  }
0xd: {  	s13 =	sadd.s32 $0x100, s4;
	s15 =	sadd.s32 $0x180, s4;
	s17 =	sadd.s32 $0x200, s4  }
0xe: {  	v0 =	vimm.f32 $6.400000000e+01;
	v1 =	vimm.f32 $0.0e+00;
	s19 =	sadd.s32 $0x280, s4;
	s21 =	sadd.s32 $0x300, s4;
	s23 =	sadd.s32 $0x380, s4  }
.LBB2_1:
0xf: {  	[tilespmem:s2], [sflag:$0x1] =	stream.strided.gather [hbm4b:s3+s6], $0x10000, s7, s6, $0x38;
	[tilespmem:$0x12000] =	vst v63  }
0x10: {  	_ =	swait.ge [sflag:s8], $0x10000  }
0x11: {  	s26 =	sand.u32 $0x70, s2;
	s28 =	sand.u32 $0x1C00, s2;
	[sflag:s8] =	ssyncset.done $0x0  }
0x12: {  	s26 =	sor.u32 s26, s28;
	[sflag:s8] =	ssyncadd.s32 $0xFFFF0000  }
0x13: {  	v2 =	vld [tilespmem:s26+$0x80];
	_ =	sdelay $0x1  }
0x14: {  	v3 =	vld [tilespmem:s26+$0x0];
	_ =	sdelay $0x1  }
0x15: {  	v4 =	vld [tilespmem:s26+$0x100]  }
0x16: {  	vm0 =	vlt.f32 v2, $-Inf;
	vm1 =	vgt.f32 v2, $-Inf  }
0x17: {  	vm1 =	vmor vm1, vm0  }
0x18: {  	v6 =	vld [tilespmem:s26+$0x180];
	vm2 =	vgt.f32 v2, v3;
	v5 =	vnsel vm1, $0xFF800000, v2  }
0x19: {  	v5 =	vsel vm2, v3, v5  }
0x1a: {  	v2 =	vsel vm2, v2, v3;
	vm8 =	vgt.f32 v4, v5  }
0x1b: {  	vm3 =	vgt.f32 v4, v2;
	v3 =	vsel vm8, v4, v5;
	v5 =	vld [tilespmem:s26+$0x200]  }
0x1c: {  	v3 =	vsel vm3, v2, v3  }
0x1d: {  	v2 =	vsel vm3, v4, v2;
	vm10 =	vgt.f32 v6, v3  }
0x1e: {  	v4 =	vld [tilespmem:s26+$0x280];
	vm4 =	vgt.f32 v6, v2;
	v3 =	vsel vm10, v6, v3  }
0x1f: {  	v3 =	vsel vm4, v2, v3  }
0x20: {  	v2 =	vsel vm4, v6, v2;
	vm11 =	vgt.f32 v5, v3  }
0x21: {  	v6 =	vld [tilespmem:s26+$0x300];
	vm5 =	vgt.f32 v5, v2;
	v3 =	vsel vm11, v5, v3  }
0x22: {  	s28 =	sor.u32 s2, s2;
	v3 =	vsel vm5, v2, v3  }
0x23: {  	s28 =	sor.u32 $0x380, s28;
	v2 =	vsel vm5, v5, v2;
	vm12 =	vgt.f32 v4, v3  }
0x24: {  	v5 =	vld [tilespmem:s28+$0x0];
	vm0 =	vgt.f32 v4, v2;
	v3 =	vsel vm12, v4, v3  }
0x25: {  	v3 =	vsel vm0, v2, v3  }
0x26: {  	v2 =	vsel vm0, v4, v2;
	vm13 =	vgt.f32 v6, v3  }
0x27: {  	v4 =	vld [tilespmem:s26+$0x2000];
	vm6 =	vgt.f32 v6, v2;
	v3 =	vsel vm13, v6, v3  }
0x28: {  	v3 =	vsel vm6, v2, v3  }
0x29: {  	v2 =	vsel vm6, v6, v2;
	vm7 =	vgt.f32 v5, v3  }
0x2a: {  	v7 =	vld [tilespmem:s26+$0x2080];
	v6 =	vsel vm1, $0x3F800000, v0;
	vm1 =	vgt.f32 v5, v2;
	v3 =	vsel vm7, v5, v3  }
0x2b: {  	v6 =	vsel vm2, $0x0, v6;
	v3 =	vsel vm1, v2, v3  }
0x2c: {  	v6 =	vsel vm8, $0x40000000, v6;
	v2 =	vsel vm1, v5, v2;
	vm8 =	vgt.f32 v4, v3  }
0x2d: {  	v8 =	vld [tilespmem:s26+$0x2100];
	v5 =	vsel vm2, $0x3F800000, v1;
	vm2 =	vgt.f32 v4, v2;
	v3 =	vsel vm8, v4, v3  }
0x2e: {  	v6 =	vsel vm3, v5, v6;
	v3 =	vsel vm2, v2, v3  }
0x2f: {  	v5 =	vsel vm3, $0x40000000, v5;
	v2 =	vsel vm2, v4, v2;
	vm9 =	vgt.f32 v7, v3  }
0x30: {  	v4 =	vsel vm10, $0x40400000, v6;
	v6 =	vld [tilespmem:s26+$0x2180];
	vm3 =	vgt.f32 v7, v2;
	v3 =	vsel vm9, v7, v3  }
0x31: {  	v4 =	vsel vm4, v5, v4;
	v3 =	vsel vm3, v2, v3  }
0x32: {  	v5 =	vsel vm4, $0x40400000, v5;
	v2 =	vsel vm3, v7, v2;
	vm10 =	vgt.f32 v8, v3  }
0x33: {  	v4 =	vsel vm11, $0x40800000, v4;
	v7 =	vld [tilespmem:s26+$0x2200];
	vm4 =	vgt.f32 v8, v2;
	v3 =	vsel vm10, v8, v3  }
0x34: {  	v4 =	vsel vm5, v5, v4;
	v3 =	vsel vm4, v2, v3  }
0x35: {  	v5 =	vsel vm5, $0x40800000, v5;
	v2 =	vsel vm4, v8, v2;
	vm11 =	vgt.f32 v6, v3  }
0x36: {  	v4 =	vsel vm12, $0x40A00000, v4;
	v8 =	vld [tilespmem:s26+$0x2280];
	vm5 =	vgt.f32 v6, v2;
	v3 =	vsel vm11, v6, v3  }
0x37: {  	v4 =	vsel vm0, v5, v4;
	v3 =	vsel vm5, v2, v3  }
0x38: {  	v5 =	vsel vm0, $0x40A00000, v5;
	v2 =	vsel vm5, v6, v2;
	vm12 =	vgt.f32 v7, v3  }
0x39: {  	v4 =	vsel vm13, $0x40C00000, v4;
	v6 =	vld [tilespmem:s26+$0x2300];
	vm0 =	vgt.f32 v7, v2;
	v3 =	vsel vm12, v7, v3  }
0x3a: {  	v4 =	vsel vm6, v5, v4;
	v3 =	vsel vm0, v2, v3  }
0x3b: {  	v5 =	vsel vm6, $0x40C00000, v5;
	v2 =	vsel vm0, v7, v2;
	vm14 =	vgt.f32 v8, v3  }
0x3c: {  	v4 =	vsel vm7, $0x40E00000, v4;
	v7 =	vld [tilespmem:s26+$0x2380];
	vm6 =	vgt.f32 v8, v2;
	v3 =	vsel vm14, v8, v3  }
0x3d: {  	v4 =	vsel vm1, v5, v4;
	v3 =	vsel vm6, v2, v3  }
0x3e: {  	v5 =	vsel vm1, $0x40E00000, v5;
	v2 =	vsel vm6, v8, v2;
	vm13 =	vgt.f32 v6, v3  }
0x3f: {  	v4 =	vsel vm8, $0x41000000, v4;
	v8 =	vld [tilespmem:s26+$0x4000];
	vm1 =	vgt.f32 v6, v2;
	v3 =	vsel vm13, v6, v3  }
0x40: {  	v4 =	vsel vm2, v5, v4;
	v3 =	vsel vm1, v2, v3  }
0x41: {  	v5 =	vsel vm2, $0x41000000, v5;
	v2 =	vsel vm1, v6, v2;
	vm8 =	vgt.f32 v7, v3  }
0x42: {  	v4 =	vsel vm9, $0x41100000, v4;
	v6 =	vld [tilespmem:s26+$0x4080];
	vm2 =	vgt.f32 v7, v2;
	v3 =	vsel vm8, v7, v3  }
0x43: {  	v4 =	vsel vm3, v5, v4;
	v3 =	vsel vm2, v2, v3  }
0x44: {  	v5 =	vsel vm3, $0x41100000, v5;
	v2 =	vsel vm2, v7, v2;
	vm9 =	vgt.f32 v8, v3  }
0x45: {  	v4 =	vsel vm10, $0x41200000, v4;
	v7 =	vld [tilespmem:s26+$0x4100];
	vm3 =	vgt.f32 v8, v2;
	v3 =	vsel vm9, v8, v3  }
0x46: {  	v4 =	vsel vm4, v5, v4;
	v3 =	vsel vm3, v2, v3  }
0x47: {  	v5 =	vsel vm4, $0x41200000, v5;
	v2 =	vsel vm3, v8, v2;
	vm10 =	vgt.f32 v6, v3  }
0x48: {  	v4 =	vsel vm11, $0x41300000, v4;
	v8 =	vld [tilespmem:s26+$0x4180];
	vm4 =	vgt.f32 v6, v2;
	v3 =	vsel vm10, v6, v3  }
0x49: {  	v4 =	vsel vm5, v5, v4;
	v3 =	vsel vm4, v2, v3  }
0x4a: {  	v5 =	vsel vm5, $0x41300000, v5;
	v2 =	vsel vm4, v6, v2;
	vm11 =	vgt.f32 v7, v3  }
0x4b: {  	v4 =	vsel vm12, $0x41400000, v4;
	v6 =	vld [tilespmem:s26+$0x4200];
	vm5 =	vgt.f32 v7, v2;
	v3 =	vsel vm11, v7, v3  }
0x4c: {  	v4 =	vsel vm0, v5, v4;
	v3 =	vsel vm5, v2, v3  }
0x4d: {  	v5 =	vsel vm0, $0x41400000, v5;
	v2 =	vsel vm5, v7, v2;
	vm12 =	vgt.f32 v8, v3  }
0x4e: {  	v4 =	vsel vm14, $0x41500000, v4;
	v7 =	vld [tilespmem:s26+$0x4280];
	vm7 =	vgt.f32 v8, v2;
	v3 =	vsel vm12, v8, v3  }
0x4f: {  	v4 =	vsel vm6, v5, v4;
	v3 =	vsel vm7, v2, v3  }
0x50: {  	v5 =	vsel vm6, $0x41500000, v5;
	v2 =	vsel vm7, v8, v2;
	vm14 =	vgt.f32 v6, v3  }
0x51: {  	v4 =	vsel vm13, $0x41600000, v4;
	v8 =	vld [tilespmem:s26+$0x4300];
	vm6 =	vgt.f32 v6, v2;
	v3 =	vsel vm14, v6, v3  }
0x52: {  	v4 =	vsel vm1, v5, v4;
	v3 =	vsel vm6, v2, v3  }
0x53: {  	v5 =	vsel vm1, $0x41600000, v5;
	v2 =	vsel vm6, v6, v2;
	vm13 =	vgt.f32 v7, v3  }
0x54: {  	v4 =	vsel vm8, $0x41700000, v4;
	v6 =	vld [tilespmem:s26+$0x4380];
	vm1 =	vgt.f32 v7, v2;
	v3 =	vsel vm13, v7, v3  }
0x55: {  	v4 =	vsel vm2, v5, v4;
	v3 =	vsel vm1, v2, v3  }
0x56: {  	v5 =	vsel vm2, $0x41700000, v5;
	v2 =	vsel vm1, v7, v2;
	vm8 =	vgt.f32 v8, v3  }
0x57: {  	v4 =	vsel vm9, $0x41800000, v4;
	v7 =	vld [tilespmem:s26+$0x6000];
	vm2 =	vgt.f32 v8, v2;
	v3 =	vsel vm8, v8, v3  }
0x58: {  	v4 =	vsel vm3, v5, v4;
	v3 =	vsel vm2, v2, v3  }
0x59: {  	v5 =	vsel vm3, $0x41800000, v5;
	v2 =	vsel vm2, v8, v2;
	vm9 =	vgt.f32 v6, v3  }
0x5a: {  	v4 =	vsel vm10, $0x41880000, v4;
	v8 =	vld [tilespmem:s26+$0x6080];
	vm3 =	vgt.f32 v6, v2;
	v3 =	vsel vm9, v6, v3  }
0x5b: {  	v4 =	vsel vm4, v5, v4;
	v3 =	vsel vm3, v2, v3  }
0x5c: {  	v5 =	vsel vm4, $0x41880000, v5;
	v2 =	vsel vm3, v6, v2;
	vm10 =	vgt.f32 v7, v3  }
0x5d: {  	v4 =	vsel vm11, $0x41900000, v4;
	v6 =	vld [tilespmem:s26+$0x6100];
	vm0 =	vgt.f32 v7, v2;
	v3 =	vsel vm10, v7, v3  }
0x5e: {  	v4 =	vsel vm5, v5, v4;
	v3 =	vsel vm0, v2, v3  }
0x5f: {  	v5 =	vsel vm5, $0x41900000, v5;
	v2 =	vsel vm0, v7, v2;
	vm15 =	vgt.f32 v8, v3  }
0x60: {  	v4 =	vsel vm12, $0x41980000, v4;
	v7 =	vld [tilespmem:s26+$0x6180];
	vm4 =	vgt.f32 v8, v2;
	v3 =	vsel vm15, v8, v3  }
0x61: {  	v4 =	vsel vm7, v5, v4;
	v3 =	vsel vm4, v2, v3  }
0x62: {  	v5 =	vsel vm7, $0x41980000, v5;
	v2 =	vsel vm4, v8, v2;
	vm7 =	vgt.f32 v6, v3  }
0x63: {  	v4 =	vsel vm14, $0x41A00000, v4;
	v8 =	vld [tilespmem:s26+$0x6200];
	vm5 =	vgt.f32 v6, v2;
	v3 =	vsel vm7, v6, v3  }
0x64: {  	v4 =	vsel vm6, v5, v4;
	v3 =	vsel vm5, v2, v3  }
0x65: {  	v5 =	vsel vm6, $0x41A00000, v5;
	v2 =	vsel vm5, v6, v2;
	vm11 =	vgt.f32 v7, v3  }
0x66: {  	v4 =	vsel vm13, $0x41A80000, v4;
	v6 =	vld [tilespmem:s26+$0x6280];
	vm6 =	vgt.f32 v7, v2;
	v3 =	vsel vm11, v7, v3  }
0x67: {  	v4 =	vsel vm1, v5, v4;
	v3 =	vsel vm6, v2, v3  }
0x68: {  	v5 =	vsel vm1, $0x41A80000, v5;
	v2 =	vsel vm6, v7, v2;
	vm12 =	vgt.f32 v8, v3  }
0x69: {  	v4 =	vsel vm8, $0x41B00000, v4;
	v7 =	vld [tilespmem:s26+$0x6300];
	vm1 =	vgt.f32 v8, v2;
	v3 =	vsel vm12, v8, v3  }
0x6a: {  	v4 =	vsel vm2, v5, v4;
	v3 =	vsel vm1, v2, v3  }
0x6b: {  	v5 =	vsel vm2, $0x41B00000, v5;
	v2 =	vsel vm1, v8, v2;
	vm14 =	vgt.f32 v6, v3  }
0x6c: {  	v4 =	vsel vm9, $0x41B80000, v4;
	v8 =	vld [tilespmem:s26+$0x6380];
	vm2 =	vgt.f32 v6, v2;
	v3 =	vsel vm14, v6, v3  }
0x6d: {  	v4 =	vsel vm3, v5, v4;
	v3 =	vsel vm2, v2, v3  }
0x6e: {  	v5 =	vsel vm3, $0x41B80000, v5;
	v2 =	vsel vm2, v6, v2;
	vm8 =	vgt.f32 v7, v3  }
0x6f: {  	v4 =	vsel vm10, $0x41C00000, v4;
	v6 =	vld [tilespmem:s26+$0x8000];
	vm3 =	vgt.f32 v7, v2;
	v3 =	vsel vm8, v7, v3  }
0x70: {  	v4 =	vsel vm0, v5, v4;
	v3 =	vsel vm3, v2, v3  }
0x71: {  	v5 =	vsel vm0, $0x41C00000, v5;
	v2 =	vsel vm3, v7, v2;
	vm9 =	vgt.f32 v8, v3  }
0x72: {  	v4 =	vsel vm15, $0x41C80000, v4;
	v7 =	vld [tilespmem:s26+$0x8080];
	vm0 =	vgt.f32 v8, v2;
	v3 =	vsel vm9, v8, v3  }
0x73: {  	v4 =	vsel vm4, v5, v4;
	v3 =	vsel vm0, v2, v3  }
0x74: {  	v5 =	vsel vm4, $0x41C80000, v5;
	v2 =	vsel vm0, v8, v2;
	vm10 =	vgt.f32 v6, v3  }
0x75: {  	v4 =	vsel vm7, $0x41D00000, v4;
	v8 =	vld [tilespmem:s26+$0x8100];
	vm4 =	vgt.f32 v6, v2;
	v3 =	vsel vm10, v6, v3  }
0x76: {  	v4 =	vsel vm5, v5, v4;
	v3 =	vsel vm4, v2, v3  }
0x77: {  	v5 =	vsel vm5, $0x41D00000, v5;
	v2 =	vsel vm4, v6, v2;
	vm13 =	vgt.f32 v7, v3  }
0x78: {  	v4 =	vsel vm11, $0x41D80000, v4;
	v6 =	vld [tilespmem:s26+$0x8180];
	vm5 =	vgt.f32 v7, v2;
	v3 =	vsel vm13, v7, v3  }
0x79: {  	v4 =	vsel vm6, v5, v4;
	v3 =	vsel vm5, v2, v3  }
0x7a: {  	v5 =	vsel vm6, $0x41D80000, v5;
	v2 =	vsel vm5, v7, v2;
	vm11 =	vgt.f32 v8, v3  }
0x7b: {  	v4 =	vsel vm12, $0x41E00000, v4;
	v7 =	vld [tilespmem:s26+$0x8200];
	vm6 =	vgt.f32 v8, v2;
	v3 =	vsel vm11, v8, v3  }
0x7c: {  	v4 =	vsel vm1, v5, v4;
	v3 =	vsel vm6, v2, v3  }
0x7d: {  	v5 =	vsel vm1, $0x41E00000, v5;
	v2 =	vsel vm6, v8, v2;
	vm12 =	vgt.f32 v6, v3  }
0x7e: {  	v4 =	vsel vm14, $0x41E80000, v4;
	v8 =	vld [tilespmem:s26+$0x8280];
	vm1 =	vgt.f32 v6, v2;
	v3 =	vsel vm12, v6, v3  }
0x7f: {  	v4 =	vsel vm2, v5, v4;
	v3 =	vsel vm1, v2, v3  }
0x80: {  	v5 =	vsel vm2, $0x41E80000, v5;
	v2 =	vsel vm1, v6, v2;
	vm14 =	vgt.f32 v7, v3  }
0x81: {  	v4 =	vsel vm8, $0x41F00000, v4;
	v6 =	vld [tilespmem:s26+$0x8300];
	vm2 =	vgt.f32 v7, v2;
	v3 =	vsel vm14, v7, v3  }
0x82: {  	v4 =	vsel vm3, v5, v4;
	v3 =	vsel vm2, v2, v3  }
0x83: {  	v5 =	vsel vm3, $0x41F00000, v5;
	v2 =	vsel vm2, v7, v2;
	vm8 =	vgt.f32 v8, v3  }
0x84: {  	v4 =	vsel vm9, $0x41F80000, v4;
	v7 =	vld [tilespmem:s26+$0x8380];
	vm3 =	vgt.f32 v8, v2;
	v3 =	vsel vm8, v8, v3  }
0x85: {  	v4 =	vsel vm0, v5, v4;
	v3 =	vsel vm3, v2, v3  }
0x86: {  	v5 =	vsel vm0, $0x41F80000, v5;
	v2 =	vsel vm3, v8, v2;
	vm9 =	vgt.f32 v6, v3  }
0x87: {  	v4 =	vsel vm10, $0x42000000, v4;
	v8 =	vld [tilespmem:s26+$0xA000];
	vm7 =	vgt.f32 v6, v2;
	v3 =	vsel vm9, v6, v3  }
0x88: {  	v4 =	vsel vm4, v5, v4;
	v3 =	vsel vm7, v2, v3  }
0x89: {  	v5 =	vsel vm4, $0x42000000, v5;
	v2 =	vsel vm7, v6, v2;
	vm10 =	vgt.f32 v7, v3  }
0x8a: {  	v4 =	vsel vm13, $0x42040000, v4;
	v6 =	vld [tilespmem:s26+$0xA080];
	vm4 =	vgt.f32 v7, v2;
	v3 =	vsel vm10, v7, v3  }
0x8b: {  	v4 =	vsel vm5, v5, v4;
	v3 =	vsel vm4, v2, v3  }
0x8c: {  	v5 =	vsel vm5, $0x42040000, v5;
	v2 =	vsel vm4, v7, v2;
	vm13 =	vgt.f32 v8, v3  }
0x8d: {  	v4 =	vsel vm11, $0x42080000, v4;
	v7 =	vld [tilespmem:s26+$0xA100];
	vm5 =	vgt.f32 v8, v2;
	v3 =	vsel vm13, v8, v3  }
0x8e: {  	v4 =	vsel vm6, v5, v4;
	v3 =	vsel vm5, v2, v3  }
0x8f: {  	v5 =	vsel vm6, $0x42080000, v5;
	v2 =	vsel vm5, v8, v2;
	vm11 =	vgt.f32 v6, v3  }
0x90: {  	v4 =	vsel vm12, $0x420C0000, v4;
	v8 =	vld [tilespmem:s26+$0xA180];
	vm0 =	vgt.f32 v6, v2;
	v3 =	vsel vm11, v6, v3  }
0x91: {  	v4 =	vsel vm1, v5, v4;
	v3 =	vsel vm0, v2, v3  }
0x92: {  	v5 =	vsel vm1, $0x420C0000, v5;
	v2 =	vsel vm0, v6, v2;
	vm15 =	vgt.f32 v7, v3  }
0x93: {  	v4 =	vsel vm14, $0x42100000, v4;
	v6 =	vld [tilespmem:s26+$0xA200];
	vm1 =	vgt.f32 v7, v2;
	v3 =	vsel vm15, v7, v3  }
0x94: {  	v4 =	vsel vm2, v5, v4;
	v3 =	vsel vm1, v2, v3  }
0x95: {  	v5 =	vsel vm2, $0x42100000, v5;
	v2 =	vsel vm1, v7, v2;
	vm12 =	vgt.f32 v8, v3  }
0x96: {  	v4 =	vsel vm8, $0x42140000, v4;
	v7 =	vld [tilespmem:s26+$0xA280];
	vm2 =	vgt.f32 v8, v2;
	v3 =	vsel vm12, v8, v3  }
0x97: {  	v4 =	vsel vm3, v5, v4;
	v3 =	vsel vm2, v2, v3  }
0x98: {  	v5 =	vsel vm3, $0x42140000, v5;
	v2 =	vsel vm2, v8, v2;
	vm8 =	vgt.f32 v6, v3  }
0x99: {  	v4 =	vsel vm9, $0x42180000, v4;
	v8 =	vld [tilespmem:s26+$0xA300];
	vm3 =	vgt.f32 v6, v2;
	v3 =	vsel vm8, v6, v3  }
0x9a: {  	v4 =	vsel vm7, v5, v4;
	v3 =	vsel vm3, v2, v3  }
0x9b: {  	v5 =	vsel vm7, $0x42180000, v5;
	v2 =	vsel vm3, v6, v2;
	vm7 =	vgt.f32 v7, v3  }
0x9c: {  	v4 =	vsel vm10, $0x421C0000, v4;
	v6 =	vld [tilespmem:s26+$0xA380];
	vm6 =	vgt.f32 v7, v2;
	v3 =	vsel vm7, v7, v3  }
0x9d: {  	v4 =	vsel vm4, v5, v4;
	v3 =	vsel vm6, v2, v3  }
0x9e: {  	v5 =	vsel vm4, $0x421C0000, v5;
	v2 =	vsel vm6, v7, v2;
	vm9 =	vgt.f32 v8, v3  }
0x9f: {  	v4 =	vsel vm13, $0x42200000, v4;
	v7 =	vld [tilespmem:s26+$0xC000];
	vm4 =	vgt.f32 v8, v2;
	v3 =	vsel vm9, v8, v3  }
0xa0: {  	v4 =	vsel vm5, v5, v4;
	v3 =	vsel vm4, v2, v3  }
0xa1: {  	v5 =	vsel vm5, $0x42200000, v5;
	v2 =	vsel vm4, v8, v2;
	vm10 =	vgt.f32 v6, v3  }
0xa2: {  	v4 =	vsel vm11, $0x42240000, v4;
	v8 =	vld [tilespmem:s26+$0xC080];
	vm5 =	vgt.f32 v6, v2;
	v3 =	vsel vm10, v6, v3  }
0xa3: {  	v4 =	vsel vm0, v5, v4;
	v3 =	vsel vm5, v2, v3  }
0xa4: {  	v5 =	vsel vm0, $0x42240000, v5;
	v2 =	vsel vm5, v6, v2;
	vm11 =	vgt.f32 v7, v3  }
0xa5: {  	v4 =	vsel vm15, $0x42280000, v4;
	v6 =	vld [tilespmem:s26+$0xC100];
	vm0 =	vgt.f32 v7, v2;
	v3 =	vsel vm11, v7, v3  }
0xa6: {  	v4 =	vsel vm1, v5, v4;
	v3 =	vsel vm0, v2, v3  }
0xa7: {  	v5 =	vsel vm1, $0x42280000, v5;
	v2 =	vsel vm0, v7, v2;
	vm13 =	vgt.f32 v8, v3  }
0xa8: {  	v4 =	vsel vm12, $0x422C0000, v4;
	v7 =	vld [tilespmem:s26+$0xC180];
	vm1 =	vgt.f32 v8, v2;
	v3 =	vsel vm13, v8, v3  }
0xa9: {  	v4 =	vsel vm2, v5, v4;
	v3 =	vsel vm1, v2, v3  }
0xaa: {  	v5 =	vsel vm2, $0x422C0000, v5;
	v2 =	vsel vm1, v8, v2;
	vm12 =	vgt.f32 v6, v3  }
0xab: {  	v4 =	vsel vm8, $0x42300000, v4;
	v8 =	vld [tilespmem:s26+$0xC200];
	vm2 =	vgt.f32 v6, v2;
	v3 =	vsel vm12, v6, v3  }
0xac: {  	v4 =	vsel vm3, v5, v4;
	v3 =	vsel vm2, v2, v3  }
0xad: {  	v5 =	vsel vm3, $0x42300000, v5;
	v2 =	vsel vm2, v6, v2;
	vm8 =	vgt.f32 v7, v3  }
0xae: {  	v4 =	vsel vm7, $0x42340000, v4;
	v6 =	vld [tilespmem:s26+$0xC280];
	vm3 =	vgt.f32 v7, v2;
	v3 =	vsel vm8, v7, v3  }
0xaf: {  	v4 =	vsel vm6, v5, v4;
	v3 =	vsel vm3, v2, v3  }
0xb0: {  	v5 =	vsel vm6, $0x42340000, v5;
	v2 =	vsel vm3, v7, v2;
	vm7 =	vgt.f32 v8, v3  }
0xb1: {  	v4 =	vsel vm9, $0x42380000, v4;
	v7 =	vld [tilespmem:s26+$0xC300];
	vm6 =	vgt.f32 v8, v2;
	v3 =	vsel vm7, v8, v3  }
0xb2: {  	v4 =	vsel vm4, v5, v4;
	v3 =	vsel vm6, v2, v3  }
0xb3: {  	v5 =	vsel vm4, $0x42380000, v5;
	v2 =	vsel vm6, v8, v2;
	vm9 =	vgt.f32 v6, v3  }
0xb4: {  	v4 =	vsel vm10, $0x423C0000, v4;
	v8 =	vld [tilespmem:s26+$0xC380];
	vm4 =	vgt.f32 v6, v2;
	v3 =	vsel vm9, v6, v3  }
0xb5: {  	v4 =	vsel vm5, v5, v4;
	v3 =	vsel vm4, v2, v3  }
0xb6: {  	v5 =	vsel vm5, $0x423C0000, v5;
	v2 =	vsel vm4, v6, v2;
	vm14 =	vgt.f32 v7, v3  }
0xb7: {  	v4 =	vsel vm11, $0x42400000, v4;
	v6 =	vld [tilespmem:s26+$0xE000];
	vm5 =	vgt.f32 v7, v2;
	v3 =	vsel vm14, v7, v3  }
0xb8: {  	v4 =	vsel vm0, v5, v4;
	v3 =	vsel vm5, v2, v3  }
0xb9: {  	v5 =	vsel vm0, $0x42400000, v5;
	v2 =	vsel vm5, v7, v2;
	vm10 =	vgt.f32 v8, v3  }
0xba: {  	v4 =	vsel vm13, $0x42440000, v4;
	v7 =	vld [tilespmem:s26+$0xE080];
	vm0 =	vgt.f32 v8, v2;
	v3 =	vsel vm10, v8, v3  }
0xbb: {  	v4 =	vsel vm1, v5, v4;
	v3 =	vsel vm0, v2, v3  }
0xbc: {  	v5 =	vsel vm1, $0x42440000, v5;
	v2 =	vsel vm0, v8, v2;
	vm11 =	vgt.f32 v6, v3  }
0xbd: {  	v4 =	vsel vm12, $0x42480000, v4;
	v8 =	vld [tilespmem:s26+$0xE100];
	vm1 =	vgt.f32 v6, v2;
	v3 =	vsel vm11, v6, v3  }
0xbe: {  	v4 =	vsel vm2, v5, v4;
	v3 =	vsel vm1, v2, v3  }
0xbf: {  	v5 =	vsel vm2, $0x42480000, v5;
	v2 =	vsel vm1, v6, v2;
	vm12 =	vgt.f32 v7, v3  }
0xc0: {  	v4 =	vsel vm8, $0x424C0000, v4;
	v6 =	vld [tilespmem:s26+$0xE180];
	vm2 =	vgt.f32 v7, v2;
	v3 =	vsel vm12, v7, v3  }
0xc1: {  	v4 =	vsel vm3, v5, v4;
	v3 =	vsel vm2, v2, v3  }
0xc2: {  	v5 =	vsel vm3, $0x424C0000, v5;
	v2 =	vsel vm2, v7, v2;
	vm8 =	vgt.f32 v8, v3  }
0xc3: {  	v4 =	vsel vm7, $0x42500000, v4;
	v7 =	vld [tilespmem:s26+$0xE200];
	vm3 =	vgt.f32 v8, v2;
	v3 =	vsel vm8, v8, v3  }
0xc4: {  	v4 =	vsel vm6, v5, v4;
	v3 =	vsel vm3, v2, v3  }
0xc5: {  	v5 =	vsel vm6, $0x42500000, v5;
	v2 =	vsel vm3, v8, v2;
	vm7 =	vgt.f32 v6, v3  }
0xc6: {  	v4 =	vsel vm9, $0x42540000, v4;
	v8 =	vld [tilespmem:s26+$0xE280];
	vm6 =	vgt.f32 v6, v2;
	v3 =	vsel vm7, v6, v3  }
0xc7: {  	v4 =	vsel vm4, v5, v4;
	v5 =	vsel vm4, $0x42540000, v5;
	v3 =	vsel vm6, v2, v3  }
0xc8: {  	v4 =	vsel vm14, $0x42580000, v4;
	v2 =	vsel vm6, v6, v2;
	v6 =	vld [tilespmem:s26+$0xE300];
	vm9 =	vgt.f32 v7, v3  }
0xc9: {  	v4 =	vsel vm5, v5, v4;
	vm4 =	vgt.f32 v7, v2;
	v3 =	vsel vm9, v7, v3  }
0xca: {  	v9 =	vld [tilespmem:s26+$0xE380];
	v5 =	vsel vm5, $0x42580000, v5;
	v7 =	vsel vm4, v7, v2;
	v2 =	vsel vm4, v2, v3  }
0xcb: {  	v3 =	vsel vm10, $0x425C0000, v4;
	vm5 =	vgt.f32 v8, v7;
	vm10 =	vgt.f32 v8, v2  }
0xcc: {  	v3 =	vsel vm0, v5, v3;
	v4 =	vsel vm5, v8, v7;
	v2 =	vsel vm10, v8, v2  }
0xcd: {  	v5 =	vsel vm0, $0x425C0000, v5;
	vm0 =	vgt.f32 v6, v4;
	v2 =	vsel vm5, v7, v2  }
0xce: {  	v3 =	vsel vm11, $0x42600000, v3;
	v7 =	vsel vm0, v6, v4;
	vm13 =	vgt.f32 v6, v2  }
0xcf: {  	v3 =	vsel vm1, v5, v3;
	vm15 =	vgt.f32 v9, v7;
	v2 =	vsel vm13, v6, v2  }
0xd0: {  	v5 =	vsel vm1, $0x42600000, v5;
	v6 =	vsel vm15, v9, v7;
	v2 =	vsel vm0, v4, v2  }
0xd1: {  	v3 =	vsel vm12, $0x42640000, v3;
	v4 =	vmax.f32 v6, $0.0e+00;
	vm1 =	vgt.f32 v9, v2  }
0xd2: {  	v3 =	vsel vm2, v5, v3;
	v8 =	vsub.f32 $0.0e+00, v4;
	v2 =	vsel vm1, v9, v2  }
0xd3: {  	v5 =	vsel vm2, $0x42640000, v5;
	v6 =	vsub.f32 v6, v4;
	v2 =	vsel vm15, v7, v2  }
0xd4: {  	v3 =	vsel vm8, $0x42680000, v3;
	v2 =	vsub.f32 v2, v4;
	v4 =	vmul.f32 $1.442695020e+00, v8  }
0xd5: {  	v3 =	vsel vm3, v5, v3;
	v5 =	vsel vm3, $0x42680000, v5;
	v6 =	vmul.f32 $1.442695020e+00, v6  }
0xd6: {  	v3 =	vsel vm7, $0x426C0000, v3;
	v2 =	vmul.f32 $1.442695020e+00, v2;
	(erf) = vpow2.f32 v4  }
0xd7: {  	v3 =	vsel vm6, v5, v3;
	(erf) = vpow2.f32 v6  }
0xd8: {  	v3 =	vsel vm9, $0x42700000, v3;
	v4 =	vsel vm6, $0x426C0000, v5;
	(erf) = vpow2.f32 v2  }
0xd9: {  	v2 =	vsel vm4, v4, v3  }
0xda: {  	v3 =	vsel vm4, $0x42700000, v4;
	v2 =	vsel vm10, $0x42740000, v2  }
0xdb: {  	v2 =	vsel vm5, v3, v2  }
0xdc: {  	v3 =	vsel vm5, $0x42740000, v3;
	v2 =	vsel vm13, $0x42780000, v2  }
0xdd: {  	v2 =	vsel vm0, v3, v2  }
0xde: {  	v3 =	vsel vm0, $0x42780000, v3;
	v2 =	vsel vm1, $0x427C0000, v2  }
0xdf: {  	s29 =	simm.s32 $0x80;
	s28 =	simm.s32 $0x10;
	v2 =	vsel vm15, v3, v2;
	v4 =	vpop (erf)  }
0xe0: {  	s31 =	sand.u32 $0x1C00, s29;
	s30 =	sand.u32 $0x70, s28;
	v3 =	vsel vm15, $0x427C0000, v3;
	[tilespmem:s26+$0x10200] =	vst v2;
	v10 =	vpop (erf)  }
0xe1: {  	s31 =	sor.u32 s30, s31;
	[tilespmem:s26+$0x10180] =	vst v3;
	v7 =	vpop (erf)  }
0xe2: {  	v2 =	vld [tilespmem:s31+$0x80];
	v5 =	vmul.f32 $6.200000000e+01, v4;
	v3 =	vadd.f32 v7, v10;
	_ =	sdelay $0x1  }
0xe3: {  	v6 =	vld [tilespmem:s31+$0x0];
	v3 =	vadd.f32 v3, v5;
	_ =	sdelay $0x1  }
0xe4: {  	v5 =	vld [tilespmem:s31+$0x100];
	(erf) = vrcp.f32 v3  }
0xe5: {  	vm0 =	vlt.f32 v2, $-Inf;
	vm1 =	vgt.f32 v2, $-Inf  }
0xe6: {  	vm0 =	vmor vm1, vm0  }
0xe7: {  	v8 =	vld [tilespmem:s31+$0x180];
	vm1 =	vgt.f32 v2, v6;
	v3 =	vnsel vm0, $0xFF800000, v2  }
0xe8: {  	v9 =	vsel vm0, $0x3F800000, v0;
	v3 =	vsel vm1, v6, v3  }
0xe9: {  	v2 =	vsel vm1, v2, v6;
	v9 =	vsel vm1, $0x0, v9;
	vm0 =	vgt.f32 v5, v3  }
0xea: {  	vm2 =	vgt.f32 v5, v2;
	v3 =	vsel vm0, v5, v3;
	v9 =	vsel vm0, $0x40000000, v9  }
0xeb: {  	v11 =	vsel vm1, $0x3F800000, v1;
	v6 =	vld [tilespmem:s31+$0x200];
	v3 =	vsel vm2, v2, v3  }
0xec: {  	v12 =	vsel vm2, v5, v2;
	v5 =	vsel vm2, v11, v9;
	vm0 =	vgt.f32 v8, v3  }
0xed: {  	v2 =	vsel vm2, $0x40000000, v11;
	vm1 =	vgt.f32 v8, v12;
	v11 =	vsel vm0, v8, v3;
	v9 =	vpop (erf)  }
0xee: {  	v8 =	vsel vm1, v8, v12;
	v11 =	vsel vm1, v12, v11;
	v12 =	vmul.f32 v9, v7;
	v7 =	vld [tilespmem:s31+$0x280]  }
0xef: {  	v5 =	vsel vm0, $0x40400000, v5  }
0xf0: {  	s30 =	simm.s32 $0x20;
	v3 =	vld [tilespmem:s31+$0x300];
	vm0 =	vgt.f32 v6, v8;
	vm3 =	vgt.f32 v6, v11;
	v10 =	vmul.f32 v9, v10  }
.LBB2_2:
0xf1: {  	p0 =	sne.s32 s30, $0x3F0;
	v5 =	vsel vm1, v2, v5;
	v11 =	vsel vm3, v6, v11;
	v4 =	vmul.f32 v9, v4;
	[tilespmem:s26+$0x10080] =	vst v12;
	s0 =	smov.u32 s30;
	s30 =	sadd.s32 $0x10, s30  }
0xf2: {  	v2 =	vsel vm1, $0x40400000, v2;
	s1 =	sor.u32 s29, s28;
	v9 =	vsel vm0, v8, v11;
	[tilespmem:s26+$0x10000] =	vst v10;
	s28 =	smov.u32 s0  }
0xf3: {  	v6 =	vsel vm0, v6, v8;
	v8 =	vsel vm0, $0x40800000, v2;
	s0 =	sor.u32 $0x380, s1;
	vm1 =	vgt.f32 v7, v9;
	[tilespmem:s26+$0x10100] =	vst v4;
	s26 =	smov.u32 s31  }
0xf4: {  	v4 =	vsel vm3, $0x40800000, v5;
	vm2 =	vgt.f32 v7, v6;
	v5 =	vsel vm1, v7, v9;
	v9 =	vld [tilespmem:s0+$0x0]  }
0xf5: {  	v2 =	vsel vm0, v2, v4;
	v4 =	vsel vm2, v6, v5;
	v5 =	vsel vm2, v7, v6  }
0xf6: {  	v2 =	vsel vm1, $0x40A00000, v2;
	v6 =	vsel vm2, $0x40A00000, v8;
	vm0 =	vgt.f32 v3, v4  }
0xf7: {  	v2 =	vsel vm2, v8, v2;
	vm1 =	vgt.f32 v3, v5;
	v4 =	vsel vm0, v3, v4;
	v7 =	vld [tilespmem:s26+$0x2000]  }
0xf8: {  	v2 =	vsel vm0, $0x40C00000, v2;
	v8 =	vsel vm1, $0x40C00000, v6;
	v4 =	vsel vm1, v5, v4  }
0xf9: {  	v3 =	vsel vm1, v3, v5;
	v2 =	vsel vm1, v6, v2;
	vm0 =	vgt.f32 v9, v4  }
0xfa: {  	vm1 =	vgt.f32 v9, v3;
	v4 =	vsel vm0, v9, v4;
	v2 =	vsel vm0, $0x40E00000, v2;
	v5 =	vld [tilespmem:s26+$0x2080]  }
0xfb: {  	v4 =	vsel vm1, v3, v4;
	v2 =	vsel vm1, v8, v2;
	v3 =	vsel vm1, v9, v3  }
0xfc: {  	vm0 =	vgt.f32 v7, v4  }
0xfd: {  	v6 =	vsel vm1, $0x40E00000, v8;
	vm1 =	vgt.f32 v7, v3;
	v4 =	vsel vm0, v7, v4;
	v8 =	vld [tilespmem:s26+$0x2100]  }
0xfe: {  	v2 =	vsel vm0, $0x41000000, v2;
	v4 =	vsel vm1, v3, v4;
	v3 =	vsel vm1, v7, v3  }
0xff: {  	v2 =	vsel vm1, v6, v2;
	v6 =	vsel vm1, $0x41000000, v6;
	vm0 =	vgt.f32 v5, v4  }
0x100: {  	vm1 =	vgt.f32 v5, v3;
	v4 =	vsel vm0, v5, v4;
	v2 =	vsel vm0, $0x41100000, v2;
	v7 =	vld [tilespmem:s26+$0x2180]  }
0x101: {  	v4 =	vsel vm1, v3, v4;
	v2 =	vsel vm1, v6, v2;
	v3 =	vsel vm1, v5, v3  }
0x102: {  	v5 =	vsel vm1, $0x41100000, v6;
	vm0 =	vgt.f32 v8, v4  }
0x103: {  	vm1 =	vgt.f32 v8, v3;
	v4 =	vsel vm0, v8, v4;
	v2 =	vsel vm0, $0x41200000, v2;
	v6 =	vld [tilespmem:s26+$0x2200]  }
0x104: {  	v4 =	vsel vm1, v3, v4;
	v2 =	vsel vm1, v5, v2;
	v3 =	vsel vm1, v8, v3  }
0x105: {  	v5 =	vsel vm1, $0x41200000, v5;
	vm0 =	vgt.f32 v7, v4  }
0x106: {  	vm1 =	vgt.f32 v7, v3;
	v4 =	vsel vm0, v7, v4;
	v2 =	vsel vm0, $0x41300000, v2;
	v8 =	vld [tilespmem:s26+$0x2280]  }
0x107: {  	v4 =	vsel vm1, v3, v4;
	v2 =	vsel vm1, v5, v2;
	v3 =	vsel vm1, v7, v3  }
0x108: {  	v5 =	vsel vm1, $0x41300000, v5;
	vm0 =	vgt.f32 v6, v4  }
0x109: {  	vm1 =	vgt.f32 v6, v3;
	v4 =	vsel vm0, v6, v4;
	v2 =	vsel vm0, $0x41400000, v2;
	v7 =	vld [tilespmem:s26+$0x2300]  }
0x10a: {  	v4 =	vsel vm1, v3, v4;
	v2 =	vsel vm1, v5, v2;
	v3 =	vsel vm1, v6, v3  }
0x10b: {  	vm0 =	vgt.f32 v8, v4  }
0x10c: {  	vm2 =	vgt.f32 v8, v3;
	v4 =	vsel vm0, v8, v4;
	v2 =	vsel vm0, $0x41500000, v2;
	v6 =	vld [tilespmem:s26+$0x2380]  }
0x10d: {  	v5 =	vsel vm1, $0x41400000, v5;
	v4 =	vsel vm2, v3, v4;
	v3 =	vsel vm2, v8, v3  }
0x10e: {  	v2 =	vsel vm2, v5, v2;
	v5 =	vsel vm2, $0x41500000, v5;
	vm0 =	vgt.f32 v7, v4  }
0x10f: {  	vm1 =	vgt.f32 v7, v3;
	v4 =	vsel vm0, v7, v4;
	v2 =	vsel vm0, $0x41600000, v2;
	v8 =	vld [tilespmem:s26+$0x4000]  }
0x110: {  	v4 =	vsel vm1, v3, v4;
	v2 =	vsel vm1, v5, v2;
	v3 =	vsel vm1, v7, v3  }
0x111: {  	v5 =	vsel vm1, $0x41600000, v5;
	vm0 =	vgt.f32 v6, v4  }
0x112: {  	vm1 =	vgt.f32 v6, v3;
	v4 =	vsel vm0, v6, v4;
	v2 =	vsel vm0, $0x41700000, v2;
	v7 =	vld [tilespmem:s26+$0x4080]  }
0x113: {  	v4 =	vsel vm1, v3, v4;
	v2 =	vsel vm1, v5, v2;
	v3 =	vsel vm1, v6, v3  }
0x114: {  	v5 =	vsel vm1, $0x41700000, v5;
	vm0 =	vgt.f32 v8, v4  }
0x115: {  	vm1 =	vgt.f32 v8, v3;
	v4 =	vsel vm0, v8, v4;
	v2 =	vsel vm0, $0x41800000, v2;
	v6 =	vld [tilespmem:s26+$0x4100]  }
0x116: {  	v4 =	vsel vm1, v3, v4;
	v2 =	vsel vm1, v5, v2;
	v3 =	vsel vm1, v8, v3  }
0x117: {  	v5 =	vsel vm1, $0x41800000, v5;
	vm0 =	vgt.f32 v7, v4  }
0x118: {  	vm1 =	vgt.f32 v7, v3;
	v4 =	vsel vm0, v7, v4;
	v2 =	vsel vm0, $0x41880000, v2;
	v8 =	vld [tilespmem:s26+$0x4180]  }
0x119: {  	v4 =	vsel vm1, v3, v4;
	v2 =	vsel vm1, v5, v2;
	v3 =	vsel vm1, v7, v3  }
0x11a: {  	v5 =	vsel vm1, $0x41880000, v5;
	vm0 =	vgt.f32 v6, v4  }
0x11b: {  	vm1 =	vgt.f32 v6, v3;
	v4 =	vsel vm0, v6, v4;
	v2 =	vsel vm0, $0x41900000, v2;
	v7 =	vld [tilespmem:s26+$0x4200]  }
0x11c: {  	v4 =	vsel vm1, v3, v4;
	v2 =	vsel vm1, v5, v2;
	v3 =	vsel vm1, v6, v3  }
0x11d: {  	v5 =	vsel vm1, $0x41900000, v5;
	vm0 =	vgt.f32 v8, v4  }
0x11e: {  	vm1 =	vgt.f32 v8, v3;
	v4 =	vsel vm0, v8, v4;
	v2 =	vsel vm0, $0x41980000, v2;
	v6 =	vld [tilespmem:s26+$0x4280]  }
0x11f: {  	v4 =	vsel vm1, v3, v4;
	v2 =	vsel vm1, v5, v2;
	v5 =	vsel vm1, $0x41980000, v5  }
0x120: {  	v3 =	vsel vm1, v8, v3;
	vm0 =	vgt.f32 v7, v4  }
0x121: {  	vm1 =	vgt.f32 v7, v3;
	v4 =	vsel vm0, v7, v4;
	v2 =	vsel vm0, $0x41A00000, v2;
	v8 =	vld [tilespmem:s26+$0x4300]  }
0x122: {  	v4 =	vsel vm1, v3, v4;
	v2 =	vsel vm1, v5, v2;
	v5 =	vsel vm1, $0x41A00000, v5  }
0x123: {  	v3 =	vsel vm1, v7, v3;
	vm0 =	vgt.f32 v6, v4  }
0x124: {  	vm1 =	vgt.f32 v6, v3;
	v4 =	vsel vm0, v6, v4;
	v2 =	vsel vm0, $0x41A80000, v2;
	v7 =	vld [tilespmem:s26+$0x4380]  }
0x125: {  	v4 =	vsel vm1, v3, v4;
	v2 =	vsel vm1, v5, v2;
	v3 =	vsel vm1, v6, v3  }
0x126: {  	v5 =	vsel vm1, $0x41A80000, v5;
	vm0 =	vgt.f32 v8, v4  }
0x127: {  	vm1 =	vgt.f32 v8, v3;
	v4 =	vsel vm0, v8, v4;
	v2 =	vsel vm0, $0x41B00000, v2;
	v6 =	vld [tilespmem:s26+$0x6000]  }
0x128: {  	v4 =	vsel vm1, v3, v4;
	v2 =	vsel vm1, v5, v2;
	v3 =	vsel vm1, v8, v3  }
0x129: {  	v5 =	vsel vm1, $0x41B00000, v5;
	vm0 =	vgt.f32 v7, v4  }
0x12a: {  	vm1 =	vgt.f32 v7, v3;
	v4 =	vsel vm0, v7, v4;
	v2 =	vsel vm0, $0x41B80000, v2;
	v8 =	vld [tilespmem:s26+$0x6080]  }
0x12b: {  	v4 =	vsel vm1, v3, v4;
	v2 =	vsel vm1, v5, v2;
	v3 =	vsel vm1, v7, v3  }
0x12c: {  	v5 =	vsel vm1, $0x41B80000, v5;
	vm0 =	vgt.f32 v6, v4  }
0x12d: {  	vm1 =	vgt.f32 v6, v3;
	v4 =	vsel vm0, v6, v4;
	v2 =	vsel vm0, $0x41C00000, v2;
	v7 =	vld [tilespmem:s26+$0x6100]  }
0x12e: {  	v4 =	vsel vm1, v3, v4;
	v2 =	vsel vm1, v5, v2;
	v3 =	vsel vm1, v6, v3  }
0x12f: {  	vm0 =	vgt.f32 v8, v4  }
0x130: {  	vm2 =	vgt.f32 v8, v3;
	v4 =	vsel vm0, v8, v4;
	v2 =	vsel vm0, $0x41C80000, v2;
	v6 =	vld [tilespmem:s26+$0x6180]  }
0x131: {  	v5 =	vsel vm1, $0x41C00000, v5;
	v4 =	vsel vm2, v3, v4;
	v3 =	vsel vm2, v8, v3  }
0x132: {  	v2 =	vsel vm2, v5, v2;
	v5 =	vsel vm2, $0x41C80000, v5;
	vm0 =	vgt.f32 v7, v4  }
0x133: {  	vm1 =	vgt.f32 v7, v3;
	v4 =	vsel vm0, v7, v4;
	v2 =	vsel vm0, $0x41D00000, v2;
	v8 =	vld [tilespmem:s26+$0x6200]  }
0x134: {  	v4 =	vsel vm1, v3, v4;
	v2 =	vsel vm1, v5, v2;
	v3 =	vsel vm1, v7, v3  }
0x135: {  	v5 =	vsel vm1, $0x41D00000, v5;
	vm0 =	vgt.f32 v6, v4  }
0x136: {  	vm1 =	vgt.f32 v6, v3;
	v4 =	vsel vm0, v6, v4;
	v2 =	vsel vm0, $0x41D80000, v2;
	v7 =	vld [tilespmem:s26+$0x6280]  }
0x137: {  	v4 =	vsel vm1, v3, v4;
	v2 =	vsel vm1, v5, v2;
	v3 =	vsel vm1, v6, v3  }
0x138: {  	v5 =	vsel vm1, $0x41D80000, v5;
	vm0 =	vgt.f32 v8, v4  }
0x139: {  	vm1 =	vgt.f32 v8, v3;
	v4 =	vsel vm0, v8, v4;
	v2 =	vsel vm0, $0x41E00000, v2;
	v6 =	vld [tilespmem:s26+$0x6300]  }
0x13a: {  	v4 =	vsel vm1, v3, v4;
	v2 =	vsel vm1, v5, v2;
	v3 =	vsel vm1, v8, v3  }
0x13b: {  	vm0 =	vgt.f32 v7, v4  }
0x13c: {  	vm2 =	vgt.f32 v7, v3;
	v4 =	vsel vm0, v7, v4;
	v2 =	vsel vm0, $0x41E80000, v2;
	v8 =	vld [tilespmem:s26+$0x6380]  }
0x13d: {  	v5 =	vsel vm1, $0x41E00000, v5;
	v4 =	vsel vm2, v3, v4;
	v3 =	vsel vm2, v7, v3  }
0x13e: {  	v2 =	vsel vm2, v5, v2;
	v5 =	vsel vm2, $0x41E80000, v5;
	vm0 =	vgt.f32 v6, v4  }
0x13f: {  	vm1 =	vgt.f32 v6, v3;
	v4 =	vsel vm0, v6, v4;
	v2 =	vsel vm0, $0x41F00000, v2;
	v7 =	vld [tilespmem:s26+$0x8000]  }
0x140: {  	v4 =	vsel vm1, v3, v4;
	v2 =	vsel vm1, v5, v2;
	v3 =	vsel vm1, v6, v3  }
0x141: {  	v5 =	vsel vm1, $0x41F00000, v5;
	vm0 =	vgt.f32 v8, v4  }
0x142: {  	vm1 =	vgt.f32 v8, v3;
	v4 =	vsel vm0, v8, v4;
	v2 =	vsel vm0, $0x41F80000, v2;
	v6 =	vld [tilespmem:s26+$0x8080]  }
0x143: {  	v4 =	vsel vm1, v3, v4;
	v2 =	vsel vm1, v5, v2;
	v3 =	vsel vm1, v8, v3  }
0x144: {  	v5 =	vsel vm1, $0x41F80000, v5;
	vm0 =	vgt.f32 v7, v4  }
0x145: {  	vm1 =	vgt.f32 v7, v3;
	v4 =	vsel vm0, v7, v4;
	v2 =	vsel vm0, $0x42000000, v2;
	v8 =	vld [tilespmem:s26+$0x8100]  }
0x146: {  	v4 =	vsel vm1, v3, v4;
	v2 =	vsel vm1, v5, v2;
	v3 =	vsel vm1, v7, v3  }
0x147: {  	v5 =	vsel vm1, $0x42000000, v5;
	vm0 =	vgt.f32 v6, v4  }
0x148: {  	vm1 =	vgt.f32 v6, v3;
	v4 =	vsel vm0, v6, v4;
	v2 =	vsel vm0, $0x42040000, v2;
	v7 =	vld [tilespmem:s26+$0x8180]  }
0x149: {  	v4 =	vsel vm1, v3, v4;
	v2 =	vsel vm1, v5, v2;
	v3 =	vsel vm1, v6, v3  }
0x14a: {  	vm0 =	vgt.f32 v8, v4  }
0x14b: {  	v5 =	vsel vm1, $0x42040000, v5;
	vm1 =	vgt.f32 v8, v3;
	v4 =	vsel vm0, v8, v4;
	v6 =	vld [tilespmem:s26+$0x8200]  }
0x14c: {  	v2 =	vsel vm0, $0x42080000, v2;
	v9 =	vsel vm1, $0x42080000, v5;
	v4 =	vsel vm1, v3, v4  }
0x14d: {  	v2 =	vsel vm1, v5, v2;
	v3 =	vsel vm1, v8, v3;
	vm0 =	vgt.f32 v7, v4  }
0x14e: {  	vm1 =	vgt.f32 v7, v3;
	v4 =	vsel vm0, v7, v4;
	v2 =	vsel vm0, $0x420C0000, v2;
	v5 =	vld [tilespmem:s26+$0x8280]  }
0x14f: {  	v4 =	vsel vm1, v3, v4;
	v2 =	vsel vm1, v9, v2  }
0x150: {  	v3 =	vsel vm1, v7, v3;
	v7 =	vsel vm1, $0x420C0000, v9;
	vm0 =	vgt.f32 v6, v4  }
0x151: {  	vm1 =	vgt.f32 v6, v3;
	v4 =	vsel vm0, v6, v4;
	v2 =	vsel vm0, $0x42100000, v2;
	v8 =	vld [tilespmem:s26+$0x8300]  }
0x152: {  	v4 =	vsel vm1, v3, v4;
	v2 =	vsel vm1, v7, v2;
	v3 =	vsel vm1, v6, v3  }
0x153: {  	v6 =	vsel vm1, $0x42100000, v7;
	vm0 =	vgt.f32 v5, v4  }
0x154: {  	vm1 =	vgt.f32 v5, v3;
	v4 =	vsel vm0, v5, v4;
	v2 =	vsel vm0, $0x42140000, v2;
	v7 =	vld [tilespmem:s26+$0x8380]  }
0x155: {  	v4 =	vsel vm1, v3, v4;
	v2 =	vsel vm1, v6, v2;
	v3 =	vsel vm1, v5, v3  }
0x156: {  	v5 =	vsel vm1, $0x42140000, v6;
	vm0 =	vgt.f32 v8, v4  }
0x157: {  	vm1 =	vgt.f32 v8, v3;
	v4 =	vsel vm0, v8, v4;
	v2 =	vsel vm0, $0x42180000, v2;
	v6 =	vld [tilespmem:s26+$0xA000]  }
0x158: {  	v4 =	vsel vm1, v3, v4;
	v2 =	vsel vm1, v5, v2;
	v3 =	vsel vm1, v8, v3  }
0x159: {  	v5 =	vsel vm1, $0x42180000, v5;
	vm0 =	vgt.f32 v7, v4  }
0x15a: {  	vm1 =	vgt.f32 v7, v3;
	v4 =	vsel vm0, v7, v4;
	v2 =	vsel vm0, $0x421C0000, v2;
	v8 =	vld [tilespmem:s26+$0xA080]  }
0x15b: {  	v4 =	vsel vm1, v3, v4;
	v2 =	vsel vm1, v5, v2;
	v3 =	vsel vm1, v7, v3  }
0x15c: {  	v5 =	vsel vm1, $0x421C0000, v5;
	vm0 =	vgt.f32 v6, v4  }
0x15d: {  	vm1 =	vgt.f32 v6, v3;
	v4 =	vsel vm0, v6, v4;
	v2 =	vsel vm0, $0x42200000, v2;
	v7 =	vld [tilespmem:s26+$0xA100]  }
0x15e: {  	v4 =	vsel vm1, v3, v4;
	v2 =	vsel vm1, v5, v2;
	v3 =	vsel vm1, v6, v3  }
0x15f: {  	v5 =	vsel vm1, $0x42200000, v5;
	vm0 =	vgt.f32 v8, v4  }
0x160: {  	vm1 =	vgt.f32 v8, v3;
	v4 =	vsel vm0, v8, v4;
	v2 =	vsel vm0, $0x42240000, v2;
	v6 =	vld [tilespmem:s26+$0xA180]  }
0x161: {  	v4 =	vsel vm1, v3, v4;
	v2 =	vsel vm1, v5, v2;
	v3 =	vsel vm1, v8, v3  }
0x162: {  	vm0 =	vgt.f32 v7, v4  }
0x163: {  	vm2 =	vgt.f32 v7, v3;
	v4 =	vsel vm0, v7, v4;
	v2 =	vsel vm0, $0x42280000, v2;
	v8 =	vld [tilespmem:s26+$0xA200]  }
0x164: {  	v5 =	vsel vm1, $0x42240000, v5;
	v4 =	vsel vm2, v3, v4;
	v3 =	vsel vm2, v7, v3  }
0x165: {  	v2 =	vsel vm2, v5, v2;
	v5 =	vsel vm2, $0x42280000, v5;
	vm0 =	vgt.f32 v6, v4  }
0x166: {  	vm1 =	vgt.f32 v6, v3;
	v4 =	vsel vm0, v6, v4;
	v2 =	vsel vm0, $0x422C0000, v2;
	v7 =	vld [tilespmem:s26+$0xA280]  }
0x167: {  	v4 =	vsel vm1, v3, v4;
	v2 =	vsel vm1, v5, v2;
	v3 =	vsel vm1, v6, v3  }
0x168: {  	v5 =	vsel vm1, $0x422C0000, v5;
	vm0 =	vgt.f32 v8, v4  }
0x169: {  	vm1 =	vgt.f32 v8, v3;
	v4 =	vsel vm0, v8, v4;
	v2 =	vsel vm0, $0x42300000, v2;
	v6 =	vld [tilespmem:s26+$0xA300]  }
0x16a: {  	v4 =	vsel vm1, v3, v4;
	v2 =	vsel vm1, v5, v2;
	v3 =	vsel vm1, v8, v3  }
0x16b: {  	v5 =	vsel vm1, $0x42300000, v5;
	vm0 =	vgt.f32 v7, v4  }
0x16c: {  	vm1 =	vgt.f32 v7, v3;
	v4 =	vsel vm0, v7, v4;
	v2 =	vsel vm0, $0x42340000, v2;
	v8 =	vld [tilespmem:s26+$0xA380]  }
0x16d: {  	v4 =	vsel vm1, v3, v4;
	v2 =	vsel vm1, v5, v2;
	v3 =	vsel vm1, v7, v3  }
0x16e: {  	v5 =	vsel vm1, $0x42340000, v5;
	vm0 =	vgt.f32 v6, v4  }
0x16f: {  	vm1 =	vgt.f32 v6, v3;
	v4 =	vsel vm0, v6, v4;
	v2 =	vsel vm0, $0x42380000, v2;
	v7 =	vld [tilespmem:s26+$0xC000]  }
0x170: {  	v4 =	vsel vm1, v3, v4;
	v2 =	vsel vm1, v5, v2;
	v3 =	vsel vm1, v6, v3  }
0x171: {  	v5 =	vsel vm1, $0x42380000, v5;
	vm0 =	vgt.f32 v8, v4  }
0x172: {  	vm1 =	vgt.f32 v8, v3;
	v4 =	vsel vm0, v8, v4;
	v2 =	vsel vm0, $0x423C0000, v2;
	v6 =	vld [tilespmem:s26+$0xC080]  }
0x173: {  	v4 =	vsel vm1, v3, v4;
	v2 =	vsel vm1, v5, v2  }
0x174: {  	v3 =	vsel vm1, v8, v3;
	v5 =	vsel vm1, $0x423C0000, v5;
	vm0 =	vgt.f32 v7, v4  }
0x175: {  	vm1 =	vgt.f32 v7, v3;
	v4 =	vsel vm0, v7, v4;
	v2 =	vsel vm0, $0x42400000, v2;
	v8 =	vld [tilespmem:s26+$0xC100]  }
0x176: {  	v4 =	vsel vm1, v3, v4;
	v2 =	vsel vm1, v5, v2  }
0x177: {  	v3 =	vsel vm1, v7, v3;
	v5 =	vsel vm1, $0x42400000, v5;
	vm0 =	vgt.f32 v6, v4  }
0x178: {  	vm1 =	vgt.f32 v6, v3;
	v4 =	vsel vm0, v6, v4;
	v2 =	vsel vm0, $0x42440000, v2;
	v7 =	vld [tilespmem:s26+$0xC180]  }
0x179: {  	v4 =	vsel vm1, v3, v4;
	v2 =	vsel vm1, v5, v2;
	v3 =	vsel vm1, v6, v3  }
0x17a: {  	v5 =	vsel vm1, $0x42440000, v5;
	vm0 =	vgt.f32 v8, v4  }
0x17b: {  	vm1 =	vgt.f32 v8, v3;
	v4 =	vsel vm0, v8, v4;
	v2 =	vsel vm0, $0x42480000, v2;
	v6 =	vld [tilespmem:s26+$0xC200]  }
0x17c: {  	v4 =	vsel vm1, v3, v4;
	v2 =	vsel vm1, v5, v2;
	v3 =	vsel vm1, v8, v3  }
0x17d: {  	v5 =	vsel vm1, $0x42480000, v5;
	vm0 =	vgt.f32 v7, v4  }
0x17e: {  	vm1 =	vgt.f32 v7, v3;
	v4 =	vsel vm0, v7, v4;
	v2 =	vsel vm0, $0x424C0000, v2;
	v8 =	vld [tilespmem:s26+$0xC280]  }
0x17f: {  	v4 =	vsel vm1, v3, v4;
	v2 =	vsel vm1, v5, v2;
	v3 =	vsel vm1, v7, v3  }
0x180: {  	v5 =	vsel vm1, $0x424C0000, v5;
	vm0 =	vgt.f32 v6, v4  }
0x181: {  	vm1 =	vgt.f32 v6, v3;
	v4 =	vsel vm0, v6, v4;
	v2 =	vsel vm0, $0x42500000, v2;
	v7 =	vld [tilespmem:s26+$0xC300]  }
0x182: {  	v4 =	vsel vm1, v3, v4;
	v2 =	vsel vm1, v5, v2;
	v3 =	vsel vm1, v6, v3  }
0x183: {  	v5 =	vsel vm1, $0x42500000, v5;
	vm0 =	vgt.f32 v8, v4  }
0x184: {  	vm1 =	vgt.f32 v8, v3;
	v4 =	vsel vm0, v8, v4;
	v2 =	vsel vm0, $0x42540000, v2;
	v6 =	vld [tilespmem:s26+$0xC380]  }
0x185: {  	v4 =	vsel vm1, v3, v4;
	v2 =	vsel vm1, v5, v2;
	v3 =	vsel vm1, v8, v3  }
0x186: {  	v5 =	vsel vm1, $0x42540000, v5;
	vm0 =	vgt.f32 v7, v4  }
0x187: {  	vm1 =	vgt.f32 v7, v3;
	v4 =	vsel vm0, v7, v4;
	v2 =	vsel vm0, $0x42580000, v2;
	v8 =	vld [tilespmem:s26+$0xE000]  }
0x188: {  	v4 =	vsel vm1, v3, v4;
	v2 =	vsel vm1, v5, v2;
	v3 =	vsel vm1, v7, v3  }
0x189: {  	v5 =	vsel vm1, $0x42580000, v5;
	vm0 =	vgt.f32 v6, v4  }
0x18a: {  	vm1 =	vgt.f32 v6, v3;
	v4 =	vsel vm0, v6, v4;
	v2 =	vsel vm0, $0x425C0000, v2;
	v7 =	vld [tilespmem:s26+$0xE080]  }
0x18b: {  	v4 =	vsel vm1, v3, v4;
	v2 =	vsel vm1, v5, v2;
	v3 =	vsel vm1, v6, v3  }
0x18c: {  	v5 =	vsel vm1, $0x425C0000, v5;
	vm0 =	vgt.f32 v8, v4  }
0x18d: {  	vm1 =	vgt.f32 v8, v3;
	v4 =	vsel vm0, v8, v4;
	v2 =	vsel vm0, $0x42600000, v2;
	v6 =	vld [tilespmem:s26+$0xE100]  }
0x18e: {  	v4 =	vsel vm1, v3, v4;
	v2 =	vsel vm1, v5, v2;
	v3 =	vsel vm1, v8, v3  }
0x18f: {  	v5 =	vsel vm1, $0x42600000, v5;
	vm0 =	vgt.f32 v7, v4  }
0x190: {  	vm1 =	vgt.f32 v7, v3;
	v4 =	vsel vm0, v7, v4;
	v2 =	vsel vm0, $0x42640000, v2;
	v8 =	vld [tilespmem:s26+$0xE180]  }
0x191: {  	v4 =	vsel vm1, v3, v4;
	v2 =	vsel vm1, v5, v2;
	v3 =	vsel vm1, v7, v3  }
0x192: {  	v5 =	vsel vm1, $0x42640000, v5;
	vm0 =	vgt.f32 v6, v4  }
0x193: {  	vm1 =	vgt.f32 v6, v3;
	v4 =	vsel vm0, v6, v4;
	v2 =	vsel vm0, $0x42680000, v2;
	v7 =	vld [tilespmem:s26+$0xE200]  }
0x194: {  	v4 =	vsel vm1, v3, v4;
	v2 =	vsel vm1, v5, v2  }
0x195: {  	v3 =	vsel vm1, v6, v3;
	v5 =	vsel vm1, $0x42680000, v5;
	vm0 =	vgt.f32 v8, v4;
	v6 =	vld [tilespmem:s26+$0xE280]  }
0x196: {  	vm1 =	vgt.f32 v8, v3;
	v4 =	vsel vm0, v8, v4;
	v2 =	vsel vm0, $0x426C0000, v2  }
0x197: {  	v4 =	vsel vm1, v3, v4;
	v2 =	vsel vm1, v5, v2;
	v3 =	vsel vm1, v8, v3;
	v8 =	vld [tilespmem:s26+$0xE300]  }
0x198: {  	v5 =	vsel vm1, $0x426C0000, v5;
	vm0 =	vgt.f32 v7, v3;
	vm1 =	vgt.f32 v7, v4  }
0x199: {  	v4 =	vsel vm1, v7, v4;
	v2 =	vsel vm1, $0x42700000, v2;
	v7 =	vsel vm0, v7, v3;
	v9 =	vld [tilespmem:s26+$0xE380]  }
0x19a: {  	v3 =	vsel vm0, v3, v4;
	v2 =	vsel vm0, v5, v2;
	vm1 =	vgt.f32 v6, v7  }
0x19b: {  	v4 =	vsel vm0, $0x42700000, v5;
	vm0 =	vgt.f32 v6, v3;
	v5 =	vsel vm1, v6, v7  }
0x19c: {  	v3 =	vsel vm0, v6, v3;
	v2 =	vsel vm0, $0x42740000, v2;
	vm0 =	vgt.f32 v8, v5  }
0x19d: {  	v3 =	vsel vm1, v7, v3;
	v2 =	vsel vm1, v4, v2;
	v6 =	vsel vm0, v8, v5  }
0x19e: {  	v4 =	vsel vm1, $0x42740000, v4;
	vm1 =	vgt.f32 v8, v3;
	vm2 =	vgt.f32 v9, v6  }
0x19f: {  	v3 =	vsel vm1, v8, v3;
	v2 =	vsel vm1, $0x42780000, v2;
	v7 =	vsel vm2, v9, v6  }
0x1a0: {  	v3 =	vsel vm0, v5, v3;
	v2 =	vsel vm0, v4, v2;
	v5 =	vmax.f32 v7, $0.0e+00  }
0x1a1: {  	vm1 =	vgt.f32 v9, v3;
	v7 =	vsub.f32 v7, v5;
	v8 =	vsub.f32 $0.0e+00, v5  }
0x1a2: {  	v4 =	vsel vm0, $0x42780000, v4;
	v3 =	vsel vm1, v9, v3;
	v2 =	vsel vm1, $0x427C0000, v2  }
0x1a3: {  	v3 =	vsel vm2, v6, v3;
	v2 =	vsel vm2, v4, v2;
	v6 =	vmul.f32 $1.442695020e+00, v8  }
0x1a4: {  	v4 =	vsel vm2, $0x427C0000, v4;
	v3 =	vsub.f32 v3, v5;
	[tilespmem:s26+$0x10200] =	vst v2  }
0x1a5: {  	v2 =	vmul.f32 $1.442695020e+00, v7;
	[tilespmem:s26+$0x10180] =	vst v4  }
0x1a6: {  	v3 =	vmul.f32 $1.442695020e+00, v3;
	(erf) = vpow2.f32 v6  }
0x1a7: {  	(erf) = vpow2.f32 v2  }
0x1a8: {  	(erf) = vpow2.f32 v3;
	_ =	sdelay $0x6  }
0x1a9: {  	s29 =	sadd.s32 $0x80, s29;
	v4 =	vpop (erf)  }
0x1aa: {  	s1 =	sand.u32 $0x1C00, s29;
	s0 =	sand.u32 $0x70, s28;
	v10 =	vpop (erf)  }
0x1ab: {  	s31 =	sor.u32 s0, s1;
	v12 =	vpop (erf)  }
0x1ac: {  	v6 =	vmul.f32 $6.200000000e+01, v4;
	v2 =	vld [tilespmem:s31+$0x80];
	v5 =	vadd.f32 v12, v10  }
0x1ad: {  	v3 =	vld [tilespmem:s31+$0x300]  }
0x1ae: {  	v7 =	vld [tilespmem:s31+$0x0];
	v5 =	vadd.f32 v5, v6;
	_ =	sdelay $0x1  }
0x1af: {  	v8 =	vld [tilespmem:s31+$0x100];
	(erf) = vrcp.f32 v5  }
0x1b0: {  	vm0 =	vlt.f32 v2, $-Inf;
	vm1 =	vgt.f32 v2, $-Inf  }
0x1b1: {  	vm0 =	vmor vm1, vm0  }
0x1b2: {  	vm1 =	vgt.f32 v2, v7;
	v5 =	vnsel vm0, $0xFF800000, v2;
	v6 =	vsel vm0, $0x3F800000, v0;
	v13 =	vld [tilespmem:s31+$0x180]  }
0x1b3: {  	v5 =	vsel vm1, v7, v5;
	v6 =	vsel vm1, $0x0, v6;
	v2 =	vsel vm1, v2, v7  }
0x1b4: {  	vm0 =	vgt.f32 v8, v5  }
0x1b5: {  	vm2 =	vgt.f32 v8, v2;
	v5 =	vsel vm0, v8, v5;
	v7 =	vsel vm0, $0x40000000, v6;
	v6 =	vld [tilespmem:s31+$0x200]  }
.Ltmp0:
0x1b6: {  	v14 =	vsel vm1, $0x3F800000, v1;
	v8 =	vsel vm2, v8, v2;
	v5 =	vsel vm2, v2, v5;
	(pc) =	sbr.rel @p0 .LBB2_2-.Ltmp0, $4  }
0x1b7: {  	v7 =	vsel vm2, v14, v7;
	v2 =	vsel vm2, $0x40000000, v14;
	vm0 =	vgt.f32 v13, v5  }
0x1b8: {  	vm1 =	vgt.f32 v13, v8;
	v11 =	vsel vm0, v13, v5;
	v5 =	vsel vm0, $0x40400000, v7;
	v7 =	vld [tilespmem:s31+$0x280];
	v9 =	vpop (erf)  }
0x1b9: {  	v11 =	vsel vm1, v8, v11;
	v8 =	vsel vm1, v13, v8;
	v12 =	vmul.f32 v9, v12  }
0x1ba: {  	v10 =	vmul.f32 v9, v10;
	vm0 =	vgt.f32 v6, v8;
	vm3 =	vgt.f32 v6, v11  }
0x1bb: {  	v11 =	vsel vm3, v6, v11;
	v4 =	vmul.f32 v9, v4;
	[tilespmem:s26+$0x10080] =	vst v12  }
0x1bc: {  	s0 =	sor.u32 s29, s28;
	v18 =	vsel vm0, v8, v11;
	[tilespmem:s26+$0x10000] =	vst v10  }
0x1bd: {  	v19 =	vsel vm0, v6, v8;
	s0 =	sor.u32 $0x380, s0;
	vm2 =	vgt.f32 v7, v18;
	[tilespmem:s26+$0x10100] =	vst v4  }
0x1be: {  	vm5 =	vgt.f32 v7, v19;
	v21 =	vsel vm2, v7, v18;
	v22 =	vld [tilespmem:s0+$0x0]  }
0x1bf: {  	v4 =	vsel vm5, v19, v21  }
0x1c0: {  	v20 =	vimm.s32 $0x0;
	v6 =	vsel vm5, v7, v19;
	vm14 =	vgt.f32 v3, v4  }
0x1c1: {  	v23 =	vimm.s32 $0x0;
	v24 =	vld [tilespmem:s31+$0x2000];
	vm6 =	vgt.f32 v3, v6;
	v4 =	vsel vm14, v3, v4  }
0x1c2: {  	v25 =	vimm.s32 $0x0;
	v27 =	vimm.s32 $0x0;
	v4 =	vsel vm6, v6, v4  }
0x1c3: {  	v29 =	vimm.s32 $0x0;
	v3 =	vsel vm6, v3, v6;
	vm15 =	vgt.f32 v22, v4  }
0x1c4: {  	v31 =	vimm.s32 $0x0;
	v26 =	vld [tilespmem:s31+$0x2080];
	vm7 =	vgt.f32 v22, v3;
	v4 =	vsel vm15, v22, v4  }
0x1c5: {  	v33 =	vimm.s32 $0x0;
	v35 =	vimm.s32 $0x0;
	v4 =	vsel vm7, v3, v4  }
0x1c6: {  	v37 =	vimm.s32 $0x0;
	v3 =	vsel vm7, v22, v3;
	vm4 =	vgt.f32 v24, v4  }
0x1c7: {  	v39 =	vimm.s32 $0x0;
	v28 =	vld [tilespmem:s31+$0x2100];
	vm8 =	vgt.f32 v24, v3;
	v4 =	vsel vm4, v24, v4  }
0x1c8: {  	v41 =	vimm.s32 $0x0;
	v8 =	vsel vm2, $0xFFFFFFFF, v20;
	v4 =	vsel vm8, v3, v4  }
0x1c9: {  	[tilespmem:$0x1FBF0] =	vst v8;
	v8 =	vsel vm4, $0xFFFFFFFF, v27;
	v3 =	vsel vm8, v24, v3;
	vm4 =	vgt.f32 v26, v4  }
0x1ca: {  	v43 =	vimm.s32 $0x0;
	v30 =	vld [tilespmem:s31+$0x2180];
	vm2 =	vgt.f32 v26, v3;
	v4 =	vsel vm4, v26, v4  }
0x1cb: {  	v45 =	vimm.s32 $0x0;
	v5 =	vsel vm1, v2, v5;
	v4 =	vsel vm2, v3, v4  }
0x1cc: {  	v2 =	vsel vm1, $0x40400000, v2;
	v3 =	vsel vm2, v26, v3;
	vm12 =	vgt.f32 v28, v4  }
0x1cd: {  	v47 =	vimm.s32 $0x0;
	v32 =	vld [tilespmem:s31+$0x2200];
	vm9 =	vgt.f32 v28, v3;
	v4 =	vsel vm12, v28, v4  }
0x1ce: {  	v49 =	vimm.s32 $0x0;
	v52 =	vimm.s32 $0x0;
	v4 =	vsel vm9, v3, v4  }
0x1cf: {  	v55 =	vimm.s32 $0x0;
	v3 =	vsel vm9, v28, v3;
	vm13 =	vgt.f32 v30, v4  }
0x1d0: {  	v58 =	vimm.s32 $0x0;
	v34 =	vld [tilespmem:s31+$0x2280];
	vm10 =	vgt.f32 v30, v3;
	v4 =	vsel vm13, v30, v4  }
0x1d1: {  	v61 =	vimm.s32 $0x0;
	v13 =	vimm.s32 $0x0;
	v4 =	vsel vm10, v3, v4  }
0x1d2: {  	v7 =	vsel vm14, $0xFFFFFFFF, v23;
	v3 =	vsel vm10, v30, v3;
	vm14 =	vgt.f32 v32, v4  }
0x1d3: {  	v14 =	vimm.s32 $0x0;
	v36 =	vld [tilespmem:s31+$0x2300];
	vm11 =	vgt.f32 v32, v3;
	v4 =	vsel vm14, v32, v4  }
0x1d4: {  	v17 =	vimm.s32 $0x0;
	v5 =	vsel vm3, $0x40800000, v5;
	v4 =	vsel vm11, v3, v4  }
0x1d5: {  	v6 =	vsel vm15, $0xFFFFFFFF, v25;
	v3 =	vsel vm11, v32, v3;
	vm15 =	vgt.f32 v34, v4  }
0x1d6: {  	v38 =	vld [tilespmem:s31+$0x2380];
	[tilespmem:$0x1FC00] =	vst v7;
	v7 =	vsel vm4, $0xFFFFFFFF, v29;
	vm4 =	vgt.f32 v34, v3;
	v4 =	vsel vm15, v34, v4  }
0x1d7: {  	v10 =	vimm.s32 $0x0;
	[tilespmem:$0x1FC10] =	vst v6;
	v6 =	vsel vm12, $0xFFFFFFFF, v31;
	v4 =	vsel vm4, v3, v4  }
0x1d8: {  	[tilespmem:$0x1FC20] =	vst v8;
	v8 =	vsel vm13, $0xFFFFFFFF, v33;
	v3 =	vsel vm4, v34, v3;
	vm12 =	vgt.f32 v36, v4  }
0x1d9: {  	v40 =	vld [tilespmem:s31+$0x4000];
	[tilespmem:$0x1FC50] =	vst v8;
	v8 =	vsel vm12, $0xFFFFFFFF, v39;
	v4 =	vsel vm12, v36, v4;
	vm12 =	vgt.f32 v36, v3  }
0x1da: {  	v5 =	vsel vm0, v2, v5;
	v2 =	vsel vm0, $0x40800000, v2;
	v4 =	vsel vm12, v3, v4  }
0x1db: {  	[tilespmem:$0x1FC30] =	vst v7;
	v7 =	vsel vm14, $0xFFFFFFFF, v35;
	v3 =	vsel vm12, v36, v3;
	vm13 =	vgt.f32 v38, v4  }
0x1dc: {  	v42 =	vld [tilespmem:s31+$0x4080];
	[tilespmem:$0x1FC60] =	vst v7;
	v7 =	vsel vm13, $0xFFFFFFFF, v41;
	v4 =	vsel vm13, v38, v4;
	vm13 =	vgt.f32 v38, v3  }
0x1dd: {  	v21 =	vimm.s32 $0x0;
	v23 =	vimm.s32 $0x0;
	v4 =	vsel vm13, v3, v4  }
0x1de: {  	[tilespmem:$0x1FC40] =	vst v6;
	v6 =	vsel vm15, $0xFFFFFFFF, v37;
	v3 =	vsel vm13, v38, v3;
	vm14 =	vgt.f32 v40, v4  }
0x1df: {  	v44 =	vld [tilespmem:s31+$0x4100];
	[tilespmem:$0x1FC70] =	vst v6;
	v6 =	vsel vm14, $0xFFFFFFFF, v43;
	v4 =	vsel vm14, v40, v4;
	vm14 =	vgt.f32 v40, v3  }
0x1e0: {  	v27 =	vimm.s32 $0x0;
	v26 =	vimm.s32 $0x0;
	v4 =	vsel vm14, v3, v4  }
0x1e1: {  	v50 =	vld [tilespmem:$0x1FBF0];
	v33 =	vimm.s32 $0x0;
	v3 =	vsel vm14, v40, v3;
	vm15 =	vgt.f32 v42, v4  }
0x1e2: {  	[tilespmem:$0x1FC80] =	vst v8;
	v8 =	vsel vm15, $0xFFFFFFFF, v45;
	v4 =	vsel vm15, v42, v4;
	vm15 =	vgt.f32 v42, v3  }
0x1e3: {  	v46 =	vld [tilespmem:s31+$0x4180];
	v30 =	vimm.s32 $0x0;
	v41 =	vimm.s32 $0x0;
	v4 =	vsel vm15, v3, v4  }
0x1e4: {  	v53 =	vld [tilespmem:$0x1FC00];
	v38 =	vimm.s32 $0x0;
	v3 =	vsel vm15, v42, v3;
	vm1 =	vgt.f32 v44, v4  }
0x1e5: {  	[tilespmem:$0x1FC90] =	vst v7;
	vm3 =	vgt.f32 v44, v3;
	v7 =	vsel vm1, $0xFFFFFFFF, v47;
	v4 =	vsel vm1, v44, v4  }
0x1e6: {  	vm1 =	vnez.u8 v50;
	v47 =	vimm.s32 $0x0;
	v50 =	vimm.s32 $0x0  }
0x1e7: {  	v56 =	vld [tilespmem:$0x1FC10];
	v4 =	vsel vm3, v3, v4;
	v3 =	vsel vm3, v44, v3;
	v5 =	vsel vm1, $0x40A00000, v5  }
0x1e8: {  	v48 =	vld [tilespmem:s31+$0x4200];
	v44 =	vimm.s32 $0x0;
	vm0 =	vgt.f32 v46, v4;
	v5 =	vsel vm5, v2, v5  }
0x1e9: {  	v2 =	vsel vm5, $0x40A00000, v2;
	vm5 =	vnez.u8 v53;
	v53 =	vimm.s32 $0x0  }
0x1ea: {  	v59 =	vld [tilespmem:$0x1FC20];
	[tilespmem:$0x1FCA0] =	vst v6;
	v6 =	vsel vm0, $0xFFFFFFFF, v49;
	v4 =	vsel vm0, v46, v4;
	vm0 =	vgt.f32 v46, v3  }
0x1eb: {  	v51 =	vld [tilespmem:s31+$0x4280];
	v5 =	vsel vm5, $0x40C00000, v5;
	v4 =	vsel vm0, v3, v4;
	v3 =	vsel vm0, v46, v3  }
0x1ec: {  	v5 =	vsel vm6, v2, v5;
	v2 =	vsel vm6, $0x40C00000, v2;
	vm6 =	vnez.u8 v56  }
0x1ed: {  	v62 =	vld [tilespmem:$0x1FC30];
	vm1 =	vgt.f32 v48, v4;
	vm5 =	vgt.f32 v48, v3;
	v5 =	vsel vm6, $0x40E00000, v5  }
0x1ee: {  	[tilespmem:$0x1FCB0] =	vst v8;
	v8 =	vsel vm1, $0xFFFFFFFF, v52;
	v4 =	vsel vm1, v48, v4;
	v5 =	vsel vm7, v2, v5  }
0x1ef: {  	v11 =	vld [tilespmem:$0x1FC40];
	v2 =	vsel vm7, $0x40E00000, v2;
	vm7 =	vnez.u8 v59;
	v4 =	vsel vm5, v3, v4  }
0x1f0: {  	v54 =	vld [tilespmem:s31+$0x4300];
	v3 =	vsel vm5, v48, v3;
	v5 =	vsel vm7, $0x41000000, v5;
	vm1 =	vgt.f32 v51, v4  }
0x1f1: {  	vm6 =	vgt.f32 v51, v3;
	v5 =	vsel vm8, v2, v5;
	v2 =	vsel vm8, $0x41000000, v2  }
0x1f2: {  	v15 =	vld [tilespmem:$0x1FC50];
	[tilespmem:$0x1FCC0] =	vst v7;
	vm8 =	vnez.u8 v62;
	v7 =	vsel vm1, $0xFFFFFFFF, v55;
	v4 =	vsel vm1, v51, v4  }
0x1f3: {  	v5 =	vsel vm8, $0x41100000, v5;
	v4 =	vsel vm6, v3, v4;
	v3 =	vsel vm6, v51, v3  }
0x1f4: {  	v57 =	vld [tilespmem:s31+$0x4380];
	v5 =	vsel vm2, v2, v5;
	v2 =	vsel vm2, $0x41100000, v2;
	vm2 =	vnez.u8 v11  }
0x1f5: {  	vm1 =	vgt.f32 v54, v4;
	vm7 =	vgt.f32 v54, v3;
	v5 =	vsel vm2, $0x41200000, v5  }
0x1f6: {  	v18 =	vld [tilespmem:$0x1FC60];
	[tilespmem:$0x1FCD0] =	vst v6;
	v6 =	vsel vm1, $0xFFFFFFFF, v58;
	v4 =	vsel vm1, v54, v4;
	v5 =	vsel vm9, v2, v5  }
0x1f7: {  	v60 =	vld [tilespmem:s31+$0x6000];
	v2 =	vsel vm9, $0x41200000, v2;
	vm9 =	vnez.u8 v15;
	v58 =	vimm.s32 $0x0  }
0x1f8: {  	v15 =	vimm.s32 $0x0;
	v4 =	vsel vm7, v3, v4;
	v3 =	vsel vm7, v54, v3  }
0x1f9: {  	v5 =	vsel vm9, $0x41300000, v5;
	vm1 =	vgt.f32 v57, v4;
	vm8 =	vgt.f32 v57, v3  }
0x1fa: {  	v63 =	vld [tilespmem:s31+$0x6080];
	v5 =	vsel vm10, v2, v5;
	v2 =	vsel vm10, $0x41300000, v2;
	v4 =	vsel vm1, v57, v4  }
0x1fb: {  	[tilespmem:$0x1FCE0] =	vst v8;
	vm10 =	vnez.u8 v18;
	v8 =	vsel vm1, $0xFFFFFFFF, v61;
	v4 =	vsel vm8, v3, v4  }
0x1fc: {  	v5 =	vsel vm10, $0x41400000, v5;
	v3 =	vsel vm8, v57, v3;
	vm1 =	vgt.f32 v60, v4  }
0x1fd: {  	v12 =	vld [tilespmem:s31+$0x6100];
	[tilespmem:$0x1FCF0] =	vst v7;
	v7 =	vsel vm1, $0xFFFFFFFF, v10;
	v4 =	vsel vm1, v60, v4;
	vm1 =	vgt.f32 v60, v3  }
0x1fe: {  	v20 =	vld [tilespmem:$0x1FC70];
	v5 =	vsel vm11, v2, v5;
	v2 =	vsel vm11, $0x41400000, v2;
	v4 =	vsel vm1, v3, v4  }
0x1ff: {  	v9 =	vsel vm1, $0xFFFFFFFF, v13;
	v3 =	vsel vm1, v60, v3;
	vm1 =	vgt.f32 v63, v4  }
0x200: {  	v16 =	vld [tilespmem:s31+$0x6180];
	v60 =	vimm.s32 $0x0;
	vm9 =	vgt.f32 v63, v3;
	v4 =	vsel vm1, v63, v4  }
0x201: {  	v24 =	vld [tilespmem:$0x1FC80];
	[tilespmem:$0x1FD00] =	vst v6;
	v6 =	vsel vm1, $0xFFFFFFFF, v14;
	v4 =	vsel vm9, v3, v4;
	v3 =	vsel vm9, v63, v3  }
0x202: {  	v63 =	vimm.s32 $0x0;
	vm1 =	vgt.f32 v12, v4;
	vm10 =	vgt.f32 v12, v3  }
0x203: {  	[tilespmem:$0x1FD10] =	vst v8;
	v8 =	vsel vm1, $0xFFFFFFFF, v17;
	v4 =	vsel vm1, v12, v4;
	vm1 =	vnez.u8 v20  }
0x204: {  	v28 =	vld [tilespmem:$0x1FC90];
	v4 =	vsel vm10, v3, v4;
	v5 =	vsel vm1, $0x41500000, v5;
	v3 =	vsel vm10, v12, v3  }
0x205: {  	v19 =	vld [tilespmem:s31+$0x6200];
	v12 =	vimm.s32 $0x0;
	vm1 =	vgt.f32 v16, v4;
	vm11 =	vgt.f32 v16, v3  }
0x206: {  	v5 =	vsel vm4, v2, v5;
	v2 =	vsel vm4, $0x41500000, v2;
	vm4 =	vnez.u8 v24  }
0x207: {  	[tilespmem:$0x1FD20] =	vst v7;
	v24 =	vimm.s32 $0x0;
	v7 =	vsel vm1, $0xFFFFFFFF, v21;
	v4 =	vsel vm1, v16, v4  }
0x208: {  	v31 =	vld [tilespmem:$0x1FCA0];
	v5 =	vsel vm4, $0x41600000, v5;
	v4 =	vsel vm11, v3, v4;
	v3 =	vsel vm11, v16, v3  }
0x209: {  	v5 =	vsel vm12, v2, v5;
	v2 =	vsel vm12, $0x41600000, v2;
	vm12 =	vnez.u8 v28  }
0x20a: {  	v22 =	vld [tilespmem:s31+$0x6280];
	v16 =	vimm.s32 $0x0;
	v28 =	vimm.s32 $0x0;
	vm1 =	vgt.f32 v19, v4  }
0x20b: {  	v34 =	vld [tilespmem:$0x1FCB0];
	[tilespmem:$0x1FD40] =	vst v6;
	vm4 =	vgt.f32 v19, v3;
	v5 =	vsel vm12, $0x41700000, v5;
	v6 =	vsel vm1, $0xFFFFFFFF, v23  }
0x20c: {  	[tilespmem:$0x1FD30] =	vst v9;
	v4 =	vsel vm1, v19, v4;
	v9 =	vsel vm4, $0xFFFFFFFF, v26;
	v5 =	vsel vm13, v2, v5  }
0x20d: {  	v25 =	vld [tilespmem:s31+$0x6300];
	v2 =	vsel vm13, $0x41700000, v2;
	vm13 =	vnez.u8 v31;
	v4 =	vsel vm4, v3, v4  }
0x20e: {  	v3 =	vsel vm4, v19, v3;
	v5 =	vsel vm13, $0x41800000, v5;
	v19 =	vimm.s32 $0x0  }
0x20f: {  	vm4 =	vgt.f32 v22, v4;
	vm12 =	vgt.f32 v22, v3;
	v5 =	vsel vm14, v2, v5  }
0x210: {  	v29 =	vld [tilespmem:s31+$0x6380];
	v2 =	vsel vm14, $0x41800000, v2;
	vm14 =	vnez.u8 v34;
	v4 =	vsel vm4, v22, v4  }
0x211: {  	[tilespmem:$0x1FD50] =	vst v8;
	v8 =	vsel vm4, $0xFFFFFFFF, v27;
	v5 =	vsel vm14, $0x41880000, v5;
	v4 =	vsel vm12, v3, v4  }
0x212: {  	v36 =	vld [tilespmem:$0x1FCC0];
	v3 =	vsel vm12, v22, v3;
	v5 =	vsel vm15, v2, v5;
	vm4 =	vgt.f32 v25, v4  }
0x213: {  	v42 =	vld [tilespmem:$0x1FCE0];
	v2 =	vsel vm15, $0x41880000, v2;
	vm13 =	vgt.f32 v25, v3;
	v4 =	vsel vm4, v25, v4  }
0x214: {  	v32 =	vld [tilespmem:s31+$0x8000];
	[tilespmem:$0x1FD60] =	vst v7;
	v22 =	vimm.s32 $0x0;
	v7 =	vsel vm4, $0xFFFFFFFF, v30;
	v4 =	vsel vm13, v3, v4  }
0x215: {  	v39 =	vld [tilespmem:$0x1FCD0];
	v3 =	vsel vm13, v25, v3;
	v25 =	vimm.s32 $0x0;
	vm4 =	vgt.f32 v29, v4  }
0x216: {  	[tilespmem:$0x1FD70] =	vst v6;
	vm14 =	vgt.f32 v29, v3;
	v6 =	vsel vm4, $0xFFFFFFFF, v33;
	v4 =	vsel vm4, v29, v4  }
0x217: {  	vm4 =	vnez.u8 v36;
	v36 =	vimm.s32 $0x0;
	v4 =	vsel vm14, v3, v4  }
0x218: {  	v35 =	vld [tilespmem:s31+$0x8080];
	v3 =	vsel vm14, v29, v3;
	v5 =	vsel vm4, $0x41900000, v5;
	vm4 =	vnez.u8 v42  }
0x219: {  	v29 =	vimm.s32 $0x0;
	vm15 =	vgt.f32 v32, v4;
	vm2 =	vgt.f32 v32, v3  }
0x21a: {  	v5 =	vsel vm3, v2, v5;
	v2 =	vsel vm3, $0x41900000, v2;
	vm3 =	vnez.u8 v39  }
0x21b: {  	v45 =	vld [tilespmem:$0x1FCF0];
	v39 =	vimm.s32 $0x0;
	v4 =	vsel vm15, v32, v4;
	v5 =	vsel vm3, $0x41980000, v5  }
0x21c: {  	v37 =	vld [tilespmem:s31+$0x8100];
	v4 =	vsel vm2, v3, v4;
	v3 =	vsel vm2, v32, v3;
	v5 =	vsel vm0, v2, v5  }
0x21d: {  	v48 =	vld [tilespmem:$0x1FD00];
	v2 =	vsel vm0, $0x41980000, v2;
	v32 =	vimm.s32 $0x0;
	vm1 =	vgt.f32 v35, v4  }
0x21e: {  	[tilespmem:$0x1FDA0] =	vst v7;
	vm3 =	vgt.f32 v35, v3;
	v5 =	vsel vm4, $0x41A00000, v5;
	v7 =	vsel vm1, $0xFFFFFFFF, v38  }
0x21f: {  	v4 =	vsel vm1, v35, v4;
	v5 =	vsel vm5, v2, v5;
	v2 =	vsel vm5, $0x41A00000, v2  }
0x220: {  	v51 =	vld [tilespmem:$0x1FD10];
	vm5 =	vnez.u8 v45;
	v4 =	vsel vm3, v3, v4;
	v3 =	vsel vm3, v35, v3  }
0x221: {  	v40 =	vld [tilespmem:s31+$0x8180];
	v5 =	vsel vm5, $0x41A80000, v5;
	vm0 =	vgt.f32 v37, v4;
	vm4 =	vgt.f32 v37, v3  }
0x222: {  	v54 =	vld [tilespmem:$0x1FD20];
	v5 =	vsel vm6, v2, v5;
	v2 =	vsel vm6, $0x41A80000, v2;
	vm6 =	vnez.u8 v48  }
0x223: {  	[tilespmem:$0x1FDB0] =	vst v6;
	v48 =	vimm.s32 $0x0;
	v6 =	vsel vm0, $0xFFFFFFFF, v41;
	v4 =	vsel vm0, v37, v4  }
0x224: {  	v57 =	vld [tilespmem:$0x1FD40];
	v5 =	vsel vm6, $0x41B00000, v5;
	v4 =	vsel vm4, v3, v4;
	v3 =	vsel vm4, v37, v3  }
0x225: {  	v5 =	vsel vm7, v2, v5;
	v2 =	vsel vm7, $0x41B00000, v2;
	vm7 =	vnez.u8 v51  }
0x226: {  	v56 =	vld [tilespmem:$0x1FD30];
	v51 =	vimm.s32 $0x0;
	vm0 =	vgt.f32 v40, v4;
	vm5 =	vgt.f32 v40, v3  }
0x227: {  	v43 =	vld [tilespmem:s31+$0x8200];
	v5 =	vsel vm7, $0x41B80000, v5;
	vm7 =	vnez.u8 v54;
	v54 =	vimm.s32 $0x0  }
0x228: {  	[tilespmem:$0x1FD90] =	vst v8;
	v8 =	vsel vm0, $0xFFFFFFFF, v44;
	v4 =	vsel vm0, v40, v4;
	v5 =	vsel vm8, v2, v5  }
0x229: {  	v2 =	vsel vm8, $0x41B80000, v2;
	vm8 =	vnez.u8 v57;
	v44 =	vimm.s32 $0x0  }
0x22a: {  	v46 =	vld [tilespmem:s31+$0x8280];
	v57 =	vimm.s32 $0x0;
	v4 =	vsel vm5, v3, v4;
	v3 =	vsel vm5, v40, v3  }
0x22b: {  	v5 =	vsel vm7, $0x41C00000, v5;
	vm7 =	vnez.u8 v56;
	v40 =	vimm.s32 $0x0  }
0x22c: {  	v61 =	vld [tilespmem:$0x1FD50];
	vm0 =	vgt.f32 v43, v4;
	vm6 =	vgt.f32 v43, v3;
	v5 =	vsel vm7, v2, v5  }
0x22d: {  	v49 =	vld [tilespmem:s31+$0x8300];
	[tilespmem:$0x1FDC0] =	vst v7;
	v2 =	vsel vm7, $0x41C00000, v2;
	v7 =	vsel vm0, $0xFFFFFFFF, v47;
	v4 =	vsel vm0, v43, v4  }
0x22e: {  	v5 =	vsel vm8, $0x41C80000, v5;
	v47 =	vimm.s32 $0x0;
	v4 =	vsel vm6, v3, v4  }
0x22f: {  	v52 =	vld [tilespmem:s31+$0x8380];
	v3 =	vsel vm6, v43, v3;
	v5 =	vsel vm9, v2, v5;
	vm0 =	vgt.f32 v46, v4  }
0x230: {  	v13 =	vld [tilespmem:$0x1FD60];
	[tilespmem:$0x1FDD0] =	vst v6;
	v6 =	vsel vm0, $0xFFFFFFFF, v50;
	v4 =	vsel vm0, v46, v4;
	vm0 =	vgt.f32 v46, v3  }
0x231: {  	v2 =	vsel vm9, $0x41C80000, v2;
	vm9 =	vnez.u8 v61;
	v4 =	vsel vm0, v3, v4  }
0x232: {  	v21 =	vld [tilespmem:$0x1FD90];
	v43 =	vimm.s32 $0x0;
	v3 =	vsel vm0, v46, v3;
	vm1 =	vgt.f32 v49, v4  }
0x233: {  	v55 =	vld [tilespmem:s31+$0xA000];
	[tilespmem:$0x1FDE0] =	vst v8;
	v8 =	vsel vm1, $0xFFFFFFFF, v53;
	v4 =	vsel vm1, v49, v4;
	vm1 =	vgt.f32 v49, v3  }
0x234: {  	v61 =	vimm.s32 $0x0;
	v5 =	vsel vm9, $0x41D00000, v5;
	v4 =	vsel vm1, v3, v4  }
0x235: {  	vm9 =	vnez.u8 v13;
	v3 =	vsel vm1, v49, v3;
	vm8 =	vgt.f32 v52, v4  }
0x236: {  	v59 =	vld [tilespmem:s31+$0xA080];
	v5 =	vsel vm10, v2, v5;
	vm7 =	vgt.f32 v52, v3;
	v4 =	vsel vm8, v52, v4  }
0x237: {  	v2 =	vsel vm10, $0x41D00000, v2;
	vm10 =	vnez.u8 v21;
	v4 =	vsel vm7, v3, v4  }
0x238: {  	[tilespmem:$0x1FDF0] =	vst v7;
	v7 =	vsel vm8, $0xFFFFFFFF, v58;
	v3 =	vsel vm7, v52, v3;
	vm8 =	vgt.f32 v55, v4  }
0x239: {  	v17 =	vld [tilespmem:$0x1FD70];
	[tilespmem:$0x1FE00] =	vst v6;
	v6 =	vsel vm8, $0xFFFFFFFF, v60;
	v4 =	vsel vm8, v55, v4;
	vm8 =	vgt.f32 v55, v3  }
0x23a: {  	v62 =	vld [tilespmem:s31+$0xA100];
	v21 =	vimm.s32 $0x0;
	v5 =	vsel vm9, $0x41D80000, v5;
	v4 =	vsel vm8, v3, v4  }
0x23b: {  	[tilespmem:$0x1FD80] =	vst v9;
	v9 =	vsel vm8, $0xFFFFFFFF, v63;
	v3 =	vsel vm8, v55, v3;
	vm8 =	vgt.f32 v59, v4  }
0x23c: {  	v20 =	vld [tilespmem:$0x1FD80];
	[tilespmem:$0x1FE10] =	vst v8;
	v8 =	vsel vm8, $0xFFFFFFFF, v12;
	v4 =	vsel vm8, v59, v4;
	vm8 =	vgt.f32 v59, v3  }
0x23d: {  	v14 =	vld [tilespmem:s31+$0xA180];
	v5 =	vsel vm11, v2, v5;
	v2 =	vsel vm11, $0x41D80000, v2;
	[tilespmem:$0x1FE40] =	vst v9;
	v9 =	vsel vm8, $0xFFFFFFFF, v15  }
0x23e: {  	v4 =	vsel vm8, v3, v4;
	v3 =	vsel vm8, v59, v3;
	vm8 =	vnez.u8 v17  }
0x23f: {  	v17 =	vimm.s32 $0x0;
	vm9 =	vgt.f32 v62, v4;
	v5 =	vsel vm8, $0x41E00000, v5  }
0x240: {  	v26 =	vld [tilespmem:$0x1FDA0];
	[tilespmem:$0x1FE20] =	vst v7;
	vm8 =	vgt.f32 v62, v3;
	v7 =	vsel vm9, $0xFFFFFFFF, v16;
	v4 =	vsel vm9, v62, v4  }
0x241: {  	[tilespmem:$0x1FE60] =	vst v9;
	v9 =	vsel vm8, $0xFFFFFFFF, v19;
	vm9 =	vnez.u8 v20;
	v4 =	vsel vm8, v3, v4  }
0x242: {  	v18 =	vld [tilespmem:s31+$0xA200];
	v5 =	vsel vm9, v2, v5;
	v3 =	vsel vm8, v62, v3;
	vm8 =	vgt.f32 v14, v4  }
0x243: {  	v30 =	vld [tilespmem:$0x1FDB0];
	[tilespmem:$0x1FE30] =	vst v6;
	v2 =	vsel vm9, $0x41E00000, v2;
	v5 =	vsel vm10, $0x41E80000, v5;
	v6 =	vsel vm8, $0xFFFFFFFF, v22  }
0x244: {  	v4 =	vsel vm8, v14, v4;
	vm8 =	vgt.f32 v14, v3;
	v5 =	vsel vm12, v2, v5  }
0x245: {  	v37 =	vld [tilespmem:$0x1FDD0];
	[tilespmem:$0x1FE80] =	vst v9;
	v2 =	vsel vm12, $0x41E80000, v2;
	vm12 =	vnez.u8 v26;
	v9 =	vsel vm8, $0xFFFFFFFF, v24  }
0x246: {  	v4 =	vsel vm8, v3, v4;
	v3 =	vsel vm8, v14, v3;
	v5 =	vsel vm12, $0x41F00000, v5  }
0x247: {  	v23 =	vld [tilespmem:s31+$0xA280];
	v14 =	vimm.s32 $0x0;
	vm8 =	vgt.f32 v18, v4;
	vm12 =	vgt.f32 v18, v3  }
0x248: {  	v5 =	vsel vm13, v2, v5;
	v2 =	vsel vm13, $0x41F00000, v2;
	vm13 =	vnez.u8 v30  }
0x249: {  	v27 =	vld [tilespmem:s31+$0xA300];
	[tilespmem:$0x1FE50] =	vst v8;
	v30 =	vimm.s32 $0x0;
	v8 =	vsel vm8, $0xFFFFFFFF, v25;
	v4 =	vsel vm8, v18, v4  }
0x24a: {  	v34 =	vld [tilespmem:$0x1FDC0];
	[tilespmem:$0x1FEA0] =	vst v9;
	v9 =	vsel vm12, $0xFFFFFFFF, v28;
	v5 =	vsel vm13, $0x41F80000, v5;
	vm8 =	vnez.u8 v37  }
0x24b: {  	v25 =	vimm.s32 $0x0;
	v4 =	vsel vm12, v3, v4;
	v3 =	vsel vm12, v18, v3  }
0x24c: {  	v5 =	vsel vm14, v2, v5;
	v2 =	vsel vm14, $0x41F80000, v2;
	vm12 =	vgt.f32 v23, v4  }
0x24d: {  	v31 =	vld [tilespmem:s31+$0xA380];
	vm9 =	vgt.f32 v23, v3;
	v5 =	vsel vm15, $0x42000000, v5;
	v4 =	vsel vm12, v23, v4  }
0x24e: {  	v5 =	vsel vm2, v2, v5;
	v2 =	vsel vm2, $0x42000000, v2;
	v4 =	vsel vm9, v3, v4  }
0x24f: {  	vm2 =	vnez.u8 v34;
	v3 =	vsel vm9, v23, v3;
	vm14 =	vgt.f32 v27, v4  }
0x250: {  	v33 =	vld [tilespmem:s31+$0xC000];
	v5 =	vsel vm2, $0x42040000, v5;
	vm13 =	vgt.f32 v27, v3;
	v4 =	vsel vm14, v27, v4  }
0x251: {  	v5 =	vsel vm3, v2, v5;
	v2 =	vsel vm3, $0x42040000, v2;
	v4 =	vsel vm13, v3, v4  }
0x252: {  	v41 =	vld [tilespmem:$0x1FDE0];
	[tilespmem:$0x1FE90] =	vst v6;
	v6 =	vsel vm14, $0xFFFFFFFF, v32;
	v3 =	vsel vm13, v27, v3;
	vm15 =	vgt.f32 v31, v4  }
0x253: {  	v45 =	vld [tilespmem:$0x1FDF0];
	v5 =	vsel vm8, $0x42080000, v5;
	vm14 =	vgt.f32 v31, v3;
	v4 =	vsel vm15, v31, v4  }
0x254: {  	v35 =	vld [tilespmem:s31+$0xC080];
	[tilespmem:$0x1FE70] =	vst v7;
	v7 =	vsel vm12, $0xFFFFFFFF, v29;
	v5 =	vsel vm4, v2, v5;
	v4 =	vsel vm14, v3, v4  }
0x255: {  	v2 =	vsel vm4, $0x42080000, v2;
	v3 =	vsel vm14, v31, v3;
	vm12 =	vgt.f32 v33, v4  }
0x256: {  	v38 =	vld [tilespmem:s31+$0xC100];
	[tilespmem:$0x1FED0] =	vst v7;
	vm10 =	vgt.f32 v33, v3;
	v7 =	vsel vm12, $0xFFFFFFFF, v36;
	v4 =	vsel vm12, v33, v4  }
0x257: {  	v55 =	vld [tilespmem:$0x1FE20];
	[tilespmem:$0x1FEC0] =	vst v9;
	v9 =	vsel vm10, $0xFFFFFFFF, v39;
	vm12 =	vnez.u8 v41;
	v4 =	vsel vm10, v3, v4  }
0x258: {  	v49 =	vld [tilespmem:$0x1FE00];
	v3 =	vsel vm10, v33, v3;
	v5 =	vsel vm12, $0x420C0000, v5;
	vm10 =	vnez.u8 v45  }
0x259: {  	v52 =	vld [tilespmem:$0x1FE10];
	v33 =	vimm.s32 $0x0;
	vm11 =	vgt.f32 v35, v4;
	vm4 =	vgt.f32 v35, v3  }
0x25a: {  	[tilespmem:$0x1FEE0] =	vst v6;
	v5 =	vsel vm5, v2, v5;
	v2 =	vsel vm5, $0x420C0000, v2;
	v6 =	vsel vm11, $0xFFFFFFFF, v40  }
0x25b: {  	[tilespmem:$0x1FF00] =	vst v9;
	v4 =	vsel vm11, v35, v4;
	v9 =	vsel vm4, $0xFFFFFFFF, v43;
	v5 =	vsel vm10, $0x42100000, v5  }
0x25c: {  	v42 =	vld [tilespmem:s31+$0xC180];
	vm10 =	vnez.u8 v55;
	v4 =	vsel vm4, v3, v4;
	v3 =	vsel vm4, v35, v3  }
0x25d: {  	v60 =	vld [tilespmem:$0x1FE40];
	v5 =	vsel vm6, v2, v5;
	v2 =	vsel vm6, $0x42100000, v2;
	vm4 =	vnez.u8 v49  }
0x25e: {  	vm6 =	vnez.u8 v52;
	vm8 =	vgt.f32 v38, v4;
	vm11 =	vgt.f32 v38, v3  }
0x25f: {  	[tilespmem:$0x1FEB0] =	vst v8;
	v5 =	vsel vm4, $0x42140000, v5;
	v8 =	vsel vm8, $0xFFFFFFFF, v44;
	v4 =	vsel vm8, v38, v4  }
0x260: {  	v46 =	vld [tilespmem:s31+$0xC200];
	[tilespmem:$0x1FF20] =	vst v9;
	v9 =	vsel vm11, $0xFFFFFFFF, v47;
	v5 =	vsel vm0, v2, v5;
	v2 =	vsel vm0, $0x42140000, v2  }
0x261: {  	v4 =	vsel vm11, v3, v4;
	v3 =	vsel vm11, v38, v3;
	v5 =	vsel vm6, $0x42180000, v5  }
0x262: {  	v58 =	vld [tilespmem:$0x1FE30];
	vm6 =	vnez.u8 v60;
	vm12 =	vgt.f32 v42, v4;
	v5 =	vsel vm1, v2, v5  }
0x263: {  	v50 =	vld [tilespmem:s31+$0xC280];
	[tilespmem:$0x1FEF0] =	vst v7;
	v7 =	vsel vm12, $0xFFFFFFFF, v48;
	v4 =	vsel vm12, v42, v4;
	vm12 =	vgt.f32 v42, v3  }
0x264: {  	v12 =	vld [tilespmem:$0x1FE60];
	v2 =	vsel vm1, $0x42180000, v2;
	v5 =	vsel vm10, $0x421C0000, v5;
	v4 =	vsel vm12, v3, v4  }
0x265: {  	v53 =	vld [tilespmem:s31+$0xC300];
	v3 =	vsel vm12, v42, v3;
	v5 =	vsel vm7, v2, v5;
	vm5 =	vgt.f32 v46, v4  }
0x266: {  	v13 =	vld [tilespmem:$0x1FE70];
	v2 =	vsel vm7, $0x421C0000, v2;
	vm11 =	vgt.f32 v46, v3;
	v4 =	vsel vm5, v46, v4  }
0x267: {  	[tilespmem:$0x1FF10] =	vst v6;
	v6 =	vsel vm5, $0xFFFFFFFF, v51;
	vm5 =	vnez.u8 v58;
	v4 =	vsel vm11, v3, v4  }
0x268: {  	v62 =	vld [tilespmem:$0x1FE50];
	v3 =	vsel vm11, v46, v3;
	v5 =	vsel vm5, $0x42200000, v5;
	vm8 =	vgt.f32 v50, v4  }
0x269: {  	v56 =	vld [tilespmem:s31+$0xC380];
	vm5 =	vnez.u8 v12;
	vm10 =	vgt.f32 v50, v3;
	v4 =	vsel vm8, v50, v4  }
0x26a: {  	v16 =	vld [tilespmem:$0x1FE80];
	v5 =	vsel vm6, v2, v5;
	v2 =	vsel vm6, $0x42200000, v2;
	v4 =	vsel vm10, v3, v4  }
0x26b: {  	vm6 =	vnez.u8 v13;
	v3 =	vsel vm10, v50, v3;
	vm4 =	vgt.f32 v53, v4  }
0x26c: {  	[tilespmem:$0x1FF30] =	vst v8;
	v8 =	vsel vm8, $0xFFFFFFFF, v54;
	vm8 =	vgt.f32 v53, v3;
	v4 =	vsel vm4, v53, v4  }
0x26d: {  	v59 =	vld [tilespmem:s31+$0xE000];
	[tilespmem:$0x1FF50] =	vst v7;
	v7 =	vsel vm4, $0xFFFFFFFF, v57;
	vm4 =	vnez.u8 v62;
	v4 =	vsel vm8, v3, v4  }
0x26e: {  	v18 =	vld [tilespmem:$0x1FE90];
	v3 =	vsel vm8, v53, v3;
	v5 =	vsel vm4, $0x42240000, v5;
	vm7 =	vgt.f32 v56, v4  }
0x26f: {  	v5 =	vsel vm5, v2, v5;
	v2 =	vsel vm5, $0x42240000, v2;
	vm5 =	vnez.u8 v16  }
0x270: {  	v63 =	vld [tilespmem:s31+$0xE080];
	[tilespmem:$0x1FF60] =	vst v6;
	v6 =	vsel vm7, $0xFFFFFFFF, v61;
	v4 =	vsel vm7, v56, v4;
	vm7 =	vgt.f32 v56, v3  }
0x271: {  	v20 =	vld [tilespmem:$0x1FEA0];
	v5 =	vsel vm6, $0x42280000, v5;
	v4 =	vsel vm7, v3, v4;
	v3 =	vsel vm7, v56, v3  }
0x272: {  	v24 =	vld [tilespmem:$0x1FEC0];
	v5 =	vsel vm5, v2, v5;
	v2 =	vsel vm5, $0x42280000, v2;
	vm4 =	vgt.f32 v59, v4  }
0x273: {  	v22 =	vld [tilespmem:$0x1FEB0];
	vm5 =	vnez.u8 v18;
	vm6 =	vgt.f32 v59, v3;
	v4 =	vsel vm4, v59, v4  }
0x274: {  	v15 =	vld [tilespmem:s31+$0xE100];
	v5 =	vsel vm5, $0x422C0000, v5;
	v4 =	vsel vm6, v3, v4;
	v3 =	vsel vm6, v59, v3  }
0x275: {  	[tilespmem:$0x1FF70] =	vst v8;
	v8 =	vsel vm4, $0xFFFFFFFF, v14;
	vm4 =	vgt.f32 v63, v4;
	vm5 =	vgt.f32 v63, v3  }
0x276: {  	v26 =	vld [tilespmem:$0x1FED0];
	[tilespmem:$0x1FF80] =	vst v7;
	v7 =	vsel vm4, $0xFFFFFFFF, v17;
	v4 =	vsel vm4, v63, v4;
	vm4 =	vnez.u8 v20  }
0x277: {  	v41 =	vld [tilespmem:$0x1FF20];
	vm0 =	vnez.u8 v24;
	v5 =	vsel vm4, v2, v5;
	v4 =	vsel vm5, v3, v4  }
0x278: {  	v19 =	vld [tilespmem:s31+$0xE180];
	v2 =	vsel vm4, $0x422C0000, v2;
	v3 =	vsel vm5, v63, v3;
	vm4 =	vnez.u8 v22  }
0x279: {  	v28 =	vld [tilespmem:$0x1FEE0];
	vm1 =	vgt.f32 v15, v4;
	v5 =	vsel vm4, $0x42300000, v5;
	vm4 =	vgt.f32 v15, v3  }
0x27a: {  	[tilespmem:$0x1FF90] =	vst v6;
	v6 =	vsel vm1, $0xFFFFFFFF, v21;
	v4 =	vsel vm1, v15, v4;
	v5 =	vsel vm0, v2, v5  }
0x27b: {  	v2 =	vsel vm0, $0x42300000, v2;
	vm0 =	vnez.u8 v26;
	v4 =	vsel vm4, v3, v4  }
0x27c: {  	v23 =	vld [tilespmem:s31+$0xE200];
	v3 =	vsel vm4, v15, v3;
	v5 =	vsel vm0, $0x42340000, v5;
	vm0 =	vnez.u8 v41  }
0x27d: {  	v35 =	vld [tilespmem:$0x1FEF0];
	vm1 =	vgt.f32 v19, v4;
	vm3 =	vgt.f32 v19, v3;
	v5 =	vsel vm9, v2, v5  }
0x27e: {  	v27 =	vld [tilespmem:s31+$0xE280];
	v2 =	vsel vm9, $0x42340000, v2;
	vm9 =	vnez.u8 v28;
	v4 =	vsel vm1, v19, v4  }
0x27f: {  	[tilespmem:$0x1FFA0] =	vst v8;
	v8 =	vsel vm1, $0xFFFFFFFF, v25;
	v5 =	vsel vm9, $0x42380000, v5;
	v4 =	vsel vm3, v3, v4  }
0x280: {  	v29 =	vld [tilespmem:s31+$0xE300];
	v3 =	vsel vm3, v19, v3;
	v5 =	vsel vm13, v2, v5;
	v2 =	vsel vm13, $0x42380000, v2  }
0x281: {  	v37 =	vld [tilespmem:$0x1FF00];
	vm9 =	vgt.f32 v23, v4;
	vm2 =	vgt.f32 v23, v3;
	v32 =	vsel vm15, $0x423C0000, v5  }
0x282: {  	[tilespmem:$0x1FFC0] =	vst v6;
	vm15 =	vnez.u8 v35;
	v4 =	vsel vm9, v23, v4;
	v6 =	vsel vm2, v23, v3  }
0x283: {  	v39 =	vld [tilespmem:$0x1FF10];
	[tilespmem:$0x1FF40] =	vst v9;
	v9 =	vsel vm9, $0xFFFFFFFF, v30;
	v3 =	vsel vm2, v3, v4;
	vm13 =	vgt.f32 v27, v6  }
0x284: {  	v31 =	vld [tilespmem:s31+$0xE380];
	v4 =	vsel vm14, v2, v32;
	v2 =	vsel vm14, $0x423C0000, v2;
	vm9 =	vgt.f32 v27, v3  }
0x285: {  	v34 =	vsel vm13, v27, v6;
	v4 =	vsel vm15, $0x42400000, v4;
	v5 =	vsel vm9, $0xFFFFFFFF, v33  }
0x286: {  	v44 =	vld [tilespmem:$0x1FF30];
	v3 =	vsel vm9, v27, v3;
	vm14 =	vgt.f32 v29, v34;
	vm9 =	vnez.u8 v37  }
0x287: {  	v46 =	vld [tilespmem:$0x1FF40];
	v3 =	vsel vm13, v6, v3;
	v36 =	vsel vm14, v29, v34;
	v4 =	vsel vm9, v2, v4  }
0x288: {  	v2 =	vsel vm9, $0x42400000, v2;
	vm9 =	vnez.u8 v39;
	vm15 =	vgt.f32 v29, v3  }
0x289: {  	vm1 =	vgt.f32 v31, v36;
	v4 =	vsel vm9, $0x42440000, v4;
	v3 =	vsel vm15, v29, v3  }
0x28a: {  	v47 =	vld [tilespmem:$0x1FF50];
	v38 =	vsel vm1, v31, v36;
	v4 =	vsel vm0, v2, v4;
	v2 =	vsel vm0, $0x42440000, v2  }
0x28b: {  	vm0 =	vnez.u8 v44;
	v3 =	vsel vm14, v34, v3;
	v40 =	vmax.f32 v38, $0.0e+00  }
0x28c: {  	v4 =	vsel vm0, $0x42480000, v4;
	vm0 =	vnez.u8 v46;
	vm9 =	vgt.f32 v31, v3  }
0x28d: {  	v48 =	vld [tilespmem:$0x1FF60];
	v42 =	vsub.f32 $0.0e+00, v40;
	v43 =	vsub.f32 v38, v40;
	v3 =	vsel vm9, v31, v3  }
0x28e: {  	v4 =	vsel vm0, v2, v4;
	v2 =	vsel vm0, $0x42480000, v2;
	v3 =	vsel vm1, v36, v3  }
0x28f: {  	v49 =	vld [tilespmem:$0x1FF70];
	vm0 =	vnez.u8 v47;
	v45 =	vmul.f32 $1.442695020e+00, v42;
	v3 =	vsub.f32 v3, v40  }
0x290: {  	v4 =	vsel vm0, $0x424C0000, v4;
	v6 =	vmul.f32 $1.442695020e+00, v43  }
0x291: {  	v50 =	vld [tilespmem:$0x1FF80];
	v4 =	vsel vm12, v2, v4;
	(erf) = vpow2.f32 v45;
	v3 =	vmul.f32 $1.442695020e+00, v3  }
0x292: {  	v2 =	vsel vm12, $0x424C0000, v2;
	vm12 =	vnez.u8 v48;
	(erf) = vpow2.f32 v6  }
0x293: {  	v51 =	vld [tilespmem:$0x1FF90];
	v4 =	vsel vm12, $0x42500000, v4;
	(erf) = vpow2.f32 v3  }
0x294: {  	vm12 =	vnez.u8 v49;
	v3 =	vsel vm11, v2, v4  }
0x295: {  	v53 =	vld [tilespmem:$0x1FFA0];
	v2 =	vsel vm11, $0x42500000, v2;
	v3 =	vsel vm12, $0x42540000, v3  }
0x296: {  	[tilespmem:$0x1FFB0] =	vst v7;
	v3 =	vsel vm10, v2, v3;
	v2 =	vsel vm10, $0x42540000, v2;
	vm10 =	vnez.u8 v50  }
0x297: {  	v56 =	vld [tilespmem:$0x1FFB0];
	v3 =	vsel vm10, $0x42580000, v3  }
0x298: {  	vm11 =	vnez.u8 v51;
	v3 =	vsel vm8, v2, v3  }
0x299: {  	v59 =	vld [tilespmem:$0x1FFC0];
	v2 =	vsel vm8, $0x42580000, v2;
	v3 =	vsel vm11, $0x425C0000, v3  }
0x29a: {  	[tilespmem:$0x1FFD0] =	vst v8;
	vm12 =	vnez.u8 v53;
	v3 =	vsel vm7, v2, v3;
	v52 =	vpop (erf)  }
0x29b: {  	v60 =	vld [tilespmem:$0x1FFD0];
	v2 =	vsel vm7, $0x425C0000, v2;
	v3 =	vsel vm12, $0x42600000, v3;
	v54 =	vpop (erf)  }
0x29c: {  	[tilespmem:$0x1FFE0] =	vst v9;
	vm7 =	vnez.u8 v56;
	v58 =	vmul.f32 $6.200000000e+01, v52;
	v3 =	vsel vm6, v2, v3;
	v55 =	vpop (erf)  }
0x29d: {  	v61 =	vld [tilespmem:$0x1FFE0];
	v2 =	vsel vm6, $0x42600000, v2;
	v3 =	vsel vm7, $0x42640000, v3;
	v57 =	vadd.f32 v55, v54  }
0x29e: {  	[tilespmem:$0x1FFF0] =	vst v5;
	vm8 =	vnez.u8 v59;
	v3 =	vsel vm5, v2, v3  }
0x29f: {  	v62 =	vld [tilespmem:$0x1FFF0];
	v2 =	vsel vm5, $0x42640000, v2;
	v3 =	vsel vm8, $0x42680000, v3;
	v7 =	vadd.f32 v57, v58  }
0x2a0: {  	vm10 =	vnez.u8 v60;
	v3 =	vsel vm4, v2, v3  }
0x2a1: {  	v2 =	vsel vm4, $0x42680000, v2;
	v3 =	vsel vm10, $0x426C0000, v3;
	(erf) = vrcp.f32 v7  }
0x2a2: {  	vm11 =	vnez.u8 v61;
	v3 =	vsel vm3, v2, v3  }
0x2a3: {  	v2 =	vsel vm3, $0x426C0000, v2;
	v3 =	vsel vm11, $0x42700000, v3  }
0x2a4: {  	vm12 =	vnez.u8 v62;
	v3 =	vsel vm2, v2, v3  }
0x2a5: {  	v2 =	vsel vm2, $0x42700000, v2;
	v3 =	vsel vm12, $0x42740000, v3  }
0x2a6: {  	v3 =	vsel vm13, v2, v3  }
0x2a7: {  	v2 =	vsel vm13, $0x42740000, v2;
	v3 =	vsel vm15, $0x42780000, v3  }
0x2a8: {  	v3 =	vsel vm14, v2, v3  }
0x2a9: {  	v2 =	vsel vm14, $0x42780000, v2;
	v3 =	vsel vm9, $0x427C0000, v3  }
0x2aa: {  	v3 =	vsel vm1, v2, v3;
	v63 =	vpop (erf)  }
0x2ab: {  	v2 =	vsel vm1, $0x427C0000, v2;
	[tilespmem:s31+$0x10200] =	vst v3;
	v3 =	vmul.f32 v63, v55  }
0x2ac: {  	[tilespmem:s31+$0x10180] =	vst v2;
	v2 =	vmul.f32 v63, v54  }
0x2ad: {  	v4 =	vmul.f32 v63, v52;
	[tilespmem:s31+$0x10080] =	vst v3  }
0x2ae: {  	[tilespmem:s31+$0x10000] =	vst v2  }
0x2af: {  	[tilespmem:s31+$0x10100] =	vst v4  }
0x2b0: {  	[hbm4b:s4+s6] =	stream.strided.scatter [tilespmem:s10], [sflag:$0x1], $0x0, s9, s6, $0x38;
	[tilespmem:$0x12000] =	vst v63  }
0x2b1: {  	_ = 	snop  }
0x2b2: {  	[hbm4b:s4+s2] =	stream.linear.scatter [tilespmem:s10], [sflag:$0x1], $0x280, $0x38;
	[tilespmem:$0x12000] =	vst v63  }
0x2b3: {  	_ = 	snop  }
0x2b4: {  	[hbm4b:s11+s2] =	stream.linear.scatter [tilespmem:s12], [sflag:$0x1], $0x280, $0x38;
	[tilespmem:$0x12000] =	vst v63  }
0x2b5: {  	_ = 	snop  }
0x2b6: {  	[hbm4b:s13+s2] =	stream.linear.scatter [tilespmem:s14], [sflag:$0x1], $0x280, $0x38;
	[tilespmem:$0x12000] =	vst v63  }
0x2b7: {  	_ = 	snop  }
0x2b8: {  	[hbm4b:s15+s2] =	stream.linear.scatter [tilespmem:s16], [sflag:$0x1], $0x280, $0x38;
	[tilespmem:$0x12000] =	vst v63  }
0x2b9: {  	_ = 	snop  }
0x2ba: {  	[hbm4b:s17+s2] =	stream.linear.scatter [tilespmem:s18], [sflag:$0x1], $0x280, $0x38;
	[tilespmem:$0x12000] =	vst v63  }
0x2bb: {  	s25 =	sadd.s32 $0x1, s25  }
0x2bc: {  	[hbm4b:s19+s2] =	stream.linear.scatter [tilespmem:s20], [sflag:$0x1], $0x280, $0x38;
	[tilespmem:$0x12000] =	vst v63  }
0x2bd: {  	p0 =	sne.s32 s25, s5  }
0x2be: {  	[hbm4b:s21+s2] =	stream.linear.scatter [tilespmem:s22], [sflag:$0x1], $0x280, $0x38;
	[tilespmem:$0x12000] =	vst v63  }
.Ltmp1:
0x2bf: {  	_ = 	snop;
	(pc) =	sbr.rel @p0 .LBB2_1-.Ltmp1, $4  }
0x2c0: {  	[hbm4b:s23+s2] =	stream.linear.scatter [tilespmem:s24], [sflag:$0x1], $0x280, $0x38;
	[tilespmem:$0x12000] =	vst v63  }
0x2c1: {  	_ =	swait.ge [sflag:s8], $0x1400  }
0x2c2: {  	[sflag:s8] =	ssyncset.done $0x0  }
0x2c3: {  	[sflag:s8] =	ssyncadd.s32 $0xFFFFEC00  }
0x2c4: {  	_ =	sfence.sel $0x180000  }
0x2c5: {  	[bflag:$0x0] =	sbarrier.arrive $0xFFFF  }
0x2c6: {  	_ =	strace $0x90000047  }
0x2c7: {  	s0 =	stileid.u32;
	[bflag:$0x2] =	sbarrier.arrive $0xFFFF  }
0x2c8: {  	p0 =	sne.s32 s0, $0x0;
	s0 =	rddreg [dreg:$0x2]  }
0x2c9: {  	s0 =	sadd.s32 @!p0 $0x100000, s0  }
0x2ca: {  	[sflag:s0] =	ssyncadd.tile.s32 @!p0 $0x1;
	_ =	shalt  }
.Lfunc_end2:
_tile_overlayer_lowered:
.L_overlay_start_2:
0x2cb: {  	(tag) =	ssettag $0x2  }
0x2cc: {  	s0 =	rddreg [dreg:$0x0];
	s2 =	stileid.u32  }
0x2cd: {  	s1 =	rddreg [dreg:$0x1];
	p0 =	sne.s32 s2, $0x0  }
0x2ce: {  	s3 =	rddreg [dreg:$0x2];
	[bflag:$0x3] =	sbarrier.arrive $0xFFFF;
	s2 =	simm.s32 @!p0 $0x1C01  }
0x2cf: {  	[timem:s3], [sflag:s2] =	dma.local @!p0 [hbm:s0], s1  }
0x2d0: {  	s0 =	simm.s32 @!p0 $0x1  }
0x2d1: {  	_ =	swait.ge @!p0 [sflag:s0], s1  }
0x2d2: {  	s1 =	ssub.s32 @!p0 $0x0, s1;
	[sflag:s0] =	ssyncset.done @!p0 $0x0  }
0x2d3: {  	[sflag:s0] =	ssyncadd.s32 @!p0 s1  }
0x2d4: {  	[bflag:$0x3] =	sbarrier.arrive $0xFFFF  }
0x2d5: {  	_ =	shalt  }

</sc_bundles>
